<compile_context>
chip_gen: v7x
topology: tpu7x:2x2x1
jax: 0.10.2.dev20260603
libtpu: 0.0.44.dev20260713+nightly
codegen_flags: <defaults>
</compile_context>

<pallas_src>
import functools

import jax
import jax.numpy as jnp
from jax import lax
from jax.experimental import pallas as pl
from jax.experimental.pallas import tpu as pltpu
from jax.experimental.pallas import tpu_sc as plsc

L_EDGES = 16384
LANES = 16
IBLK = 128


def _make_gather_kernel():
    info = plsc.get_sparse_core_info()
    nc, ns = info.num_cores, info.num_subcores
    nw = nc * ns
    chunk = L_EDGES // nw
    q_per_w = chunk // IBLK

    @functools.partial(
        pl.kernel,
        mesh=plsc.VectorSubcoreMesh(core_axis_name="c", subcore_axis_name="s"),
        compiler_params=pltpu.CompilerParams(use_tc_tiling_on_sc=False),
        out_type=jax.ShapeDtypeStruct((12, nw, chunk, LANES), jnp.float32),
        scratch_types=[
            pltpu.VMEM((12, chunk), jnp.int32),
            pltpu.VMEM((12, chunk, LANES), jnp.float32),
            pltpu.SemaphoreType.DMA,
        ],
    )
    def gather_kernel(rows_hbm, rs_hbm, ss_hbm, ps_hbm, phi_hbm,
                      out_hbm, ridx_v, g_v, sem):
        wid = lax.axis_index("s") * nc + lax.axis_index("c")

        loads = [
            pltpu.async_copy(
                rows_hbm.at[r, pl.ds(wid * chunk, chunk)], ridx_v.at[r], sem)
            for r in range(12)
        ]
        for cp in loads:
            cp.wait()

        tbls = (rs_hbm, rs_hbm, ss_hbm, ss_hbm, ps_hbm, ps_hbm,
                phi_hbm, phi_hbm, phi_hbm, phi_hbm, phi_hbm, phi_hbm)
        gathers = [
            pltpu.async_copy(tbls[r].at[ridx_v.at[r]], g_v.at[r], sem)
            for r in range(12)
        ]
        for cp in gathers:
            cp.wait()

        stores = [
            pltpu.async_copy(g_v.at[r], out_hbm.at[r, wid], sem)
            for r in range(12)
        ]
        for cp in stores:
            cp.wait()

    return gather_kernel


def _elbo_body(params_ref, w_ref, lanes_ref, g_ref, out_ref):
    eps = 1e-12
    R = params_ref[0]
    inv2T = params_ref[1]
    alpha = params_ref[2]
    log_norm = params_ref[3]
    klt = params_ref[4]

    lanes = lanes_ref[...]
    rows = g_ref[...]
    onehot = lanes[:, None, :] == lax.broadcasted_iota(
        jnp.int32, rows.shape, 1)
    g = jnp.sum(jnp.where(onehot, rows, 0.0), axis=1)

    r1_raw = g[0]
    r2_raw = g[1]
    s1_raw = g[2]
    s2_raw = g[3]
    p1_raw = g[4]
    p2_raw = g[5]
    m1x, m1y, m1z = g[6], g[7], g[8]
    m2x, m2y, m2z = g[9], g[10], g[11]

    r_i = R / (1.0 + jnp.exp(-r1_raw))
    r_j = R / (1.0 + jnp.exp(-r2_raw))

    n1 = jnp.sqrt(m1x * m1x + m1y * m1y + m1z * m1z) + eps
    n2 = jnp.sqrt(m2x * m2x + m2y * m2y + m2z * m2z) + eps
    dot = m1x * m2x + m1y * m2y + m1z * m2z
    cos_dphi = jnp.clip(dot / (n1 * n2), -1.0, 1.0)

    e_i = jnp.exp(r_i)
    e_j = jnp.exp(r_j)
    ei_inv = 1.0 / e_i
    ej_inv = 1.0 / e_j
    cosh_i = 0.5 * (e_i + ei_inv)
    sinh_i = 0.5 * (e_i - ei_inv)
    cosh_j = 0.5 * (e_j + ej_inv)
    sinh_j = 0.5 * (e_j - ej_inv)

    ch = cosh_i * cosh_j - sinh_i * sinh_j * cos_dphi
    ch = jnp.maximum(ch, 1.0 + 1e-7)
    d = jnp.log(ch + jnp.sqrt(ch * ch - 1.0))

    u = (d - R) * inv2T
    p = 1.0 / (1.0 + jnp.exp(u))
    p = jnp.clip(p, eps, 1.0 - eps)
    edges = jnp.where(w_ref[...] > 0, 1.0, 0.0)

    ea_i = jnp.exp(alpha * r_i)
    ea_j = jnp.exp(alpha * r_j)
    sinh_ai = 0.5 * (ea_i - 1.0 / ea_i)
    sinh_aj = 0.5 * (ea_j - 1.0 / ea_j)
    log_r_i = jnp.log(alpha * sinh_ai + eps) - log_norm
    log_r_j = jnp.log(alpha * sinh_aj + eps) - log_norm

    s_i = jnp.exp(s1_raw) + jnp.exp(p1_raw)
    s_j = jnp.exp(s2_raw) + jnp.exp(p2_raw)

    ll = (edges * jnp.log(p) + (1.0 - edges) * jnp.log1p(-p)
          + log_r_i + log_r_j - 1e-3 * (s_i + s_j) - klt)
    out_ref[...] = ll


def kernel(idx1, idx2, weights, rs_loc, rs_scale, phis_loc, phis_scale,
           R_loc, R_scale, T, alpha_loc, alpha_scale):
    eps = 1e-12

    i1 = idx1.astype(jnp.int32)
    i2 = idx2.astype(jnp.int32)
    gidx = jnp.stack([i1, i2, i1, i2, i1, i2,
                      i1 * 3, i1 * 3 + 1, i1 * 3 + 2,
                      i2 * 3, i2 * 3 + 1, i2 * 3 + 2])
    rows = lax.shift_right_logical(gidx, 4)
    lanes = jnp.bitwise_and(gidx, 15)

    gathered = _make_gather_kernel()(
        rows,
        rs_loc.reshape(-1, LANES), rs_scale.reshape(-1, LANES),
        phis_scale.reshape(-1, LANES), phis_loc.reshape(-1, LANES))
    gathered = gathered.reshape(12, L_EDGES, LANES).transpose(0, 2, 1)

    R = jnp.exp(R_loc)
    T_x = jnp.exp(T)
    T_s = T_x[0] / (T_x[0] + T_x[1])
    alpha = jnp.exp(alpha_loc)
    log_norm = jnp.log(jnp.cosh(alpha * R) - 1.0 + eps)
    kl_glob = (0.5 * (R_loc ** 2 + jnp.exp(R_scale) ** 2)
               + 0.5 * (alpha_loc ** 2 + jnp.exp(alpha_scale) ** 2))
    params = jnp.stack([R, 1.0 / (2.0 * T_s + eps), alpha, log_norm,
                        kl_glob / L_EDGES, 0.0, 0.0, 0.0])

    return pl.pallas_call(
        _elbo_body,
        out_shape=jax.ShapeDtypeStruct((L_EDGES,), jnp.float32),
        in_specs=[
            pl.BlockSpec(memory_space=pltpu.SMEM),
            pl.BlockSpec(memory_space=pltpu.VMEM),
            pl.BlockSpec(memory_space=pltpu.VMEM),
            pl.BlockSpec(memory_space=pltpu.VMEM),
        ],
    )(params, weights, lanes, gathered)

# --- scband reference (transcript-rebuilt; emitter-appended) ---
"""Pipeline reference for scband-vi-hrg-6201932776051 (READ-ONLY COPY).

The authoritative reference and input builder live on the scoring server;
editing this copy changes nothing except your own understanding.
"""

import jax, jax.numpy as jnp
import numpy as np

N = 1000000
L = 16384

def setup_inputs(seed: int = 0):
    key = jax.random.key(seed)
    ks = jax.random.split(key, 8)
    return {
        "idx1": jax.random.randint(ks[0], (L,), 0, N),
        "idx2": jax.random.randint(ks[1], (L,), 0, N),
        "weights": jax.random.normal(ks[2], (L,), dtype=jnp.float32),
        "rs_loc": jax.random.normal(ks[3], (N,), dtype=jnp.float32),
        "rs_scale": 0.1 * jax.random.normal(ks[4], (N,), dtype=jnp.float32),
        "phis_loc": jax.random.normal(ks[5], (N, 3), dtype=jnp.float32),
        "phis_scale": 0.1 * jax.random.normal(ks[6], (N,), dtype=jnp.float32),
        "R_loc": jnp.float32(1.0),
        "R_scale": jnp.float32(-1.0),
        "T": jnp.array([0.5, 0.5], dtype=jnp.float32),
        "alpha_loc": jnp.float32(0.1),
        "alpha_scale": jnp.float32(-1.0),
    }

def _elbo(weights, rs_loc, rs_scale, phis_loc, phis_scale, R_loc, R_scale, T, alpha_loc, alpha_scale, idx1, idx2):
    eps = 1e-12
    R = jnp.exp(R_loc)
    T_x = jnp.exp(T)
    T_s = T_x[0] / (T_x[0] + T_x[1])
    alpha = jnp.exp(alpha_loc)
    # embedding-style gathers of per-node variational parameters
    r_i = jax.nn.sigmoid(jnp.take(rs_loc, idx1, axis=0)) * R
    r_j = jax.nn.sigmoid(jnp.take(rs_loc, idx2, axis=0)) * R
    mu_i = jnp.take(phis_loc, idx1, axis=0)
    mu_j = jnp.take(phis_loc, idx2, axis=0)
    mu_i = mu_i / (jnp.linalg.norm(mu_i, axis=-1, keepdims=True) + eps)
    mu_j = mu_j / (jnp.linalg.norm(mu_j, axis=-1, keepdims=True) + eps)
    cos_dphi = jnp.clip(jnp.sum(mu_i * mu_j, axis=-1), -1.0, 1.0)
    # hyperbolic distance: arcosh(cosh r_i cosh r_j - sinh r_i sinh r_j cos(dphi))
    ch = jnp.cosh(r_i) * jnp.cosh(r_j) - jnp.sinh(r_i) * jnp.sinh(r_j) * cos_dphi
    ch = jnp.clip(ch, 1.0 + 1e-7, None)
    d = jnp.log(ch + jnp.sqrt(ch * ch - 1.0))
    # Fermi-Dirac edge probability
    p = 1.0 / (1.0 + jnp.exp((d - R) / (2.0 * T_s + eps)))
    p = jnp.clip(p, eps, 1.0 - eps)
    edges = jnp.where(weights > 0, 1.0, 0.0)
    # radius density terms: log(alpha sinh(alpha r)) - log(cosh(alpha R) - 1)
    log_norm = jnp.log(jnp.cosh(alpha * R) - 1.0 + eps)
    log_r_i = jnp.log(alpha * jnp.sinh(alpha * r_i) + eps) - log_norm
    log_r_j = jnp.log(alpha * jnp.sinh(alpha * r_j) + eps) - log_norm
    s_i = jnp.exp(jnp.take(rs_scale, idx1, axis=0)) + jnp.exp(jnp.take(phis_scale, idx1, axis=0))
    s_j = jnp.exp(jnp.take(rs_scale, idx2, axis=0)) + jnp.exp(jnp.take(phis_scale, idx2, axis=0))
    kl_glob = 0.5 * (R_loc ** 2 + jnp.exp(R_scale) ** 2) + 0.5 * (alpha_loc ** 2 + jnp.exp(alpha_scale) ** 2)
    ll = edges * jnp.log(p) + (1.0 - edges) * jnp.log1p(-p) + log_r_i + log_r_j - 1e-3 * (s_i + s_j) - kl_glob / weights.shape[0]
    return ll

def reference(idx1, idx2, weights, rs_loc, rs_scale, phis_loc, phis_scale, R_loc, R_scale, T, alpha_loc, alpha_scale):
    return _elbo(weights, rs_loc, rs_scale, phis_loc, phis_scale, R_loc, R_scale, T, alpha_loc, alpha_scale, idx1, idx2)

if __name__ == "__main__":
    import jax
    _d = setup_inputs()
    print(jax.jit(kernel)(*tuple(_d.values())))

</pallas_src>

<mosaic_0001>
#map = affine_map<(d0, d1) -> (0, 0)>
#map1 = affine_map<(d0, d1) -> (0, 0, 0, 0)>
module attributes {stable_mosaic.version = 14 : i64} {
  func.func @gather_kernel(%arg0: i32, %arg1: i32, %arg2: memref<12x16384xi32, #tpu.memory_space<hbm>>, %arg3: memref<62500x16xf32, #tpu.memory_space<hbm>>, %arg4: memref<62500x16xf32, #tpu.memory_space<hbm>>, %arg5: memref<62500x16xf32, #tpu.memory_space<hbm>>, %arg6: memref<187500x16xf32, #tpu.memory_space<hbm>>, %arg7: memref<12x32x512x16xf32, #tpu.memory_space<hbm>>, %arg8: memref<12x512xi32, #tpu.memory_space<vmem>>, %arg9: memref<12x512x16xf32, #tpu.memory_space<vmem>>, %arg10: memref<!tpu.dma_semaphore, #tpu.memory_space<semaphore_mem>>) attributes {dimension_semantics = [#tpu.dimension_semantics<core_parallel>, #tpu.dimension_semantics<subcore_parallel>], iteration_bounds = array<i64: 2, 16>, scalar_prefetch = 0 : i64, scratch_operands = 3 : i64, tpu.core_type = #tpu.core_type<sc_vector_subcore>, window_params = [{transform_indices = #map}, {transform_indices = #map}, {transform_indices = #map}, {transform_indices = #map}, {transform_indices = #map}, {transform_indices = #map1}]} {
    %mul3A = arith.constant 2 : i32
    %mul3A_0 = arith.muli %arg1, %mul3A : i32
    %add3A = arith.addi %mul3A_0, %arg0 : i32
    %mul3A_1 = arith.constant 512 : i32
    %mul3A_2 = arith.muli %add3A, %mul3A_1 : i32
    %dma_start3A = arith.constant 0 : i32
    %dma_start3A_3 = arith.constant 0 : i32
    %dma_start3A_4 = arith.constant 0 : i32
    %dma_start3A_5 = tpu.memref_slice %arg8[%dma_start3A_3, %dma_start3A_4] : memref<12x512xi32, #tpu.memory_space<vmem>> -> memref<1x512xi32, #tpu.memory_space<vmem>>
    %dma_start3A_6 = tpu.memref_squeeze %dma_start3A_5 : memref<1x512xi32, #tpu.memory_space<vmem>> -> memref<512xi32, #tpu.memory_space<vmem>>
    %dma_start3A_7 = tpu.memref_slice %arg2[%dma_start3A, %mul3A_2] : memref<12x16384xi32, #tpu.memory_space<hbm>> -> memref<1x512xi32, #tpu.memory_space<hbm>>
    %dma_start3A_8 = tpu.memref_squeeze %dma_start3A_7 : memref<1x512xi32, #tpu.memory_space<hbm>> -> memref<512xi32, #tpu.memory_space<hbm>>
    %dma_start3A_9 = arith.constant 0 : i32
    %dma_start3A_10 = tpu.memref_slice %arg8[%dma_start3A_3, %dma_start3A_9] : memref<12x512xi32, #tpu.memory_space<vmem>> -> memref<1x512xi32, #tpu.memory_space<vmem>>
    %dma_start3A_11 = tpu.memref_squeeze %dma_start3A_10 : memref<1x512xi32, #tpu.memory_space<vmem>> -> memref<512xi32, #tpu.memory_space<vmem>>
    %dma_start3A_12 = tpu.memref_slice %arg2[%dma_start3A, %mul3A_2] : memref<12x16384xi32, #tpu.memory_space<hbm>> -> memref<1x512xi32, #tpu.memory_space<hbm>>
    %dma_start3A_13 = tpu.memref_squeeze %dma_start3A_12 : memref<1x512xi32, #tpu.memory_space<hbm>> -> memref<512xi32, #tpu.memory_space<hbm>>
    tpu.enqueue_dma source(%dma_start3A_13 : memref<512xi32, #tpu.memory_space<hbm>>) target(%dma_start3A_11 : memref<512xi32, #tpu.memory_space<vmem>>) target_semaphore(%arg10 : memref<!tpu.dma_semaphore, #tpu.memory_space<semaphore_mem>>)
    %mul3A_14 = arith.constant 512 : i32
    %mul3A_15 = arith.muli %add3A, %mul3A_14 : i32
    %dma_start3A_16 = arith.constant 1 : i32
    %dma_start3A_17 = arith.constant 1 : i32
    %dma_start3A_18 = arith.constant 0 : i32
    %dma_start3A_19 = tpu.memref_slice %arg8[%dma_start3A_17, %dma_start3A_18] : memref<12x512xi32, #tpu.memory_space<vmem>> -> memref<1x512xi32, #tpu.memory_space<vmem>>
    %dma_start3A_20 = tpu.memref_squeeze %dma_start3A_19 : memref<1x512xi32, #tpu.memory_space<vmem>> -> memref<512xi32, #tpu.memory_space<vmem>>
    %dma_start3A_21 = tpu.memref_slice %arg2[%dma_start3A_16, %mul3A_15] : memref<12x16384xi32, #tpu.memory_space<hbm>> -> memref<1x512xi32, #tpu.memory_space<hbm>>
    %dma_start3A_22 = tpu.memref_squeeze %dma_start3A_21 : memref<1x512xi32, #tpu.memory_space<hbm>> -> memref<512xi32, #tpu.memory_space<hbm>>
    %dma_start3A_23 = arith.constant 0 : i32
    %dma_start3A_24 = tpu.memref_slice %arg8[%dma_start3A_17, %dma_start3A_23] : memref<12x512xi32, #tpu.memory_space<vmem>> -> memref<1x512xi32, #tpu.memory_space<vmem>>
    %dma_start3A_25 = tpu.memref_squeeze %dma_start3A_24 : memref<1x512xi32, #tpu.memory_space<vmem>> -> memref<512xi32, #tpu.memory_space<vmem>>
    %dma_start3A_26 = tpu.memref_slice %arg2[%dma_start3A_16, %mul3A_15] : memref<12x16384xi32, #tpu.memory_space<hbm>> -> memref<1x512xi32, #tpu.memory_space<hbm>>
    %dma_start3A_27 = tpu.memref_squeeze %dma_start3A_26 : memref<1x512xi32, #tpu.memory_space<hbm>> -> memref<512xi32, #tpu.memory_space<hbm>>
    tpu.enqueue_dma source(%dma_start3A_27 : memref<512xi32, #tpu.memory_space<hbm>>) target(%dma_start3A_25 : memref<512xi32, #tpu.memory_space<vmem>>) target_semaphore(%arg10 : memref<!tpu.dma_semaphore, #tpu.memory_space<semaphore_mem>>)
    %mul3A_28 = arith.constant 512 : i32
    %mul3A_29 = arith.muli %add3A, %mul3A_28 : i32
    %dma_start3A_30 = arith.constant 2 : i32
    %dma_start3A_31 = arith.constant 2 : i32
    %dma_start3A_32 = arith.constant 0 : i32
    %dma_start3A_33 = tpu.memref_slice %arg8[%dma_start3A_31, %dma_start3A_32] : memref<12x512xi32, #tpu.memory_space<vmem>> -> memref<1x512xi32, #tpu.memory_space<vmem>>
    %dma_start3A_34 = tpu.memref_squeeze %dma_start3A_33 : memref<1x512xi32, #tpu.memory_space<vmem>> -> memref<512xi32, #tpu.memory_space<vmem>>
    %dma_start3A_35 = tpu.memref_slice %arg2[%dma_start3A_30, %mul3A_29] : memref<12x16384xi32, #tpu.memory_space<hbm>> -> memref<1x512xi32, #tpu.memory_space<hbm>>
    %dma_start3A_36 = tpu.memref_squeeze %dma_start3A_35 : memref<1x512xi32, #tpu.memory_space<hbm>> -> memref<512xi32, #tpu.memory_space<hbm>>
    %dma_start3A_37 = arith.constant 0 : i32
    %dma_start3A_38 = tpu.memref_slice %arg8[%dma_start3A_31, %dma_start3A_37] : memref<12x512xi32, #tpu.memory_space<vmem>> -> memref<1x512xi32, #tpu.memory_space<vmem>>
    %dma_start3A_39 = tpu.memref_squeeze %dma_start3A_38 : memref<1x512xi32, #tpu.memory_space<vmem>> -> memref<512xi32, #tpu.memory_space<vmem>>
    %dma_start3A_40 = tpu.memref_slice %arg2[%dma_start3A_30, %mul3A_29] : memref<12x16384xi32, #tpu.memory_space<hbm>> -> memref<1x512xi32, #tpu.memory_space<hbm>>
    %dma_start3A_41 = tpu.memref_squeeze %dma_start3A_40 : memref<1x512xi32, #tpu.memory_space<hbm>> -> memref<512xi32, #tpu.memory_space<hbm>>
    tpu.enqueue_dma source(%dma_start3A_41 : memref<512xi32, #tpu.memory_space<hbm>>) target(%dma_start3A_39 : memref<512xi32, #tpu.memory_space<vmem>>) target_semaphore(%arg10 : memref<!tpu.dma_semaphore, #tpu.memory_space<semaphore_mem>>)
    %mul3A_42 = arith.constant 512 : i32
    %mul3A_43 = arith.muli %add3A, %mul3A_42 : i32
    %dma_start3A_44 = arith.constant 3 : i32
    %dma_start3A_45 = arith.constant 3 : i32
    %dma_start3A_46 = arith.constant 0 : i32
    %dma_start3A_47 = tpu.memref_slice %arg8[%dma_start3A_45, %dma_start3A_46] : memref<12x512xi32, #tpu.memory_space<vmem>> -> memref<1x512xi32, #tpu.memory_space<vmem>>
    %dma_start3A_48 = tpu.memref_squeeze %dma_start3A_47 : memref<1x512xi32, #tpu.memory_space<vmem>> -> memref<512xi32, #tpu.memory_space<vmem>>
    %dma_start3A_49 = tpu.memref_slice %arg2[%dma_start3A_44, %mul3A_43] : memref<12x16384xi32, #tpu.memory_space<hbm>> -> memref<1x512xi32, #tpu.memory_space<hbm>>
    %dma_start3A_50 = tpu.memref_squeeze %dma_start3A_49 : memref<1x512xi32, #tpu.memory_space<hbm>> -> memref<512xi32, #tpu.memory_space<hbm>>
    %dma_start3A_51 = arith.constant 0 : i32
    %dma_start3A_52 = tpu.memref_slice %arg8[%dma_start3A_45, %dma_start3A_51] : memref<12x512xi32, #tpu.memory_space<vmem>> -> memref<1x512xi32, #tpu.memory_space<vmem>>
    %dma_start3A_53 = tpu.memref_squeeze %dma_start3A_52 : memref<1x512xi32, #tpu.memory_space<vmem>> -> memref<512xi32, #tpu.memory_space<vmem>>
    %dma_start3A_54 = tpu.memref_slice %arg2[%dma_start3A_44, %mul3A_43] : memref<12x16384xi32, #tpu.memory_space<hbm>> -> memref<1x512xi32, #tpu.memory_space<hbm>>
    %dma_start3A_55 = tpu.memref_squeeze %dma_start3A_54 : memref<1x512xi32, #tpu.memory_space<hbm>> -> memref<512xi32, #tpu.memory_space<hbm>>
    tpu.enqueue_dma source(%dma_start3A_55 : memref<512xi32, #tpu.memory_space<hbm>>) target(%dma_start3A_53 : memref<512xi32, #tpu.memory_space<vmem>>) target_semaphore(%arg10 : memref<!tpu.dma_semaphore, #tpu.memory_space<semaphore_mem>>)
    %mul3A_56 = arith.constant 512 : i32
    %mul3A_57 = arith.muli %add3A, %mul3A_56 : i32
    %dma_start3A_58 = arith.constant 4 : i32
    %dma_start3A_59 = arith.constant 4 : i32
    %dma_start3A_60 = arith.constant 0 : i32
    %dma_start3A_61 = tpu.memref_slice %arg8[%dma_start3A_59, %dma_start3A_60] : memref<12x512xi32, #tpu.memory_space<vmem>> -> memref<1x512xi32, #tpu.memory_space<vmem>>
    %dma_start3A_62 = tpu.memref_squeeze %dma_start3A_61 : memref<1x512xi32, #tpu.memory_space<vmem>> -> memref<512xi32, #tpu.memory_space<vmem>>
    %dma_start3A_63 = tpu.memref_slice %arg2[%dma_start3A_58, %mul3A_57] : memref<12x16384xi32, #tpu.memory_space<hbm>> -> memref<1x512xi32, #tpu.memory_space<hbm>>
    %dma_start3A_64 = tpu.memref_squeeze %dma_start3A_63 : memref<1x512xi32, #tpu.memory_space<hbm>> -> memref<512xi32, #tpu.memory_space<hbm>>
    %dma_start3A_65 = arith.constant 0 : i32
    %dma_start3A_66 = tpu.memref_slice %arg8[%dma_start3A_59, %dma_start3A_65] : memref<12x512xi32, #tpu.memory_space<vmem>> -> memref<1x512xi32, #tpu.memory_space<vmem>>
    %dma_start3A_67 = tpu.memref_squeeze %dma_start3A_66 : memref<1x512xi32, #tpu.memory_space<vmem>> -> memref<512xi32, #tpu.memory_space<vmem>>
    %dma_start3A_68 = tpu.memref_slice %arg2[%dma_start3A_58, %mul3A_57] : memref<12x16384xi32, #tpu.memory_space<hbm>> -> memref<1x512xi32, #tpu.memory_space<hbm>>
    %dma_start3A_69 = tpu.memref_squeeze %dma_start3A_68 : memref<1x512xi32, #tpu.memory_space<hbm>> -> memref<512xi32, #tpu.memory_space<hbm>>
    tpu.enqueue_dma source(%dma_start3A_69 : memref<512xi32, #tpu.memory_space<hbm>>) target(%dma_start3A_67 : memref<512xi32, #tpu.memory_space<vmem>>) target_semaphore(%arg10 : memref<!tpu.dma_semaphore, #tpu.memory_space<semaphore_mem>>)
    %mul3A_70 = arith.constant 512 : i32
    %mul3A_71 = arith.muli %add3A, %mul3A_70 : i32
    %dma_start3A_72 = arith.constant 5 : i32
    %dma_start3A_73 = arith.constant 5 : i32
    %dma_start3A_74 = arith.constant 0 : i32
    %dma_start3A_75 = tpu.memref_slice %arg8[%dma_start3A_73, %dma_start3A_74] : memref<12x512xi32, #tpu.memory_space<vmem>> -> memref<1x512xi32, #tpu.memory_space<vmem>>
    %dma_start3A_76 = tpu.memref_squeeze %dma_start3A_75 : memref<1x512xi32, #tpu.memory_space<vmem>> -> memref<512xi32, #tpu.memory_space<vmem>>
    %dma_start3A_77 = tpu.memref_slice %arg2[%dma_start3A_72, %mul3A_71] : memref<12x16384xi32, #tpu.memory_space<hbm>> -> memref<1x512xi32, #tpu.memory_space<hbm>>
    %dma_start3A_78 = tpu.memref_squeeze %dma_start3A_77 : memref<1x512xi32, #tpu.memory_space<hbm>> -> memref<512xi32, #tpu.memory_space<hbm>>
    %dma_start3A_79 = arith.constant 0 : i32
    %dma_start3A_80 = tpu.memref_slice %arg8[%dma_start3A_73, %dma_start3A_79] : memref<12x512xi32, #tpu.memory_space<vmem>> -> memref<1x512xi32, #tpu.memory_space<vmem>>
    %dma_start3A_81 = tpu.memref_squeeze %dma_start3A_80 : memref<1x512xi32, #tpu.memory_space<vmem>> -> memref<512xi32, #tpu.memory_space<vmem>>
    %dma_start3A_82 = tpu.memref_slice %arg2[%dma_start3A_72, %mul3A_71] : memref<12x16384xi32, #tpu.memory_space<hbm>> -> memref<1x512xi32, #tpu.memory_space<hbm>>
    %dma_start3A_83 = tpu.memref_squeeze %dma_start3A_82 : memref<1x512xi32, #tpu.memory_space<hbm>> -> memref<512xi32, #tpu.memory_space<hbm>>
    tpu.enqueue_dma source(%dma_start3A_83 : memref<512xi32, #tpu.memory_space<hbm>>) target(%dma_start3A_81 : memref<512xi32, #tpu.memory_space<vmem>>) target_semaphore(%arg10 : memref<!tpu.dma_semaphore, #tpu.memory_space<semaphore_mem>>)
    %mul3A_84 = arith.constant 512 : i32
    %mul3A_85 = arith.muli %add3A, %mul3A_84 : i32
    %dma_start3A_86 = arith.constant 6 : i32
    %dma_start3A_87 = arith.constant 6 : i32
    %dma_start3A_88 = arith.constant 0 : i32
    %dma_start3A_89 = tpu.memref_slice %arg8[%dma_start3A_87, %dma_start3A_88] : memref<12x512xi32, #tpu.memory_space<vmem>> -> memref<1x512xi32, #tpu.memory_space<vmem>>
    %dma_start3A_90 = tpu.memref_squeeze %dma_start3A_89 : memref<1x512xi32, #tpu.memory_space<vmem>> -> memref<512xi32, #tpu.memory_space<vmem>>
    %dma_start3A_91 = tpu.memref_slice %arg2[%dma_start3A_86, %mul3A_85] : memref<12x16384xi32, #tpu.memory_space<hbm>> -> memref<1x512xi32, #tpu.memory_space<hbm>>
    %dma_start3A_92 = tpu.memref_squeeze %dma_start3A_91 : memref<1x512xi32, #tpu.memory_space<hbm>> -> memref<512xi32, #tpu.memory_space<hbm>>
    %dma_start3A_93 = arith.constant 0 : i32
    %dma_start3A_94 = tpu.memref_slice %arg8[%dma_start3A_87, %dma_start3A_93] : memref<12x512xi32, #tpu.memory_space<vmem>> -> memref<1x512xi32, #tpu.memory_space<vmem>>
    %dma_start3A_95 = tpu.memref_squeeze %dma_start3A_94 : memref<1x512xi32, #tpu.memory_space<vmem>> -> memref<512xi32, #tpu.memory_space<vmem>>
    %dma_start3A_96 = tpu.memref_slice %arg2[%dma_start3A_86, %mul3A_85] : memref<12x16384xi32, #tpu.memory_space<hbm>> -> memref<1x512xi32, #tpu.memory_space<hbm>>
    %dma_start3A_97 = tpu.memref_squeeze %dma_start3A_96 : memref<1x512xi32, #tpu.memory_space<hbm>> -> memref<512xi32, #tpu.memory_space<hbm>>
    tpu.enqueue_dma source(%dma_start3A_97 : memref<512xi32, #tpu.memory_space<hbm>>) target(%dma_start3A_95 : memref<512xi32, #tpu.memory_space<vmem>>) target_semaphore(%arg10 : memref<!tpu.dma_semaphore, #tpu.memory_space<semaphore_mem>>)
    %mul3A_98 = arith.constant 512 : i32
    %mul3A_99 = arith.muli %add3A, %mul3A_98 : i32
    %dma_start3A_100 = arith.constant 7 : i32
    %dma_start3A_101 = arith.constant 7 : i32
    %dma_start3A_102 = arith.constant 0 : i32
    %dma_start3A_103 = tpu.memref_slice %arg8[%dma_start3A_101, %dma_start3A_102] : memref<12x512xi32, #tpu.memory_space<vmem>> -> memref<1x512xi32, #tpu.memory_space<vmem>>
    %dma_start3A_104 = tpu.memref_squeeze %dma_start3A_103 : memref<1x512xi32, #tpu.memory_space<vmem>> -> memref<512xi32, #tpu.memory_space<vmem>>
    %dma_start3A_105 = tpu.memref_slice %arg2[%dma_start3A_100, %mul3A_99] : memref<12x16384xi32, #tpu.memory_space<hbm>> -> memref<1x512xi32, #tpu.memory_space<hbm>>
    %dma_start3A_106 = tpu.memref_squeeze %dma_start3A_105 : memref<1x512xi32, #tpu.memory_space<hbm>> -> memref<512xi32, #tpu.memory_space<hbm>>
    %dma_start3A_107 = arith.constant 0 : i32
    %dma_start3A_108 = tpu.memref_slice %arg8[%dma_start3A_101, %dma_start3A_107] : memref<12x512xi32, #tpu.memory_space<vmem>> -> memref<1x512xi32, #tpu.memory_space<vmem>>
    %dma_start3A_109 = tpu.memref_squeeze %dma_start3A_108 : memref<1x512xi32, #tpu.memory_space<vmem>> -> memref<512xi32, #tpu.memory_space<vmem>>
    %dma_start3A_110 = tpu.memref_slice %arg2[%dma_start3A_100, %mul3A_99] : memref<12x16384xi32, #tpu.memory_space<hbm>> -> memref<1x512xi32, #tpu.memory_space<hbm>>
    %dma_start3A_111 = tpu.memref_squeeze %dma_start3A_110 : memref<1x512xi32, #tpu.memory_space<hbm>> -> memref<512xi32, #tpu.memory_space<hbm>>
    tpu.enqueue_dma source(%dma_start3A_111 : memref<512xi32, #tpu.memory_space<hbm>>) target(%dma_start3A_109 : memref<512xi32, #tpu.memory_space<vmem>>) target_semaphore(%arg10 : memref<!tpu.dma_semaphore, #tpu.memory_space<semaphore_mem>>)
    %mul3A_112 = arith.constant 512 : i32
    %mul3A_113 = arith.muli %add3A, %mul3A_112 : i32
    %dma_start3A_114 = arith.constant 8 : i32
    %dma_start3A_115 = arith.constant 8 : i32
    %dma_start3A_116 = arith.constant 0 : i32
    %dma_start3A_117 = tpu.memref_slice %arg8[%dma_start3A_115, %dma_start3A_116] : memref<12x512xi32, #tpu.memory_space<vmem>> -> memref<1x512xi32, #tpu.memory_space<vmem>>
    %dma_start3A_118 = tpu.memref_squeeze %dma_start3A_117 : memref<1x512xi32, #tpu.memory_space<vmem>> -> memref<512xi32, #tpu.memory_space<vmem>>
    %dma_start3A_119 = tpu.memref_slice %arg2[%dma_start3A_114, %mul3A_113] : memref<12x16384xi32, #tpu.memory_space<hbm>> -> memref<1x512xi32, #tpu.memory_space<hbm>>
    %dma_start3A_120 = tpu.memref_squeeze %dma_start3A_119 : memref<1x512xi32, #tpu.memory_space<hbm>> -> memref<512xi32, #tpu.memory_space<hbm>>
    %dma_start3A_121 = arith.constant 0 : i32
    %dma_start3A_122 = tpu.memref_slice %arg8[%dma_start3A_115, %dma_start3A_121] : memref<12x512xi32, #tpu.memory_space<vmem>> -> memref<1x512xi32, #tpu.memory_space<vmem>>
    %dma_start3A_123 = tpu.memref_squeeze %dma_start3A_122 : memref<1x512xi32, #tpu.memory_space<vmem>> -> memref<512xi32, #tpu.memory_space<vmem>>
    %dma_start3A_124 = tpu.memref_slice %arg2[%dma_start3A_114, %mul3A_113] : memref<12x16384xi32, #tpu.memory_space<hbm>> -> memref<1x512xi32, #tpu.memory_space<hbm>>
    %dma_start3A_125 = tpu.memref_squeeze %dma_start3A_124 : memref<1x512xi32, #tpu.memory_space<hbm>> -> memref<512xi32, #tpu.memory_space<hbm>>
    tpu.enqueue_dma source(%dma_start3A_125 : memref<512xi32, #tpu.memory_space<hbm>>) target(%dma_start3A_123 : memref<512xi32, #tpu.memory_space<vmem>>) target_semaphore(%arg10 : memref<!tpu.dma_semaphore, #tpu.memory_space<semaphore_mem>>)
    %mul3A_126 = arith.constant 512 : i32
    %mul3A_127 = arith.muli %add3A, %mul3A_126 : i32
    %dma_start3A_128 = arith.constant 9 : i32
    %dma_start3A_129 = arith.constant 9 : i32
    %dma_start3A_130 = arith.constant 0 : i32
    %dma_start3A_131 = tpu.memref_slice %arg8[%dma_start3A_129, %dma_start3A_130] : memref<12x512xi32, #tpu.memory_space<vmem>> -> memref<1x512xi32, #tpu.memory_space<vmem>>
    %dma_start3A_132 = tpu.memref_squeeze %dma_start3A_131 : memref<1x512xi32, #tpu.memory_space<vmem>> -> memref<512xi32, #tpu.memory_space<vmem>>
    %dma_start3A_133 = tpu.memref_slice %arg2[%dma_start3A_128, %mul3A_127] : memref<12x16384xi32, #tpu.memory_space<hbm>> -> memref<1x512xi32, #tpu.memory_space<hbm>>
    %dma_start3A_134 = tpu.memref_squeeze %dma_start3A_133 : memref<1x512xi32, #tpu.memory_space<hbm>> -> memref<512xi32, #tpu.memory_space<hbm>>
    %dma_start3A_135 = arith.constant 0 : i32
    %dma_start3A_136 = tpu.memref_slice %arg8[%dma_start3A_129, %dma_start3A_135] : memref<12x512xi32, #tpu.memory_space<vmem>> -> memref<1x512xi32, #tpu.memory_space<vmem>>
    %dma_start3A_137 = tpu.memref_squeeze %dma_start3A_136 : memref<1x512xi32, #tpu.memory_space<vmem>> -> memref<512xi32, #tpu.memory_space<vmem>>
    %dma_start3A_138 = tpu.memref_slice %arg2[%dma_start3A_128, %mul3A_127] : memref<12x16384xi32, #tpu.memory_space<hbm>> -> memref<1x512xi32, #tpu.memory_space<hbm>>
    %dma_start3A_139 = tpu.memref_squeeze %dma_start3A_138 : memref<1x512xi32, #tpu.memory_space<hbm>> -> memref<512xi32, #tpu.memory_space<hbm>>
    tpu.enqueue_dma source(%dma_start3A_139 : memref<512xi32, #tpu.memory_space<hbm>>) target(%dma_start3A_137 : memref<512xi32, #tpu.memory_space<vmem>>) target_semaphore(%arg10 : memref<!tpu.dma_semaphore, #tpu.memory_space<semaphore_mem>>)
    %mul3A_140 = arith.constant 512 : i32
    %mul3A_141 = arith.muli %add3A, %mul3A_140 : i32
    %dma_start3A_142 = arith.constant 10 : i32
    %dma_start3A_143 = arith.constant 10 : i32
    %dma_start3A_144 = arith.constant 0 : i32
    %dma_start3A_145 = tpu.memref_slice %arg8[%dma_start3A_143, %dma_start3A_144] : memref<12x512xi32, #tpu.memory_space<vmem>> -> memref<1x512xi32, #tpu.memory_space<vmem>>
    %dma_start3A_146 = tpu.memref_squeeze %dma_start3A_145 : memref<1x512xi32, #tpu.memory_space<vmem>> -> memref<512xi32, #tpu.memory_space<vmem>>
    %dma_start3A_147 = tpu.memref_slice %arg2[%dma_start3A_142, %mul3A_141] : memref<12x16384xi32, #tpu.memory_space<hbm>> -> memref<1x512xi32, #tpu.memory_space<hbm>>
    %dma_start3A_148 = tpu.memref_squeeze %dma_start3A_147 : memref<1x512xi32, #tpu.memory_space<hbm>> -> memref<512xi32, #tpu.memory_space<hbm>>
    %dma_start3A_149 = arith.constant 0 : i32
    %dma_start3A_150 = tpu.memref_slice %arg8[%dma_start3A_143, %dma_start3A_149] : memref<12x512xi32, #tpu.memory_space<vmem>> -> memref<1x512xi32, #tpu.memory_space<vmem>>
    %dma_start3A_151 = tpu.memref_squeeze %dma_start3A_150 : memref<1x512xi32, #tpu.memory_space<vmem>> -> memref<512xi32, #tpu.memory_space<vmem>>
    %dma_start3A_152 = tpu.memref_slice %arg2[%dma_start3A_142, %mul3A_141] : memref<12x16384xi32, #tpu.memory_space<hbm>> -> memref<1x512xi32, #tpu.memory_space<hbm>>
    %dma_start3A_153 = tpu.memref_squeeze %dma_start3A_152 : memref<1x512xi32, #tpu.memory_space<hbm>> -> memref<512xi32, #tpu.memory_space<hbm>>
    tpu.enqueue_dma source(%dma_start3A_153 : memref<512xi32, #tpu.memory_space<hbm>>) target(%dma_start3A_151 : memref<512xi32, #tpu.memory_space<vmem>>) target_semaphore(%arg10 : memref<!tpu.dma_semaphore, #tpu.memory_space<semaphore_mem>>)
    %mul3A_154 = arith.constant 512 : i32
    %mul3A_155 = arith.muli %add3A, %mul3A_154 : i32
    %dma_start3A_156 = arith.constant 11 : i32
    %dma_start3A_157 = arith.constant 11 : i32
    %dma_start3A_158 = arith.constant 0 : i32
    %dma_start3A_159 = tpu.memref_slice %arg8[%dma_start3A_157, %dma_start3A_158] : memref<12x512xi32, #tpu.memory_space<vmem>> -> memref<1x512xi32, #tpu.memory_space<vmem>>
    %dma_start3A_160 = tpu.memref_squeeze %dma_start3A_159 : memref<1x512xi32, #tpu.memory_space<vmem>> -> memref<512xi32, #tpu.memory_space<vmem>>
    %dma_start3A_161 = tpu.memref_slice %arg2[%dma_start3A_156, %mul3A_155] : memref<12x16384xi32, #tpu.memory_space<hbm>> -> memref<1x512xi32, #tpu.memory_space<hbm>>
    %dma_start3A_162 = tpu.memref_squeeze %dma_start3A_161 : memref<1x512xi32, #tpu.memory_space<hbm>> -> memref<512xi32, #tpu.memory_space<hbm>>
    %dma_start3A_163 = arith.constant 0 : i32
    %dma_start3A_164 = tpu.memref_slice %arg8[%dma_start3A_157, %dma_start3A_163] : memref<12x512xi32, #tpu.memory_space<vmem>> -> memref<1x512xi32, #tpu.memory_space<vmem>>
    %dma_start3A_165 = tpu.memref_squeeze %dma_start3A_164 : memref<1x512xi32, #tpu.memory_space<vmem>> -> memref<512xi32, #tpu.memory_space<vmem>>
    %dma_start3A_166 = tpu.memref_slice %arg2[%dma_start3A_156, %mul3A_155] : memref<12x16384xi32, #tpu.memory_space<hbm>> -> memref<1x512xi32, #tpu.memory_space<hbm>>
    %dma_start3A_167 = tpu.memref_squeeze %dma_start3A_166 : memref<1x512xi32, #tpu.memory_space<hbm>> -> memref<512xi32, #tpu.memory_space<hbm>>
    tpu.enqueue_dma source(%dma_start3A_167 : memref<512xi32, #tpu.memory_space<hbm>>) target(%dma_start3A_165 : memref<512xi32, #tpu.memory_space<vmem>>) target_semaphore(%arg10 : memref<!tpu.dma_semaphore, #tpu.memory_space<semaphore_mem>>)
    %dma_wait3A = arith.constant 0 : i32
    %dma_wait3A_168 = arith.constant 0 : i32
    %dma_wait3A_169 = arith.constant 0 : i32
    %dma_wait3A_170 = tpu.memref_slice %arg8[%dma_wait3A_168, %dma_wait3A_169] : memref<12x512xi32, #tpu.memory_space<vmem>> -> memref<1x512xi32, #tpu.memory_space<vmem>>
    %dma_wait3A_171 = tpu.memref_squeeze %dma_wait3A_170 : memref<1x512xi32, #tpu.memory_space<vmem>> -> memref<512xi32, #tpu.memory_space<vmem>>
    %dma_wait3A_172 = tpu.memref_slice %arg2[%dma_wait3A, %mul3A_2] : memref<12x16384xi32, #tpu.memory_space<hbm>> -> memref<1x512xi32, #tpu.memory_space<hbm>>
    %dma_wait3A_173 = tpu.memref_squeeze %dma_wait3A_172 : memref<1x512xi32, #tpu.memory_space<hbm>> -> memref<512xi32, #tpu.memory_space<hbm>>
    %dma_wait3A_174 = arith.constant 0 : i32
    %dma_wait3A_175 = tpu.memref_slice %arg8[%dma_wait3A_168, %dma_wait3A_174] : memref<12x512xi32, #tpu.memory_space<vmem>> -> memref<1x512xi32, #tpu.memory_space<vmem>>
    %dma_wait3A_176 = tpu.memref_squeeze %dma_wait3A_175 : memref<1x512xi32, #tpu.memory_space<vmem>> -> memref<512xi32, #tpu.memory_space<vmem>>
    %dma_wait3A_177 = tpu.memref_slice %arg2[%dma_wait3A, %mul3A_2] : memref<12x16384xi32, #tpu.memory_space<hbm>> -> memref<1x512xi32, #tpu.memory_space<hbm>>
    %dma_wait3A_178 = tpu.memref_squeeze %dma_wait3A_177 : memref<1x512xi32, #tpu.memory_space<hbm>> -> memref<512xi32, #tpu.memory_space<hbm>>
    tpu.wait_dma2 semaphore(%arg10 : memref<!tpu.dma_semaphore, #tpu.memory_space<semaphore_mem>>) src(%dma_wait3A_178 : memref<512xi32, #tpu.memory_space<hbm>>) dst(%dma_wait3A_176 : memref<512xi32, #tpu.memory_space<vmem>>)
    %dma_wait3A_179 = arith.constant 1 : i32
    %dma_wait3A_180 = arith.constant 1 : i32
    %dma_wait3A_181 = arith.constant 0 : i32
    %dma_wait3A_182 = tpu.memref_slice %arg8[%dma_wait3A_180, %dma_wait3A_181] : memref<12x512xi32, #tpu.memory_space<vmem>> -> memref<1x512xi32, #tpu.memory_space<vmem>>
    %dma_wait3A_183 = tpu.memref_squeeze %dma_wait3A_182 : memref<1x512xi32, #tpu.memory_space<vmem>> -> memref<512xi32, #tpu.memory_space<vmem>>
    %dma_wait3A_184 = tpu.memref_slice %arg2[%dma_wait3A_179, %mul3A_15] : memref<12x16384xi32, #tpu.memory_space<hbm>> -> memref<1x512xi32, #tpu.memory_space<hbm>>
    %dma_wait3A_185 = tpu.memref_squeeze %dma_wait3A_184 : memref<1x512xi32, #tpu.memory_space<hbm>> -> memref<512xi32, #tpu.memory_space<hbm>>
    %dma_wait3A_186 = arith.constant 0 : i32
    %dma_wait3A_187 = tpu.memref_slice %arg8[%dma_wait3A_180, %dma_wait3A_186] : memref<12x512xi32, #tpu.memory_space<vmem>> -> memref<1x512xi32, #tpu.memory_space<vmem>>
    %dma_wait3A_188 = tpu.memref_squeeze %dma_wait3A_187 : memref<1x512xi32, #tpu.memory_space<vmem>> -> memref<512xi32, #tpu.memory_space<vmem>>
    %dma_wait3A_189 = tpu.memref_slice %arg2[%dma_wait3A_179, %mul3A_15] : memref<12x16384xi32, #tpu.memory_space<hbm>> -> memref<1x512xi32, #tpu.memory_space<hbm>>
    %dma_wait3A_190 = tpu.memref_squeeze %dma_wait3A_189 : memref<1x512xi32, #tpu.memory_space<hbm>> -> memref<512xi32, #tpu.memory_space<hbm>>
    tpu.wait_dma2 semaphore(%arg10 : memref<!tpu.dma_semaphore, #tpu.memory_space<semaphore_mem>>) src(%dma_wait3A_190 : memref<512xi32, #tpu.memory_space<hbm>>) dst(%dma_wait3A_188 : memref<512xi32, #tpu.memory_space<vmem>>)
    %dma_wait3A_191 = arith.constant 2 : i32
    %dma_wait3A_192 = arith.constant 2 : i32
    %dma_wait3A_193 = arith.constant 0 : i32
    %dma_wait3A_194 = tpu.memref_slice %arg8[%dma_wait3A_192, %dma_wait3A_193] : memref<12x512xi32, #tpu.memory_space<vmem>> -> memref<1x512xi32, #tpu.memory_space<vmem>>
    %dma_wait3A_195 = tpu.memref_squeeze %dma_wait3A_194 : memref<1x512xi32, #tpu.memory_space<vmem>> -> memref<512xi32, #tpu.memory_space<vmem>>
    %dma_wait3A_196 = tpu.memref_slice %arg2[%dma_wait3A_191, %mul3A_29] : memref<12x16384xi32, #tpu.memory_space<hbm>> -> memref<1x512xi32, #tpu.memory_space<hbm>>
    %dma_wait3A_197 = tpu.memref_squeeze %dma_wait3A_196 : memref<1x512xi32, #tpu.memory_space<hbm>> -> memref<512xi32, #tpu.memory_space<hbm>>
    %dma_wait3A_198 = arith.constant 0 : i32
    %dma_wait3A_199 = tpu.memref_slice %arg8[%dma_wait3A_192, %dma_wait3A_198] : memref<12x512xi32, #tpu.memory_space<vmem>> -> memref<1x512xi32, #tpu.memory_space<vmem>>
    %dma_wait3A_200 = tpu.memref_squeeze %dma_wait3A_199 : memref<1x512xi32, #tpu.memory_space<vmem>> -> memref<512xi32, #tpu.memory_space<vmem>>
    %dma_wait3A_201 = tpu.memref_slice %arg2[%dma_wait3A_191, %mul3A_29] : memref<12x16384xi32, #tpu.memory_space<hbm>> -> memref<1x512xi32, #tpu.memory_space<hbm>>
    %dma_wait3A_202 = tpu.memref_squeeze %dma_wait3A_201 : memref<1x512xi32, #tpu.memory_space<hbm>> -> memref<512xi32, #tpu.memory_space<hbm>>
    tpu.wait_dma2 semaphore(%arg10 : memref<!tpu.dma_semaphore, #tpu.memory_space<semaphore_mem>>) src(%dma_wait3A_202 : memref<512xi32, #tpu.memory_space<hbm>>) dst(%dma_wait3A_200 : memref<512xi32, #tpu.memory_space<vmem>>)
    %dma_wait3A_203 = arith.constant 3 : i32
    %dma_wait3A_204 = arith.constant 3 : i32
    %dma_wait3A_205 = arith.constant 0 : i32
    %dma_wait3A_206 = tpu.memref_slice %arg8[%dma_wait3A_204, %dma_wait3A_205] : memref<12x512xi32, #tpu.memory_space<vmem>> -> memref<1x512xi32, #tpu.memory_space<vmem>>
    %dma_wait3A_207 = tpu.memref_squeeze %dma_wait3A_206 : memref<1x512xi32, #tpu.memory_space<vmem>> -> memref<512xi32, #tpu.memory_space<vmem>>
    %dma_wait3A_208 = tpu.memref_slice %arg2[%dma_wait3A_203, %mul3A_43] : memref<12x16384xi32, #tpu.memory_space<hbm>> -> memref<1x512xi32, #tpu.memory_space<hbm>>
    %dma_wait3A_209 = tpu.memref_squeeze %dma_wait3A_208 : memref<1x512xi32, #tpu.memory_space<hbm>> -> memref<512xi32, #tpu.memory_space<hbm>>
    %dma_wait3A_210 = arith.constant 0 : i32
    %dma_wait3A_211 = tpu.memref_slice %arg8[%dma_wait3A_204, %dma_wait3A_210] : memref<12x512xi32, #tpu.memory_space<vmem>> -> memref<1x512xi32, #tpu.memory_space<vmem>>
    %dma_wait3A_212 = tpu.memref_squeeze %dma_wait3A_211 : memref<1x512xi32, #tpu.memory_space<vmem>> -> memref<512xi32, #tpu.memory_space<vmem>>
    %dma_wait3A_213 = tpu.memref_slice %arg2[%dma_wait3A_203, %mul3A_43] : memref<12x16384xi32, #tpu.memory_space<hbm>> -> memref<1x512xi32, #tpu.memory_space<hbm>>
    %dma_wait3A_214 = tpu.memref_squeeze %dma_wait3A_213 : memref<1x512xi32, #tpu.memory_space<hbm>> -> memref<512xi32, #tpu.memory_space<hbm>>
    tpu.wait_dma2 semaphore(%arg10 : memref<!tpu.dma_semaphore, #tpu.memory_space<semaphore_mem>>) src(%dma_wait3A_214 : memref<512xi32, #tpu.memory_space<hbm>>) dst(%dma_wait3A_212 : memref<512xi32, #tpu.memory_space<vmem>>)
    %dma_wait3A_215 = arith.constant 4 : i32
    %dma_wait3A_216 = arith.constant 4 : i32
    %dma_wait3A_217 = arith.constant 0 : i32
    %dma_wait3A_218 = tpu.memref_slice %arg8[%dma_wait3A_216, %dma_wait3A_217] : memref<12x512xi32, #tpu.memory_space<vmem>> -> memref<1x512xi32, #tpu.memory_space<vmem>>
    %dma_wait3A_219 = tpu.memref_squeeze %dma_wait3A_218 : memref<1x512xi32, #tpu.memory_space<vmem>> -> memref<512xi32, #tpu.memory_space<vmem>>
    %dma_wait3A_220 = tpu.memref_slice %arg2[%dma_wait3A_215, %mul3A_57] : memref<12x16384xi32, #tpu.memory_space<hbm>> -> memref<1x512xi32, #tpu.memory_space<hbm>>
    %dma_wait3A_221 = tpu.memref_squeeze %dma_wait3A_220 : memref<1x512xi32, #tpu.memory_space<hbm>> -> memref<512xi32, #tpu.memory_space<hbm>>
    %dma_wait3A_222 = arith.constant 0 : i32
    %dma_wait3A_223 = tpu.memref_slice %arg8[%dma_wait3A_216, %dma_wait3A_222] : memref<12x512xi32, #tpu.memory_space<vmem>> -> memref<1x512xi32, #tpu.memory_space<vmem>>
    %dma_wait3A_224 = tpu.memref_squeeze %dma_wait3A_223 : memref<1x512xi32, #tpu.memory_space<vmem>> -> memref<512xi32, #tpu.memory_space<vmem>>
    %dma_wait3A_225 = tpu.memref_slice %arg2[%dma_wait3A_215, %mul3A_57] : memref<12x16384xi32, #tpu.memory_space<hbm>> -> memref<1x512xi32, #tpu.memory_space<hbm>>
    %dma_wait3A_226 = tpu.memref_squeeze %dma_wait3A_225 : memref<1x512xi32, #tpu.memory_space<hbm>> -> memref<512xi32, #tpu.memory_space<hbm>>
    tpu.wait_dma2 semaphore(%arg10 : memref<!tpu.dma_semaphore, #tpu.memory_space<semaphore_mem>>) src(%dma_wait3A_226 : memref<512xi32, #tpu.memory_space<hbm>>) dst(%dma_wait3A_224 : memref<512xi32, #tpu.memory_space<vmem>>)
    %dma_wait3A_227 = arith.constant 5 : i32
    %dma_wait3A_228 = arith.constant 5 : i32
    %dma_wait3A_229 = arith.constant 0 : i32
    %dma_wait3A_230 = tpu.memref_slice %arg8[%dma_wait3A_228, %dma_wait3A_229] : memref<12x512xi32, #tpu.memory_space<vmem>> -> memref<1x512xi32, #tpu.memory_space<vmem>>
    %dma_wait3A_231 = tpu.memref_squeeze %dma_wait3A_230 : memref<1x512xi32, #tpu.memory_space<vmem>> -> memref<512xi32, #tpu.memory_space<vmem>>
    %dma_wait3A_232 = tpu.memref_slice %arg2[%dma_wait3A_227, %mul3A_71] : memref<12x16384xi32, #tpu.memory_space<hbm>> -> memref<1x512xi32, #tpu.memory_space<hbm>>
    %dma_wait3A_233 = tpu.memref_squeeze %dma_wait3A_232 : memref<1x512xi32, #tpu.memory_space<hbm>> -> memref<512xi32, #tpu.memory_space<hbm>>
    %dma_wait3A_234 = arith.constant 0 : i32
    %dma_wait3A_235 = tpu.memref_slice %arg8[%dma_wait3A_228, %dma_wait3A_234] : memref<12x512xi32, #tpu.memory_space<vmem>> -> memref<1x512xi32, #tpu.memory_space<vmem>>
    %dma_wait3A_236 = tpu.memref_squeeze %dma_wait3A_235 : memref<1x512xi32, #tpu.memory_space<vmem>> -> memref<512xi32, #tpu.memory_space<vmem>>
    %dma_wait3A_237 = tpu.memref_slice %arg2[%dma_wait3A_227, %mul3A_71] : memref<12x16384xi32, #tpu.memory_space<hbm>> -> memref<1x512xi32, #tpu.memory_space<hbm>>
    %dma_wait3A_238 = tpu.memref_squeeze %dma_wait3A_237 : memref<1x512xi32, #tpu.memory_space<hbm>> -> memref<512xi32, #tpu.memory_space<hbm>>
    tpu.wait_dma2 semaphore(%arg10 : memref<!tpu.dma_semaphore, #tpu.memory_space<semaphore_mem>>) src(%dma_wait3A_238 : memref<512xi32, #tpu.memory_space<hbm>>) dst(%dma_wait3A_236 : memref<512xi32, #tpu.memory_space<vmem>>)
    %dma_wait3A_239 = arith.constant 6 : i32
    %dma_wait3A_240 = arith.constant 6 : i32
    %dma_wait3A_241 = arith.constant 0 : i32
    %dma_wait3A_242 = tpu.memref_slice %arg8[%dma_wait3A_240, %dma_wait3A_241] : memref<12x512xi32, #tpu.memory_space<vmem>> -> memref<1x512xi32, #tpu.memory_space<vmem>>
    %dma_wait3A_243 = tpu.memref_squeeze %dma_wait3A_242 : memref<1x512xi32, #tpu.memory_space<vmem>> -> memref<512xi32, #tpu.memory_space<vmem>>
    %dma_wait3A_244 = tpu.memref_slice %arg2[%dma_wait3A_239, %mul3A_85] : memref<12x16384xi32, #tpu.memory_space<hbm>> -> memref<1x512xi32, #tpu.memory_space<hbm>>
    %dma_wait3A_245 = tpu.memref_squeeze %dma_wait3A_244 : memref<1x512xi32, #tpu.memory_space<hbm>> -> memref<512xi32, #tpu.memory_space<hbm>>
    %dma_wait3A_246 = arith.constant 0 : i32
    %dma_wait3A_247 = tpu.memref_slice %arg8[%dma_wait3A_240, %dma_wait3A_246] : memref<12x512xi32, #tpu.memory_space<vmem>> -> memref<1x512xi32, #tpu.memory_space<vmem>>
    %dma_wait3A_248 = tpu.memref_squeeze %dma_wait3A_247 : memref<1x512xi32, #tpu.memory_space<vmem>> -> memref<512xi32, #tpu.memory_space<vmem>>
    %dma_wait3A_249 = tpu.memref_slice %arg2[%dma_wait3A_239, %mul3A_85] : memref<12x16384xi32, #tpu.memory_space<hbm>> -> memref<1x512xi32, #tpu.memory_space<hbm>>
    %dma_wait3A_250 = tpu.memref_squeeze %dma_wait3A_249 : memref<1x512xi32, #tpu.memory_space<hbm>> -> memref<512xi32, #tpu.memory_space<hbm>>
    tpu.wait_dma2 semaphore(%arg10 : memref<!tpu.dma_semaphore, #tpu.memory_space<semaphore_mem>>) src(%dma_wait3A_250 : memref<512xi32, #tpu.memory_space<hbm>>) dst(%dma_wait3A_248 : memref<512xi32, #tpu.memory_space<vmem>>)
    %dma_wait3A_251 = arith.constant 7 : i32
    %dma_wait3A_252 = arith.constant 7 : i32
    %dma_wait3A_253 = arith.constant 0 : i32
    %dma_wait3A_254 = tpu.memref_slice %arg8[%dma_wait3A_252, %dma_wait3A_253] : memref<12x512xi32, #tpu.memory_space<vmem>> -> memref<1x512xi32, #tpu.memory_space<vmem>>
    %dma_wait3A_255 = tpu.memref_squeeze %dma_wait3A_254 : memref<1x512xi32, #tpu.memory_space<vmem>> -> memref<512xi32, #tpu.memory_space<vmem>>
    %dma_wait3A_256 = tpu.memref_slice %arg2[%dma_wait3A_251, %mul3A_99] : memref<12x16384xi32, #tpu.memory_space<hbm>> -> memref<1x512xi32, #tpu.memory_space<hbm>>
    %dma_wait3A_257 = tpu.memref_squeeze %dma_wait3A_256 : memref<1x512xi32, #tpu.memory_space<hbm>> -> memref<512xi32, #tpu.memory_space<hbm>>
    %dma_wait3A_258 = arith.constant 0 : i32
    %dma_wait3A_259 = tpu.memref_slice %arg8[%dma_wait3A_252, %dma_wait3A_258] : memref<12x512xi32, #tpu.memory_space<vmem>> -> memref<1x512xi32, #tpu.memory_space<vmem>>
    %dma_wait3A_260 = tpu.memref_squeeze %dma_wait3A_259 : memref<1x512xi32, #tpu.memory_space<vmem>> -> memref<512xi32, #tpu.memory_space<vmem>>
    %dma_wait3A_261 = tpu.memref_slice %arg2[%dma_wait3A_251, %mul3A_99] : memref<12x16384xi32, #tpu.memory_space<hbm>> -> memref<1x512xi32, #tpu.memory_space<hbm>>
    %dma_wait3A_262 = tpu.memref_squeeze %dma_wait3A_261 : memref<1x512xi32, #tpu.memory_space<hbm>> -> memref<512xi32, #tpu.memory_space<hbm>>
    tpu.wait_dma2 semaphore(%arg10 : memref<!tpu.dma_semaphore, #tpu.memory_space<semaphore_mem>>) src(%dma_wait3A_262 : memref<512xi32, #tpu.memory_space<hbm>>) dst(%dma_wait3A_260 : memref<512xi32, #tpu.memory_space<vmem>>)
    %dma_wait3A_263 = arith.constant 8 : i32
    %dma_wait3A_264 = arith.constant 8 : i32
    %dma_wait3A_265 = arith.constant 0 : i32
    %dma_wait3A_266 = tpu.memref_slice %arg8[%dma_wait3A_264, %dma_wait3A_265] : memref<12x512xi32, #tpu.memory_space<vmem>> -> memref<1x512xi32, #tpu.memory_space<vmem>>
    %dma_wait3A_267 = tpu.memref_squeeze %dma_wait3A_266 : memref<1x512xi32, #tpu.memory_space<vmem>> -> memref<512xi32, #tpu.memory_space<vmem>>
    %dma_wait3A_268 = tpu.memref_slice %arg2[%dma_wait3A_263, %mul3A_113] : memref<12x16384xi32, #tpu.memory_space<hbm>> -> memref<1x512xi32, #tpu.memory_space<hbm>>
    %dma_wait3A_269 = tpu.memref_squeeze %dma_wait3A_268 : memref<1x512xi32, #tpu.memory_space<hbm>> -> memref<512xi32, #tpu.memory_space<hbm>>
    %dma_wait3A_270 = arith.constant 0 : i32
    %dma_wait3A_271 = tpu.memref_slice %arg8[%dma_wait3A_264, %dma_wait3A_270] : memref<12x512xi32, #tpu.memory_space<vmem>> -> memref<1x512xi32, #tpu.memory_space<vmem>>
    %dma_wait3A_272 = tpu.memref_squeeze %dma_wait3A_271 : memref<1x512xi32, #tpu.memory_space<vmem>> -> memref<512xi32, #tpu.memory_space<vmem>>
    %dma_wait3A_273 = tpu.memref_slice %arg2[%dma_wait3A_263, %mul3A_113] : memref<12x16384xi32, #tpu.memory_space<hbm>> -> memref<1x512xi32, #tpu.memory_space<hbm>>
    %dma_wait3A_274 = tpu.memref_squeeze %dma_wait3A_273 : memref<1x512xi32, #tpu.memory_space<hbm>> -> memref<512xi32, #tpu.memory_space<hbm>>
    tpu.wait_dma2 semaphore(%arg10 : memref<!tpu.dma_semaphore, #tpu.memory_space<semaphore_mem>>) src(%dma_wait3A_274 : memref<512xi32, #tpu.memory_space<hbm>>) dst(%dma_wait3A_272 : memref<512xi32, #tpu.memory_space<vmem>>)
    %dma_wait3A_275 = arith.constant 9 : i32
    %dma_wait3A_276 = arith.constant 9 : i32
    %dma_wait3A_277 = arith.constant 0 : i32
    %dma_wait3A_278 = tpu.memref_slice %arg8[%dma_wait3A_276, %dma_wait3A_277] : memref<12x512xi32, #tpu.memory_space<vmem>> -> memref<1x512xi32, #tpu.memory_space<vmem>>
    %dma_wait3A_279 = tpu.memref_squeeze %dma_wait3A_278 : memref<1x512xi32, #tpu.memory_space<vmem>> -> memref<512xi32, #tpu.memory_space<vmem>>
    %dma_wait3A_280 = tpu.memref_slice %arg2[%dma_wait3A_275, %mul3A_127] : memref<12x16384xi32, #tpu.memory_space<hbm>> -> memref<1x512xi32, #tpu.memory_space<hbm>>
    %dma_wait3A_281 = tpu.memref_squeeze %dma_wait3A_280 : memref<1x512xi32, #tpu.memory_space<hbm>> -> memref<512xi32, #tpu.memory_space<hbm>>
    %dma_wait3A_282 = arith.constant 0 : i32
    %dma_wait3A_283 = tpu.memref_slice %arg8[%dma_wait3A_276, %dma_wait3A_282] : memref<12x512xi32, #tpu.memory_space<vmem>> -> memref<1x512xi32, #tpu.memory_space<vmem>>
    %dma_wait3A_284 = tpu.memref_squeeze %dma_wait3A_283 : memref<1x512xi32, #tpu.memory_space<vmem>> -> memref<512xi32, #tpu.memory_space<vmem>>
    %dma_wait3A_285 = tpu.memref_slice %arg2[%dma_wait3A_275, %mul3A_127] : memref<12x16384xi32, #tpu.memory_space<hbm>> -> memref<1x512xi32, #tpu.memory_space<hbm>>
    %dma_wait3A_286 = tpu.memref_squeeze %dma_wait3A_285 : memref<1x512xi32, #tpu.memory_space<hbm>> -> memref<512xi32, #tpu.memory_space<hbm>>
    tpu.wait_dma2 semaphore(%arg10 : memref<!tpu.dma_semaphore, #tpu.memory_space<semaphore_mem>>) src(%dma_wait3A_286 : memref<512xi32, #tpu.memory_space<hbm>>) dst(%dma_wait3A_284 : memref<512xi32, #tpu.memory_space<vmem>>)
    %dma_wait3A_287 = arith.constant 10 : i32
    %dma_wait3A_288 = arith.constant 10 : i32
    %dma_wait3A_289 = arith.constant 0 : i32
    %dma_wait3A_290 = tpu.memref_slice %arg8[%dma_wait3A_288, %dma_wait3A_289] : memref<12x512xi32, #tpu.memory_space<vmem>> -> memref<1x512xi32, #tpu.memory_space<vmem>>
    %dma_wait3A_291 = tpu.memref_squeeze %dma_wait3A_290 : memref<1x512xi32, #tpu.memory_space<vmem>> -> memref<512xi32, #tpu.memory_space<vmem>>
    %dma_wait3A_292 = tpu.memref_slice %arg2[%dma_wait3A_287, %mul3A_141] : memref<12x16384xi32, #tpu.memory_space<hbm>> -> memref<1x512xi32, #tpu.memory_space<hbm>>
    %dma_wait3A_293 = tpu.memref_squeeze %dma_wait3A_292 : memref<1x512xi32, #tpu.memory_space<hbm>> -> memref<512xi32, #tpu.memory_space<hbm>>
    %dma_wait3A_294 = arith.constant 0 : i32
    %dma_wait3A_295 = tpu.memref_slice %arg8[%dma_wait3A_288, %dma_wait3A_294] : memref<12x512xi32, #tpu.memory_space<vmem>> -> memref<1x512xi32, #tpu.memory_space<vmem>>
    %dma_wait3A_296 = tpu.memref_squeeze %dma_wait3A_295 : memref<1x512xi32, #tpu.memory_space<vmem>> -> memref<512xi32, #tpu.memory_space<vmem>>
    %dma_wait3A_297 = tpu.memref_slice %arg2[%dma_wait3A_287, %mul3A_141] : memref<12x16384xi32, #tpu.memory_space<hbm>> -> memref<1x512xi32, #tpu.memory_space<hbm>>
    %dma_wait3A_298 = tpu.memref_squeeze %dma_wait3A_297 : memref<1x512xi32, #tpu.memory_space<hbm>> -> memref<512xi32, #tpu.memory_space<hbm>>
    tpu.wait_dma2 semaphore(%arg10 : memref<!tpu.dma_semaphore, #tpu.memory_space<semaphore_mem>>) src(%dma_wait3A_298 : memref<512xi32, #tpu.memory_space<hbm>>) dst(%dma_wait3A_296 : memref<512xi32, #tpu.memory_space<vmem>>)
    %dma_wait3A_299 = arith.constant 11 : i32
    %dma_wait3A_300 = arith.constant 11 : i32
    %dma_wait3A_301 = arith.constant 0 : i32
    %dma_wait3A_302 = tpu.memref_slice %arg8[%dma_wait3A_300, %dma_wait3A_301] : memref<12x512xi32, #tpu.memory_space<vmem>> -> memref<1x512xi32, #tpu.memory_space<vmem>>
    %dma_wait3A_303 = tpu.memref_squeeze %dma_wait3A_302 : memref<1x512xi32, #tpu.memory_space<vmem>> -> memref<512xi32, #tpu.memory_space<vmem>>
    %dma_wait3A_304 = tpu.memref_slice %arg2[%dma_wait3A_299, %mul3A_155] : memref<12x16384xi32, #tpu.memory_space<hbm>> -> memref<1x512xi32, #tpu.memory_space<hbm>>
    %dma_wait3A_305 = tpu.memref_squeeze %dma_wait3A_304 : memref<1x512xi32, #tpu.memory_space<hbm>> -> memref<512xi32, #tpu.memory_space<hbm>>
    %dma_wait3A_306 = arith.constant 0 : i32
    %dma_wait3A_307 = tpu.memref_slice %arg8[%dma_wait3A_300, %dma_wait3A_306] : memref<12x512xi32, #tpu.memory_space<vmem>> -> memref<1x512xi32, #tpu.memory_space<vmem>>
    %dma_wait3A_308 = tpu.memref_squeeze %dma_wait3A_307 : memref<1x512xi32, #tpu.memory_space<vmem>> -> memref<512xi32, #tpu.memory_space<vmem>>
    %dma_wait3A_309 = tpu.memref_slice %arg2[%dma_wait3A_299, %mul3A_155] : memref<12x16384xi32, #tpu.memory_space<hbm>> -> memref<1x512xi32, #tpu.memory_space<hbm>>
    %dma_wait3A_310 = tpu.memref_squeeze %dma_wait3A_309 : memref<1x512xi32, #tpu.memory_space<hbm>> -> memref<512xi32, #tpu.memory_space<hbm>>
    tpu.wait_dma2 semaphore(%arg10 : memref<!tpu.dma_semaphore, #tpu.memory_space<semaphore_mem>>) src(%dma_wait3A_310 : memref<512xi32, #tpu.memory_space<hbm>>) dst(%dma_wait3A_308 : memref<512xi32, #tpu.memory_space<vmem>>)
    %dma_start3A_311 = arith.constant 0 : i32
    %dma_start3A_312 = arith.constant 0 : i32
    %dma_start3A_313 = arith.constant 0 : i32
    %dma_start3A_314 = arith.constant 0 : i32
    %dma_start3A_315 = tpu.memref_slice %arg9[%dma_start3A_312, %dma_start3A_313, %dma_start3A_314] : memref<12x512x16xf32, #tpu.memory_space<vmem>> -> memref<1x512x16xf32, #tpu.memory_space<vmem>>
    %dma_start3A_316 = tpu.memref_squeeze %dma_start3A_315 : memref<1x512x16xf32, #tpu.memory_space<vmem>> -> memref<512x16xf32, #tpu.memory_space<vmem>>
    %dma_start3A_317 = arith.constant 0 : i32
    %dma_start3A_318 = tpu.memref_slice %arg8[%dma_start3A_311, %dma_start3A_317] : memref<12x512xi32, #tpu.memory_space<vmem>> -> memref<1x512xi32, #tpu.memory_space<vmem>>
    %dma_start3A_319 = tpu.memref_squeeze %dma_start3A_318 : memref<1x512xi32, #tpu.memory_space<vmem>> -> memref<512xi32, #tpu.memory_space<vmem>>
    %dma_start3A_320 = arith.constant 0 : i32
    %dma_start3A_321 = arith.constant 0 : i32
    %dma_start3A_322 = tpu.memref_slice %arg3[%dma_start3A_320, %dma_start3A_321] : memref<62500x16xf32, #tpu.memory_space<hbm>> -> memref<62500x16xf32, #tpu.memory_space<hbm>>
    tpu.enqueue_indirect_dma source(%dma_start3A_322 : memref<62500x16xf32, #tpu.memory_space<hbm>>) target(%dma_start3A_316 : memref<512x16xf32, #tpu.memory_space<vmem>>) offsets(%dma_start3A_319 : memref<512xi32, #tpu.memory_space<vmem>>) semaphore(%arg10 : memref<!tpu.dma_semaphore, #tpu.memory_space<semaphore_mem>>)
    %dma_start3A_323 = arith.constant 1 : i32
    %dma_start3A_324 = arith.constant 1 : i32
    %dma_start3A_325 = arith.constant 0 : i32
    %dma_start3A_326 = arith.constant 0 : i32
    %dma_start3A_327 = tpu.memref_slice %arg9[%dma_start3A_324, %dma_start3A_325, %dma_start3A_326] : memref<12x512x16xf32, #tpu.memory_space<vmem>> -> memref<1x512x16xf32, #tpu.memory_space<vmem>>
    %dma_start3A_328 = tpu.memref_squeeze %dma_start3A_327 : memref<1x512x16xf32, #tpu.memory_space<vmem>> -> memref<512x16xf32, #tpu.memory_space<vmem>>
    %dma_start3A_329 = arith.constant 0 : i32
    %dma_start3A_330 = tpu.memref_slice %arg8[%dma_start3A_323, %dma_start3A_329] : memref<12x512xi32, #tpu.memory_space<vmem>> -> memref<1x512xi32, #tpu.memory_space<vmem>>
    %dma_start3A_331 = tpu.memref_squeeze %dma_start3A_330 : memref<1x512xi32, #tpu.memory_space<vmem>> -> memref<512xi32, #tpu.memory_space<vmem>>
    %dma_start3A_332 = arith.constant 0 : i32
    %dma_start3A_333 = arith.constant 0 : i32
    %dma_start3A_334 = tpu.memref_slice %arg3[%dma_start3A_332, %dma_start3A_333] : memref<62500x16xf32, #tpu.memory_space<hbm>> -> memref<62500x16xf32, #tpu.memory_space<hbm>>
    tpu.enqueue_indirect_dma source(%dma_start3A_334 : memref<62500x16xf32, #tpu.memory_space<hbm>>) target(%dma_start3A_328 : memref<512x16xf32, #tpu.memory_space<vmem>>) offsets(%dma_start3A_331 : memref<512xi32, #tpu.memory_space<vmem>>) semaphore(%arg10 : memref<!tpu.dma_semaphore, #tpu.memory_space<semaphore_mem>>)
    %dma_start3A_335 = arith.constant 2 : i32
    %dma_start3A_336 = arith.constant 2 : i32
    %dma_start3A_337 = arith.constant 0 : i32
    %dma_start3A_338 = arith.constant 0 : i32
    %dma_start3A_339 = tpu.memref_slice %arg9[%dma_start3A_336, %dma_start3A_337, %dma_start3A_338] : memref<12x512x16xf32, #tpu.memory_space<vmem>> -> memref<1x512x16xf32, #tpu.memory_space<vmem>>
    %dma_start3A_340 = tpu.memref_squeeze %dma_start3A_339 : memref<1x512x16xf32, #tpu.memory_space<vmem>> -> memref<512x16xf32, #tpu.memory_space<vmem>>
    %dma_start3A_341 = arith.constant 0 : i32
    %dma_start3A_342 = tpu.memref_slice %arg8[%dma_start3A_335, %dma_start3A_341] : memref<12x512xi32, #tpu.memory_space<vmem>> -> memref<1x512xi32, #tpu.memory_space<vmem>>
    %dma_start3A_343 = tpu.memref_squeeze %dma_start3A_342 : memref<1x512xi32, #tpu.memory_space<vmem>> -> memref<512xi32, #tpu.memory_space<vmem>>
    %dma_start3A_344 = arith.constant 0 : i32
    %dma_start3A_345 = arith.constant 0 : i32
    %dma_start3A_346 = tpu.memref_slice %arg4[%dma_start3A_344, %dma_start3A_345] : memref<62500x16xf32, #tpu.memory_space<hbm>> -> memref<62500x16xf32, #tpu.memory_space<hbm>>
    tpu.enqueue_indirect_dma source(%dma_start3A_346 : memref<62500x16xf32, #tpu.memory_space<hbm>>) target(%dma_start3A_340 : memref<512x16xf32, #tpu.memory_space<vmem>>) offsets(%dma_start3A_343 : memref<512xi32, #tpu.memory_space<vmem>>) semaphore(%arg10 : memref<!tpu.dma_semaphore, #tpu.memory_space<semaphore_mem>>)
    %dma_start3A_347 = arith.constant 3 : i32
    %dma_start3A_348 = arith.constant 3 : i32
    %dma_start3A_349 = arith.constant 0 : i32
    %dma_start3A_350 = arith.constant 0 : i32
    %dma_start3A_351 = tpu.memref_slice %arg9[%dma_start3A_348, %dma_start3A_349, %dma_start3A_350] : memref<12x512x16xf32, #tpu.memory_space<vmem>> -> memref<1x512x16xf32, #tpu.memory_space<vmem>>
    %dma_start3A_352 = tpu.memref_squeeze %dma_start3A_351 : memref<1x512x16xf32, #tpu.memory_space<vmem>> -> memref<512x16xf32, #tpu.memory_space<vmem>>
    %dma_start3A_353 = arith.constant 0 : i32
    %dma_start3A_354 = tpu.memref_slice %arg8[%dma_start3A_347, %dma_start3A_353] : memref<12x512xi32, #tpu.memory_space<vmem>> -> memref<1x512xi32, #tpu.memory_space<vmem>>
    %dma_start3A_355 = tpu.memref_squeeze %dma_start3A_354 : memref<1x512xi32, #tpu.memory_space<vmem>> -> memref<512xi32, #tpu.memory_space<vmem>>
    %dma_start3A_356 = arith.constant 0 : i32
    %dma_start3A_357 = arith.constant 0 : i32
    %dma_start3A_358 = tpu.memref_slice %arg4[%dma_start3A_356, %dma_start3A_357] : memref<62500x16xf32, #tpu.memory_space<hbm>> -> memref<62500x16xf32, #tpu.memory_space<hbm>>
    tpu.enqueue_indirect_dma source(%dma_start3A_358 : memref<62500x16xf32, #tpu.memory_space<hbm>>) target(%dma_start3A_352 : memref<512x16xf32, #tpu.memory_space<vmem>>) offsets(%dma_start3A_355 : memref<512xi32, #tpu.memory_space<vmem>>) semaphore(%arg10 : memref<!tpu.dma_semaphore, #tpu.memory_space<semaphore_mem>>)
    %dma_start3A_359 = arith.constant 4 : i32
    %dma_start3A_360 = arith.constant 4 : i32
    %dma_start3A_361 = arith.constant 0 : i32
    %dma_start3A_362 = arith.constant 0 : i32
    %dma_start3A_363 = tpu.memref_slice %arg9[%dma_start3A_360, %dma_start3A_361, %dma_start3A_362] : memref<12x512x16xf32, #tpu.memory_space<vmem>> -> memref<1x512x16xf32, #tpu.memory_space<vmem>>
    %dma_start3A_364 = tpu.memref_squeeze %dma_start3A_363 : memref<1x512x16xf32, #tpu.memory_space<vmem>> -> memref<512x16xf32, #tpu.memory_space<vmem>>
    %dma_start3A_365 = arith.constant 0 : i32
    %dma_start3A_366 = tpu.memref_slice %arg8[%dma_start3A_359, %dma_start3A_365] : memref<12x512xi32, #tpu.memory_space<vmem>> -> memref<1x512xi32, #tpu.memory_space<vmem>>
    %dma_start3A_367 = tpu.memref_squeeze %dma_start3A_366 : memref<1x512xi32, #tpu.memory_space<vmem>> -> memref<512xi32, #tpu.memory_space<vmem>>
    %dma_start3A_368 = arith.constant 0 : i32
    %dma_start3A_369 = arith.constant 0 : i32
    %dma_start3A_370 = tpu.memref_slice %arg5[%dma_start3A_368, %dma_start3A_369] : memref<62500x16xf32, #tpu.memory_space<hbm>> -> memref<62500x16xf32, #tpu.memory_space<hbm>>
    tpu.enqueue_indirect_dma source(%dma_start3A_370 : memref<62500x16xf32, #tpu.memory_space<hbm>>) target(%dma_start3A_364 : memref<512x16xf32, #tpu.memory_space<vmem>>) offsets(%dma_start3A_367 : memref<512xi32, #tpu.memory_space<vmem>>) semaphore(%arg10 : memref<!tpu.dma_semaphore, #tpu.memory_space<semaphore_mem>>)
    %dma_start3A_371 = arith.constant 5 : i32
    %dma_start3A_372 = arith.constant 5 : i32
    %dma_start3A_373 = arith.constant 0 : i32
    %dma_start3A_374 = arith.constant 0 : i32
    %dma_start3A_375 = tpu.memref_slice %arg9[%dma_start3A_372, %dma_start3A_373, %dma_start3A_374] : memref<12x512x16xf32, #tpu.memory_space<vmem>> -> memref<1x512x16xf32, #tpu.memory_space<vmem>>
    %dma_start3A_376 = tpu.memref_squeeze %dma_start3A_375 : memref<1x512x16xf32, #tpu.memory_space<vmem>> -> memref<512x16xf32, #tpu.memory_space<vmem>>
    %dma_start3A_377 = arith.constant 0 : i32
    %dma_start3A_378 = tpu.memref_slice %arg8[%dma_start3A_371, %dma_start3A_377] : memref<12x512xi32, #tpu.memory_space<vmem>> -> memref<1x512xi32, #tpu.memory_space<vmem>>
    %dma_start3A_379 = tpu.memref_squeeze %dma_start3A_378 : memref<1x512xi32, #tpu.memory_space<vmem>> -> memref<512xi32, #tpu.memory_space<vmem>>
    %dma_start3A_380 = arith.constant 0 : i32
    %dma_start3A_381 = arith.constant 0 : i32
    %dma_start3A_382 = tpu.memref_slice %arg5[%dma_start3A_380, %dma_start3A_381] : memref<62500x16xf32, #tpu.memory_space<hbm>> -> memref<62500x16xf32, #tpu.memory_space<hbm>>
    tpu.enqueue_indirect_dma source(%dma_start3A_382 : memref<62500x16xf32, #tpu.memory_space<hbm>>) target(%dma_start3A_376 : memref<512x16xf32, #tpu.memory_space<vmem>>) offsets(%dma_start3A_379 : memref<512xi32, #tpu.memory_space<vmem>>) semaphore(%arg10 : memref<!tpu.dma_semaphore, #tpu.memory_space<semaphore_mem>>)
    %dma_start3A_383 = arith.constant 6 : i32
    %dma_start3A_384 = arith.constant 6 : i32
    %dma_start3A_385 = arith.constant 0 : i32
    %dma_start3A_386 = arith.constant 0 : i32
    %dma_start3A_387 = tpu.memref_slice %arg9[%dma_start3A_384, %dma_start3A_385, %dma_start3A_386] : memref<12x512x16xf32, #tpu.memory_space<vmem>> -> memref<1x512x16xf32, #tpu.memory_space<vmem>>
    %dma_start3A_388 = tpu.memref_squeeze %dma_start3A_387 : memref<1x512x16xf32, #tpu.memory_space<vmem>> -> memref<512x16xf32, #tpu.memory_space<vmem>>
    %dma_start3A_389 = arith.constant 0 : i32
    %dma_start3A_390 = tpu.memref_slice %arg8[%dma_start3A_383, %dma_start3A_389] : memref<12x512xi32, #tpu.memory_space<vmem>> -> memref<1x512xi32, #tpu.memory_space<vmem>>
    %dma_start3A_391 = tpu.memref_squeeze %dma_start3A_390 : memref<1x512xi32, #tpu.memory_space<vmem>> -> memref<512xi32, #tpu.memory_space<vmem>>
    %dma_start3A_392 = arith.constant 0 : i32
    %dma_start3A_393 = arith.constant 0 : i32
    %dma_start3A_394 = tpu.memref_slice %arg6[%dma_start3A_392, %dma_start3A_393] : memref<187500x16xf32, #tpu.memory_space<hbm>> -> memref<187500x16xf32, #tpu.memory_space<hbm>>
    tpu.enqueue_indirect_dma source(%dma_start3A_394 : memref<187500x16xf32, #tpu.memory_space<hbm>>) target(%dma_start3A_388 : memref<512x16xf32, #tpu.memory_space<vmem>>) offsets(%dma_start3A_391 : memref<512xi32, #tpu.memory_space<vmem>>) semaphore(%arg10 : memref<!tpu.dma_semaphore, #tpu.memory_space<semaphore_mem>>)
    %dma_start3A_395 = arith.constant 7 : i32
    %dma_start3A_396 = arith.constant 7 : i32
    %dma_start3A_397 = arith.constant 0 : i32
    %dma_start3A_398 = arith.constant 0 : i32
    %dma_start3A_399 = tpu.memref_slice %arg9[%dma_start3A_396, %dma_start3A_397, %dma_start3A_398] : memref<12x512x16xf32, #tpu.memory_space<vmem>> -> memref<1x512x16xf32, #tpu.memory_space<vmem>>
    %dma_start3A_400 = tpu.memref_squeeze %dma_start3A_399 : memref<1x512x16xf32, #tpu.memory_space<vmem>> -> memref<512x16xf32, #tpu.memory_space<vmem>>
    %dma_start3A_401 = arith.constant 0 : i32
    %dma_start3A_402 = tpu.memref_slice %arg8[%dma_start3A_395, %dma_start3A_401] : memref<12x512xi32, #tpu.memory_space<vmem>> -> memref<1x512xi32, #tpu.memory_space<vmem>>
    %dma_start3A_403 = tpu.memref_squeeze %dma_start3A_402 : memref<1x512xi32, #tpu.memory_space<vmem>> -> memref<512xi32, #tpu.memory_space<vmem>>
    %dma_start3A_404 = arith.constant 0 : i32
    %dma_start3A_405 = arith.constant 0 : i32
    %dma_start3A_406 = tpu.memref_slice %arg6[%dma_start3A_404, %dma_start3A_405] : memref<187500x16xf32, #tpu.memory_space<hbm>> -> memref<187500x16xf32, #tpu.memory_space<hbm>>
    tpu.enqueue_indirect_dma source(%dma_start3A_406 : memref<187500x16xf32, #tpu.memory_space<hbm>>) target(%dma_start3A_400 : memref<512x16xf32, #tpu.memory_space<vmem>>) offsets(%dma_start3A_403 : memref<512xi32, #tpu.memory_space<vmem>>) semaphore(%arg10 : memref<!tpu.dma_semaphore, #tpu.memory_space<semaphore_mem>>)
    %dma_start3A_407 = arith.constant 8 : i32
    %dma_start3A_408 = arith.constant 8 : i32
    %dma_start3A_409 = arith.constant 0 : i32
    %dma_start3A_410 = arith.constant 0 : i32
    %dma_start3A_411 = tpu.memref_slice %arg9[%dma_start3A_408, %dma_start3A_409, %dma_start3A_410] : memref<12x512x16xf32, #tpu.memory_space<vmem>> -> memref<1x512x16xf32, #tpu.memory_space<vmem>>
    %dma_start3A_412 = tpu.memref_squeeze %dma_start3A_411 : memref<1x512x16xf32, #tpu.memory_space<vmem>> -> memref<512x16xf32, #tpu.memory_space<vmem>>
    %dma_start3A_413 = arith.constant 0 : i32
    %dma_start3A_414 = tpu.memref_slice %arg8[%dma_start3A_407, %dma_start3A_413] : memref<12x512xi32, #tpu.memory_space<vmem>> -> memref<1x512xi32, #tpu.memory_space<vmem>>
    %dma_start3A_415 = tpu.memref_squeeze %dma_start3A_414 : memref<1x512xi32, #tpu.memory_space<vmem>> -> memref<512xi32, #tpu.memory_space<vmem>>
    %dma_start3A_416 = arith.constant 0 : i32
    %dma_start3A_417 = arith.constant 0 : i32
    %dma_start3A_418 = tpu.memref_slice %arg6[%dma_start3A_416, %dma_start3A_417] : memref<187500x16xf32, #tpu.memory_space<hbm>> -> memref<187500x16xf32, #tpu.memory_space<hbm>>
    tpu.enqueue_indirect_dma source(%dma_start3A_418 : memref<187500x16xf32, #tpu.memory_space<hbm>>) target(%dma_start3A_412 : memref<512x16xf32, #tpu.memory_space<vmem>>) offsets(%dma_start3A_415 : memref<512xi32, #tpu.memory_space<vmem>>) semaphore(%arg10 : memref<!tpu.dma_semaphore, #tpu.memory_space<semaphore_mem>>)
    %dma_start3A_419 = arith.constant 9 : i32
    %dma_start3A_420 = arith.constant 9 : i32
    %dma_start3A_421 = arith.constant 0 : i32
    %dma_start3A_422 = arith.constant 0 : i32
    %dma_start3A_423 = tpu.memref_slice %arg9[%dma_start3A_420, %dma_start3A_421, %dma_start3A_422] : memref<12x512x16xf32, #tpu.memory_space<vmem>> -> memref<1x512x16xf32, #tpu.memory_space<vmem>>
    %dma_start3A_424 = tpu.memref_squeeze %dma_start3A_423 : memref<1x512x16xf32, #tpu.memory_space<vmem>> -> memref<512x16xf32, #tpu.memory_space<vmem>>
    %dma_start3A_425 = arith.constant 0 : i32
    %dma_start3A_426 = tpu.memref_slice %arg8[%dma_start3A_419, %dma_start3A_425] : memref<12x512xi32, #tpu.memory_space<vmem>> -> memref<1x512xi32, #tpu.memory_space<vmem>>
    %dma_start3A_427 = tpu.memref_squeeze %dma_start3A_426 : memref<1x512xi32, #tpu.memory_space<vmem>> -> memref<512xi32, #tpu.memory_space<vmem>>
    %dma_start3A_428 = arith.constant 0 : i32
    %dma_start3A_429 = arith.constant 0 : i32
    %dma_start3A_430 = tpu.memref_slice %arg6[%dma_start3A_428, %dma_start3A_429] : memref<187500x16xf32, #tpu.memory_space<hbm>> -> memref<187500x16xf32, #tpu.memory_space<hbm>>
    tpu.enqueue_indirect_dma source(%dma_start3A_430 : memref<187500x16xf32, #tpu.memory_space<hbm>>) target(%dma_start3A_424 : memref<512x16xf32, #tpu.memory_space<vmem>>) offsets(%dma_start3A_427 : memref<512xi32, #tpu.memory_space<vmem>>) semaphore(%arg10 : memref<!tpu.dma_semaphore, #tpu.memory_space<semaphore_mem>>)
    %dma_start3A_431 = arith.constant 10 : i32
    %dma_start3A_432 = arith.constant 10 : i32
    %dma_start3A_433 = arith.constant 0 : i32
    %dma_start3A_434 = arith.constant 0 : i32
    %dma_start3A_435 = tpu.memref_slice %arg9[%dma_start3A_432, %dma_start3A_433, %dma_start3A_434] : memref<12x512x16xf32, #tpu.memory_space<vmem>> -> memref<1x512x16xf32, #tpu.memory_space<vmem>>
    %dma_start3A_436 = tpu.memref_squeeze %dma_start3A_435 : memref<1x512x16xf32, #tpu.memory_space<vmem>> -> memref<512x16xf32, #tpu.memory_space<vmem>>
    %dma_start3A_437 = arith.constant 0 : i32
    %dma_start3A_438 = tpu.memref_slice %arg8[%dma_start3A_431, %dma_start3A_437] : memref<12x512xi32, #tpu.memory_space<vmem>> -> memref<1x512xi32, #tpu.memory_space<vmem>>
    %dma_start3A_439 = tpu.memref_squeeze %dma_start3A_438 : memref<1x512xi32, #tpu.memory_space<vmem>> -> memref<512xi32, #tpu.memory_space<vmem>>
    %dma_start3A_440 = arith.constant 0 : i32
    %dma_start3A_441 = arith.constant 0 : i32
    %dma_start3A_442 = tpu.memref_slice %arg6[%dma_start3A_440, %dma_start3A_441] : memref<187500x16xf32, #tpu.memory_space<hbm>> -> memref<187500x16xf32, #tpu.memory_space<hbm>>
    tpu.enqueue_indirect_dma source(%dma_start3A_442 : memref<187500x16xf32, #tpu.memory_space<hbm>>) target(%dma_start3A_436 : memref<512x16xf32, #tpu.memory_space<vmem>>) offsets(%dma_start3A_439 : memref<512xi32, #tpu.memory_space<vmem>>) semaphore(%arg10 : memref<!tpu.dma_semaphore, #tpu.memory_space<semaphore_mem>>)
    %dma_start3A_443 = arith.constant 11 : i32
    %dma_start3A_444 = arith.constant 11 : i32
    %dma_start3A_445 = arith.constant 0 : i32
    %dma_start3A_446 = arith.constant 0 : i32
    %dma_start3A_447 = tpu.memref_slice %arg9[%dma_start3A_444, %dma_start3A_445, %dma_start3A_446] : memref<12x512x16xf32, #tpu.memory_space<vmem>> -> memref<1x512x16xf32, #tpu.memory_space<vmem>>
    %dma_start3A_448 = tpu.memref_squeeze %dma_start3A_447 : memref<1x512x16xf32, #tpu.memory_space<vmem>> -> memref<512x16xf32, #tpu.memory_space<vmem>>
    %dma_start3A_449 = arith.constant 0 : i32
    %dma_start3A_450 = tpu.memref_slice %arg8[%dma_start3A_443, %dma_start3A_449] : memref<12x512xi32, #tpu.memory_space<vmem>> -> memref<1x512xi32, #tpu.memory_space<vmem>>
    %dma_start3A_451 = tpu.memref_squeeze %dma_start3A_450 : memref<1x512xi32, #tpu.memory_space<vmem>> -> memref<512xi32, #tpu.memory_space<vmem>>
    %dma_start3A_452 = arith.constant 0 : i32
    %dma_start3A_453 = arith.constant 0 : i32
    %dma_start3A_454 = tpu.memref_slice %arg6[%dma_start3A_452, %dma_start3A_453] : memref<187500x16xf32, #tpu.memory_space<hbm>> -> memref<187500x16xf32, #tpu.memory_space<hbm>>
    tpu.enqueue_indirect_dma source(%dma_start3A_454 : memref<187500x16xf32, #tpu.memory_space<hbm>>) target(%dma_start3A_448 : memref<512x16xf32, #tpu.memory_space<vmem>>) offsets(%dma_start3A_451 : memref<512xi32, #tpu.memory_space<vmem>>) semaphore(%arg10 : memref<!tpu.dma_semaphore, #tpu.memory_space<semaphore_mem>>)
    %dma_wait3A_455 = arith.constant 0 : i32
    %dma_wait3A_456 = arith.constant 0 : i32
    %dma_wait3A_457 = arith.constant 0 : i32
    %dma_wait3A_458 = arith.constant 0 : i32
    %dma_wait3A_459 = tpu.memref_slice %arg9[%dma_wait3A_456, %dma_wait3A_457, %dma_wait3A_458] : memref<12x512x16xf32, #tpu.memory_space<vmem>> -> memref<1x512x16xf32, #tpu.memory_space<vmem>>
    %dma_wait3A_460 = tpu.memref_squeeze %dma_wait3A_459 : memref<1x512x16xf32, #tpu.memory_space<vmem>> -> memref<512x16xf32, #tpu.memory_space<vmem>>
    %dma_wait3A_461 = arith.constant 0 : i32
    %dma_wait3A_462 = tpu.memref_slice %arg8[%dma_wait3A_455, %dma_wait3A_461] : memref<12x512xi32, #tpu.memory_space<vmem>> -> memref<1x512xi32, #tpu.memory_space<vmem>>
    %dma_wait3A_463 = tpu.memref_squeeze %dma_wait3A_462 : memref<1x512xi32, #tpu.memory_space<vmem>> -> memref<512xi32, #tpu.memory_space<vmem>>
    %dma_wait3A_464 = arith.constant 0 : i32
    %dma_wait3A_465 = arith.constant 0 : i32
    %dma_wait3A_466 = tpu.memref_slice %arg3[%dma_wait3A_464, %dma_wait3A_465] : memref<62500x16xf32, #tpu.memory_space<hbm>> -> memref<62500x16xf32, #tpu.memory_space<hbm>>
    tpu.wait_indirect_dma semaphore(%arg10 : memref<!tpu.dma_semaphore, #tpu.memory_space<semaphore_mem>>) src(%dma_wait3A_466 : memref<62500x16xf32, #tpu.memory_space<hbm>>) dst(%dma_wait3A_460 : memref<512x16xf32, #tpu.memory_space<vmem>>)
    %dma_wait3A_467 = arith.constant 1 : i32
    %dma_wait3A_468 = arith.constant 1 : i32
    %dma_wait3A_469 = arith.constant 0 : i32
    %dma_wait3A_470 = arith.constant 0 : i32
    %dma_wait3A_471 = tpu.memref_slice %arg9[%dma_wait3A_468, %dma_wait3A_469, %dma_wait3A_470] : memref<12x512x16xf32, #tpu.memory_space<vmem>> -> memref<1x512x16xf32, #tpu.memory_space<vmem>>
    %dma_wait3A_472 = tpu.memref_squeeze %dma_wait3A_471 : memref<1x512x16xf32, #tpu.memory_space<vmem>> -> memref<512x16xf32, #tpu.memory_space<vmem>>
    %dma_wait3A_473 = arith.constant 0 : i32
    %dma_wait3A_474 = tpu.memref_slice %arg8[%dma_wait3A_467, %dma_wait3A_473] : memref<12x512xi32, #tpu.memory_space<vmem>> -> memref<1x512xi32, #tpu.memory_space<vmem>>
    %dma_wait3A_475 = tpu.memref_squeeze %dma_wait3A_474 : memref<1x512xi32, #tpu.memory_space<vmem>> -> memref<512xi32, #tpu.memory_space<vmem>>
    %dma_wait3A_476 = arith.constant 0 : i32
    %dma_wait3A_477 = arith.constant 0 : i32
    %dma_wait3A_478 = tpu.memref_slice %arg3[%dma_wait3A_476, %dma_wait3A_477] : memref<62500x16xf32, #tpu.memory_space<hbm>> -> memref<62500x16xf32, #tpu.memory_space<hbm>>
    tpu.wait_indirect_dma semaphore(%arg10 : memref<!tpu.dma_semaphore, #tpu.memory_space<semaphore_mem>>) src(%dma_wait3A_478 : memref<62500x16xf32, #tpu.memory_space<hbm>>) dst(%dma_wait3A_472 : memref<512x16xf32, #tpu.memory_space<vmem>>)
    %dma_wait3A_479 = arith.constant 2 : i32
    %dma_wait3A_480 = arith.constant 2 : i32
    %dma_wait3A_481 = arith.constant 0 : i32
    %dma_wait3A_482 = arith.constant 0 : i32
    %dma_wait3A_483 = tpu.memref_slice %arg9[%dma_wait3A_480, %dma_wait3A_481, %dma_wait3A_482] : memref<12x512x16xf32, #tpu.memory_space<vmem>> -> memref<1x512x16xf32, #tpu.memory_space<vmem>>
    %dma_wait3A_484 = tpu.memref_squeeze %dma_wait3A_483 : memref<1x512x16xf32, #tpu.memory_space<vmem>> -> memref<512x16xf32, #tpu.memory_space<vmem>>
    %dma_wait3A_485 = arith.constant 0 : i32
    %dma_wait3A_486 = tpu.memref_slice %arg8[%dma_wait3A_479, %dma_wait3A_485] : memref<12x512xi32, #tpu.memory_space<vmem>> -> memref<1x512xi32, #tpu.memory_space<vmem>>
    %dma_wait3A_487 = tpu.memref_squeeze %dma_wait3A_486 : memref<1x512xi32, #tpu.memory_space<vmem>> -> memref<512xi32, #tpu.memory_space<vmem>>
    %dma_wait3A_488 = arith.constant 0 : i32
    %dma_wait3A_489 = arith.constant 0 : i32
    %dma_wait3A_490 = tpu.memref_slice %arg4[%dma_wait3A_488, %dma_wait3A_489] : memref<62500x16xf32, #tpu.memory_space<hbm>> -> memref<62500x16xf32, #tpu.memory_space<hbm>>
    tpu.wait_indirect_dma semaphore(%arg10 : memref<!tpu.dma_semaphore, #tpu.memory_space<semaphore_mem>>) src(%dma_wait3A_490 : memref<62500x16xf32, #tpu.memory_space<hbm>>) dst(%dma_wait3A_484 : memref<512x16xf32, #tpu.memory_space<vmem>>)
    %dma_wait3A_491 = arith.constant 3 : i32
    %dma_wait3A_492 = arith.constant 3 : i32
    %dma_wait3A_493 = arith.constant 0 : i32
    %dma_wait3A_494 = arith.constant 0 : i32
    %dma_wait3A_495 = tpu.memref_slice %arg9[%dma_wait3A_492, %dma_wait3A_493, %dma_wait3A_494] : memref<12x512x16xf32, #tpu.memory_space<vmem>> -> memref<1x512x16xf32, #tpu.memory_space<vmem>>
    %dma_wait3A_496 = tpu.memref_squeeze %dma_wait3A_495 : memref<1x512x16xf32, #tpu.memory_space<vmem>> -> memref<512x16xf32, #tpu.memory_space<vmem>>
    %dma_wait3A_497 = arith.constant 0 : i32
    %dma_wait3A_498 = tpu.memref_slice %arg8[%dma_wait3A_491, %dma_wait3A_497] : memref<12x512xi32, #tpu.memory_space<vmem>> -> memref<1x512xi32, #tpu.memory_space<vmem>>
    %dma_wait3A_499 = tpu.memref_squeeze %dma_wait3A_498 : memref<1x512xi32, #tpu.memory_space<vmem>> -> memref<512xi32, #tpu.memory_space<vmem>>
    %dma_wait3A_500 = arith.constant 0 : i32
    %dma_wait3A_501 = arith.constant 0 : i32
    %dma_wait3A_502 = tpu.memref_slice %arg4[%dma_wait3A_500, %dma_wait3A_501] : memref<62500x16xf32, #tpu.memory_space<hbm>> -> memref<62500x16xf32, #tpu.memory_space<hbm>>
    tpu.wait_indirect_dma semaphore(%arg10 : memref<!tpu.dma_semaphore, #tpu.memory_space<semaphore_mem>>) src(%dma_wait3A_502 : memref<62500x16xf32, #tpu.memory_space<hbm>>) dst(%dma_wait3A_496 : memref<512x16xf32, #tpu.memory_space<vmem>>)
    %dma_wait3A_503 = arith.constant 4 : i32
    %dma_wait3A_504 = arith.constant 4 : i32
    %dma_wait3A_505 = arith.constant 0 : i32
    %dma_wait3A_506 = arith.constant 0 : i32
    %dma_wait3A_507 = tpu.memref_slice %arg9[%dma_wait3A_504, %dma_wait3A_505, %dma_wait3A_506] : memref<12x512x16xf32, #tpu.memory_space<vmem>> -> memref<1x512x16xf32, #tpu.memory_space<vmem>>
    %dma_wait3A_508 = tpu.memref_squeeze %dma_wait3A_507 : memref<1x512x16xf32, #tpu.memory_space<vmem>> -> memref<512x16xf32, #tpu.memory_space<vmem>>
    %dma_wait3A_509 = arith.constant 0 : i32
    %dma_wait3A_510 = tpu.memref_slice %arg8[%dma_wait3A_503, %dma_wait3A_509] : memref<12x512xi32, #tpu.memory_space<vmem>> -> memref<1x512xi32, #tpu.memory_space<vmem>>
    %dma_wait3A_511 = tpu.memref_squeeze %dma_wait3A_510 : memref<1x512xi32, #tpu.memory_space<vmem>> -> memref<512xi32, #tpu.memory_space<vmem>>
    %dma_wait3A_512 = arith.constant 0 : i32
    %dma_wait3A_513 = arith.constant 0 : i32
    %dma_wait3A_514 = tpu.memref_slice %arg5[%dma_wait3A_512, %dma_wait3A_513] : memref<62500x16xf32, #tpu.memory_space<hbm>> -> memref<62500x16xf32, #tpu.memory_space<hbm>>
    tpu.wait_indirect_dma semaphore(%arg10 : memref<!tpu.dma_semaphore, #tpu.memory_space<semaphore_mem>>) src(%dma_wait3A_514 : memref<62500x16xf32, #tpu.memory_space<hbm>>) dst(%dma_wait3A_508 : memref<512x16xf32, #tpu.memory_space<vmem>>)
    %dma_wait3A_515 = arith.constant 5 : i32
    %dma_wait3A_516 = arith.constant 5 : i32
    %dma_wait3A_517 = arith.constant 0 : i32
    %dma_wait3A_518 = arith.constant 0 : i32
    %dma_wait3A_519 = tpu.memref_slice %arg9[%dma_wait3A_516, %dma_wait3A_517, %dma_wait3A_518] : memref<12x512x16xf32, #tpu.memory_space<vmem>> -> memref<1x512x16xf32, #tpu.memory_space<vmem>>
    %dma_wait3A_520 = tpu.memref_squeeze %dma_wait3A_519 : memref<1x512x16xf32, #tpu.memory_space<vmem>> -> memref<512x16xf32, #tpu.memory_space<vmem>>
    %dma_wait3A_521 = arith.constant 0 : i32
    %dma_wait3A_522 = tpu.memref_slice %arg8[%dma_wait3A_515, %dma_wait3A_521] : memref<12x512xi32, #tpu.memory_space<vmem>> -> memref<1x512xi32, #tpu.memory_space<vmem>>
    %dma_wait3A_523 = tpu.memref_squeeze %dma_wait3A_522 : memref<1x512xi32, #tpu.memory_space<vmem>> -> memref<512xi32, #tpu.memory_space<vmem>>
    %dma_wait3A_524 = arith.constant 0 : i32
    %dma_wait3A_525 = arith.constant 0 : i32
    %dma_wait3A_526 = tpu.memref_slice %arg5[%dma_wait3A_524, %dma_wait3A_525] : memref<62500x16xf32, #tpu.memory_space<hbm>> -> memref<62500x16xf32, #tpu.memory_space<hbm>>
    tpu.wait_indirect_dma semaphore(%arg10 : memref<!tpu.dma_semaphore, #tpu.memory_space<semaphore_mem>>) src(%dma_wait3A_526 : memref<62500x16xf32, #tpu.memory_space<hbm>>) dst(%dma_wait3A_520 : memref<512x16xf32, #tpu.memory_space<vmem>>)
    %dma_wait3A_527 = arith.constant 6 : i32
    %dma_wait3A_528 = arith.constant 6 : i32
    %dma_wait3A_529 = arith.constant 0 : i32
    %dma_wait3A_530 = arith.constant 0 : i32
    %dma_wait3A_531 = tpu.memref_slice %arg9[%dma_wait3A_528, %dma_wait3A_529, %dma_wait3A_530] : memref<12x512x16xf32, #tpu.memory_space<vmem>> -> memref<1x512x16xf32, #tpu.memory_space<vmem>>
    %dma_wait3A_532 = tpu.memref_squeeze %dma_wait3A_531 : memref<1x512x16xf32, #tpu.memory_space<vmem>> -> memref<512x16xf32, #tpu.memory_space<vmem>>
    %dma_wait3A_533 = arith.constant 0 : i32
    %dma_wait3A_534 = tpu.memref_slice %arg8[%dma_wait3A_527, %dma_wait3A_533] : memref<12x512xi32, #tpu.memory_space<vmem>> -> memref<1x512xi32, #tpu.memory_space<vmem>>
    %dma_wait3A_535 = tpu.memref_squeeze %dma_wait3A_534 : memref<1x512xi32, #tpu.memory_space<vmem>> -> memref<512xi32, #tpu.memory_space<vmem>>
    %dma_wait3A_536 = arith.constant 0 : i32
    %dma_wait3A_537 = arith.constant 0 : i32
    %dma_wait3A_538 = tpu.memref_slice %arg6[%dma_wait3A_536, %dma_wait3A_537] : memref<187500x16xf32, #tpu.memory_space<hbm>> -> memref<187500x16xf32, #tpu.memory_space<hbm>>
    tpu.wait_indirect_dma semaphore(%arg10 : memref<!tpu.dma_semaphore, #tpu.memory_space<semaphore_mem>>) src(%dma_wait3A_538 : memref<187500x16xf32, #tpu.memory_space<hbm>>) dst(%dma_wait3A_532 : memref<512x16xf32, #tpu.memory_space<vmem>>)
    %dma_wait3A_539 = arith.constant 7 : i32
    %dma_wait3A_540 = arith.constant 7 : i32
    %dma_wait3A_541 = arith.constant 0 : i32
    %dma_wait3A_542 = arith.constant 0 : i32
    %dma_wait3A_543 = tpu.memref_slice %arg9[%dma_wait3A_540, %dma_wait3A_541, %dma_wait3A_542] : memref<12x512x16xf32, #tpu.memory_space<vmem>> -> memref<1x512x16xf32, #tpu.memory_space<vmem>>
    %dma_wait3A_544 = tpu.memref_squeeze %dma_wait3A_543 : memref<1x512x16xf32, #tpu.memory_space<vmem>> -> memref<512x16xf32, #tpu.memory_space<vmem>>
    %dma_wait3A_545 = arith.constant 0 : i32
    %dma_wait3A_546 = tpu.memref_slice %arg8[%dma_wait3A_539, %dma_wait3A_545] : memref<12x512xi32, #tpu.memory_space<vmem>> -> memref<1x512xi32, #tpu.memory_space<vmem>>
    %dma_wait3A_547 = tpu.memref_squeeze %dma_wait3A_546 : memref<1x512xi32, #tpu.memory_space<vmem>> -> memref<512xi32, #tpu.memory_space<vmem>>
    %dma_wait3A_548 = arith.constant 0 : i32
    %dma_wait3A_549 = arith.constant 0 : i32
    %dma_wait3A_550 = tpu.memref_slice %arg6[%dma_wait3A_548, %dma_wait3A_549] : memref<187500x16xf32, #tpu.memory_space<hbm>> -> memref<187500x16xf32, #tpu.memory_space<hbm>>
    tpu.wait_indirect_dma semaphore(%arg10 : memref<!tpu.dma_semaphore, #tpu.memory_space<semaphore_mem>>) src(%dma_wait3A_550 : memref<187500x16xf32, #tpu.memory_space<hbm>>) dst(%dma_wait3A_544 : memref<512x16xf32, #tpu.memory_space<vmem>>)
    %dma_wait3A_551 = arith.constant 8 : i32
    %dma_wait3A_552 = arith.constant 8 : i32
    %dma_wait3A_553 = arith.constant 0 : i32
    %dma_wait3A_554 = arith.constant 0 : i32
    %dma_wait3A_555 = tpu.memref_slice %arg9[%dma_wait3A_552, %dma_wait3A_553, %dma_wait3A_554] : memref<12x512x16xf32, #tpu.memory_space<vmem>> -> memref<1x512x16xf32, #tpu.memory_space<vmem>>
    %dma_wait3A_556 = tpu.memref_squeeze %dma_wait3A_555 : memref<1x512x16xf32, #tpu.memory_space<vmem>> -> memref<512x16xf32, #tpu.memory_space<vmem>>
    %dma_wait3A_557 = arith.constant 0 : i32
    %dma_wait3A_558 = tpu.memref_slice %arg8[%dma_wait3A_551, %dma_wait3A_557] : memref<12x512xi32, #tpu.memory_space<vmem>> -> memref<1x512xi32, #tpu.memory_space<vmem>>
    %dma_wait3A_559 = tpu.memref_squeeze %dma_wait3A_558 : memref<1x512xi32, #tpu.memory_space<vmem>> -> memref<512xi32, #tpu.memory_space<vmem>>
    %dma_wait3A_560 = arith.constant 0 : i32
    %dma_wait3A_561 = arith.constant 0 : i32
    %dma_wait3A_562 = tpu.memref_slice %arg6[%dma_wait3A_560, %dma_wait3A_561] : memref<187500x16xf32, #tpu.memory_space<hbm>> -> memref<187500x16xf32, #tpu.memory_space<hbm>>
    tpu.wait_indirect_dma semaphore(%arg10 : memref<!tpu.dma_semaphore, #tpu.memory_space<semaphore_mem>>) src(%dma_wait3A_562 : memref<187500x16xf32, #tpu.memory_space<hbm>>) dst(%dma_wait3A_556 : memref<512x16xf32, #tpu.memory_space<vmem>>)
    %dma_wait3A_563 = arith.constant 9 : i32
    %dma_wait3A_564 = arith.constant 9 : i32
    %dma_wait3A_565 = arith.constant 0 : i32
    %dma_wait3A_566 = arith.constant 0 : i32
    %dma_wait3A_567 = tpu.memref_slice %arg9[%dma_wait3A_564, %dma_wait3A_565, %dma_wait3A_566] : memref<12x512x16xf32, #tpu.memory_space<vmem>> -> memref<1x512x16xf32, #tpu.memory_space<vmem>>
    %dma_wait3A_568 = tpu.memref_squeeze %dma_wait3A_567 : memref<1x512x16xf32, #tpu.memory_space<vmem>> -> memref<512x16xf32, #tpu.memory_space<vmem>>
    %dma_wait3A_569 = arith.constant 0 : i32
    %dma_wait3A_570 = tpu.memref_slice %arg8[%dma_wait3A_563, %dma_wait3A_569] : memref<12x512xi32, #tpu.memory_space<vmem>> -> memref<1x512xi32, #tpu.memory_space<vmem>>
    %dma_wait3A_571 = tpu.memref_squeeze %dma_wait3A_570 : memref<1x512xi32, #tpu.memory_space<vmem>> -> memref<512xi32, #tpu.memory_space<vmem>>
    %dma_wait3A_572 = arith.constant 0 : i32
    %dma_wait3A_573 = arith.constant 0 : i32
    %dma_wait3A_574 = tpu.memref_slice %arg6[%dma_wait3A_572, %dma_wait3A_573] : memref<187500x16xf32, #tpu.memory_space<hbm>> -> memref<187500x16xf32, #tpu.memory_space<hbm>>
    tpu.wait_indirect_dma semaphore(%arg10 : memref<!tpu.dma_semaphore, #tpu.memory_space<semaphore_mem>>) src(%dma_wait3A_574 : memref<187500x16xf32, #tpu.memory_space<hbm>>) dst(%dma_wait3A_568 : memref<512x16xf32, #tpu.memory_space<vmem>>)
    %dma_wait3A_575 = arith.constant 10 : i32
    %dma_wait3A_576 = arith.constant 10 : i32
    %dma_wait3A_577 = arith.constant 0 : i32
    %dma_wait3A_578 = arith.constant 0 : i32
    %dma_wait3A_579 = tpu.memref_slice %arg9[%dma_wait3A_576, %dma_wait3A_577, %dma_wait3A_578] : memref<12x512x16xf32, #tpu.memory_space<vmem>> -> memref<1x512x16xf32, #tpu.memory_space<vmem>>
    %dma_wait3A_580 = tpu.memref_squeeze %dma_wait3A_579 : memref<1x512x16xf32, #tpu.memory_space<vmem>> -> memref<512x16xf32, #tpu.memory_space<vmem>>
    %dma_wait3A_581 = arith.constant 0 : i32
    %dma_wait3A_582 = tpu.memref_slice %arg8[%dma_wait3A_575, %dma_wait3A_581] : memref<12x512xi32, #tpu.memory_space<vmem>> -> memref<1x512xi32, #tpu.memory_space<vmem>>
    %dma_wait3A_583 = tpu.memref_squeeze %dma_wait3A_582 : memref<1x512xi32, #tpu.memory_space<vmem>> -> memref<512xi32, #tpu.memory_space<vmem>>
    %dma_wait3A_584 = arith.constant 0 : i32
    %dma_wait3A_585 = arith.constant 0 : i32
    %dma_wait3A_586 = tpu.memref_slice %arg6[%dma_wait3A_584, %dma_wait3A_585] : memref<187500x16xf32, #tpu.memory_space<hbm>> -> memref<187500x16xf32, #tpu.memory_space<hbm>>
    tpu.wait_indirect_dma semaphore(%arg10 : memref<!tpu.dma_semaphore, #tpu.memory_space<semaphore_mem>>) src(%dma_wait3A_586 : memref<187500x16xf32, #tpu.memory_space<hbm>>) dst(%dma_wait3A_580 : memref<512x16xf32, #tpu.memory_space<vmem>>)
    %dma_wait3A_587 = arith.constant 11 : i32
    %dma_wait3A_588 = arith.constant 11 : i32
    %dma_wait3A_589 = arith.constant 0 : i32
    %dma_wait3A_590 = arith.constant 0 : i32
    %dma_wait3A_591 = tpu.memref_slice %arg9[%dma_wait3A_588, %dma_wait3A_589, %dma_wait3A_590] : memref<12x512x16xf32, #tpu.memory_space<vmem>> -> memref<1x512x16xf32, #tpu.memory_space<vmem>>
    %dma_wait3A_592 = tpu.memref_squeeze %dma_wait3A_591 : memref<1x512x16xf32, #tpu.memory_space<vmem>> -> memref<512x16xf32, #tpu.memory_space<vmem>>
    %dma_wait3A_593 = arith.constant 0 : i32
    %dma_wait3A_594 = tpu.memref_slice %arg8[%dma_wait3A_587, %dma_wait3A_593] : memref<12x512xi32, #tpu.memory_space<vmem>> -> memref<1x512xi32, #tpu.memory_space<vmem>>
    %dma_wait3A_595 = tpu.memref_squeeze %dma_wait3A_594 : memref<1x512xi32, #tpu.memory_space<vmem>> -> memref<512xi32, #tpu.memory_space<vmem>>
    %dma_wait3A_596 = arith.constant 0 : i32
    %dma_wait3A_597 = arith.constant 0 : i32
    %dma_wait3A_598 = tpu.memref_slice %arg6[%dma_wait3A_596, %dma_wait3A_597] : memref<187500x16xf32, #tpu.memory_space<hbm>> -> memref<187500x16xf32, #tpu.memory_space<hbm>>
    tpu.wait_indirect_dma semaphore(%arg10 : memref<!tpu.dma_semaphore, #tpu.memory_space<semaphore_mem>>) src(%dma_wait3A_598 : memref<187500x16xf32, #tpu.memory_space<hbm>>) dst(%dma_wait3A_592 : memref<512x16xf32, #tpu.memory_space<vmem>>)
    %dma_start3A_599 = arith.constant 0 : i32
    %dma_start3A_600 = arith.constant 0 : i32
    %dma_start3A_601 = arith.constant 0 : i32
    %dma_start3A_602 = arith.constant 0 : i32
    %dma_start3A_603 = tpu.memref_slice %arg9[%dma_start3A_599, %dma_start3A_601, %dma_start3A_602] : memref<12x512x16xf32, #tpu.memory_space<vmem>> -> memref<1x512x16xf32, #tpu.memory_space<vmem>>
    %dma_start3A_604 = tpu.memref_squeeze %dma_start3A_603 : memref<1x512x16xf32, #tpu.memory_space<vmem>> -> memref<512x16xf32, #tpu.memory_space<vmem>>
    %dma_start3A_605 = arith.constant 0 : i32
    %dma_start3A_606 = arith.constant 0 : i32
    %dma_start3A_607 = tpu.memref_slice %arg7[%dma_start3A_600, %add3A, %dma_start3A_605, %dma_start3A_606] : memref<12x32x512x16xf32, #tpu.memory_space<hbm>> -> memref<1x1x512x16xf32, #tpu.memory_space<hbm>>
    %dma_start3A_608 = tpu.memref_squeeze %dma_start3A_607 : memref<1x1x512x16xf32, #tpu.memory_space<hbm>> -> memref<512x16xf32, #tpu.memory_space<hbm>>
    %dma_start3A_609 = arith.constant 0 : i32
    %dma_start3A_610 = arith.constant 0 : i32
    %dma_start3A_611 = tpu.memref_slice %arg7[%dma_start3A_600, %add3A, %dma_start3A_609, %dma_start3A_610] : memref<12x32x512x16xf32, #tpu.memory_space<hbm>> -> memref<1x1x512x16xf32, #tpu.memory_space<hbm>>
    %dma_start3A_612 = tpu.memref_squeeze %dma_start3A_611 : memref<1x1x512x16xf32, #tpu.memory_space<hbm>> -> memref<512x16xf32, #tpu.memory_space<hbm>>
    %dma_start3A_613 = arith.constant 0 : i32
    %dma_start3A_614 = arith.constant 0 : i32
    %dma_start3A_615 = tpu.memref_slice %arg9[%dma_start3A_599, %dma_start3A_613, %dma_start3A_614] : memref<12x512x16xf32, #tpu.memory_space<vmem>> -> memref<1x512x16xf32, #tpu.memory_space<vmem>>
    %dma_start3A_616 = tpu.memref_squeeze %dma_start3A_615 : memref<1x512x16xf32, #tpu.memory_space<vmem>> -> memref<512x16xf32, #tpu.memory_space<vmem>>
    tpu.enqueue_dma source(%dma_start3A_616 : memref<512x16xf32, #tpu.memory_space<vmem>>) target(%dma_start3A_612 : memref<512x16xf32, #tpu.memory_space<hbm>>) target_semaphore(%arg10 : memref<!tpu.dma_semaphore, #tpu.memory_space<semaphore_mem>>)
    %dma_start3A_617 = arith.constant 1 : i32
    %dma_start3A_618 = arith.constant 1 : i32
    %dma_start3A_619 = arith.constant 0 : i32
    %dma_start3A_620 = arith.constant 0 : i32
    %dma_start3A_621 = tpu.memref_slice %arg9[%dma_start3A_617, %dma_start3A_619, %dma_start3A_620] : memref<12x512x16xf32, #tpu.memory_space<vmem>> -> memref<1x512x16xf32, #tpu.memory_space<vmem>>
    %dma_start3A_622 = tpu.memref_squeeze %dma_start3A_621 : memref<1x512x16xf32, #tpu.memory_space<vmem>> -> memref<512x16xf32, #tpu.memory_space<vmem>>
    %dma_start3A_623 = arith.constant 0 : i32
    %dma_start3A_624 = arith.constant 0 : i32
    %dma_start3A_625 = tpu.memref_slice %arg7[%dma_start3A_618, %add3A, %dma_start3A_623, %dma_start3A_624] : memref<12x32x512x16xf32, #tpu.memory_space<hbm>> -> memref<1x1x512x16xf32, #tpu.memory_space<hbm>>
    %dma_start3A_626 = tpu.memref_squeeze %dma_start3A_625 : memref<1x1x512x16xf32, #tpu.memory_space<hbm>> -> memref<512x16xf32, #tpu.memory_space<hbm>>
    %dma_start3A_627 = arith.constant 0 : i32
    %dma_start3A_628 = arith.constant 0 : i32
    %dma_start3A_629 = tpu.memref_slice %arg7[%dma_start3A_618, %add3A, %dma_start3A_627, %dma_start3A_628] : memref<12x32x512x16xf32, #tpu.memory_space<hbm>> -> memref<1x1x512x16xf32, #tpu.memory_space<hbm>>
    %dma_start3A_630 = tpu.memref_squeeze %dma_start3A_629 : memref<1x1x512x16xf32, #tpu.memory_space<hbm>> -> memref<512x16xf32, #tpu.memory_space<hbm>>
    %dma_start3A_631 = arith.constant 0 : i32
    %dma_start3A_632 = arith.constant 0 : i32
    %dma_start3A_633 = tpu.memref_slice %arg9[%dma_start3A_617, %dma_start3A_631, %dma_start3A_632] : memref<12x512x16xf32, #tpu.memory_space<vmem>> -> memref<1x512x16xf32, #tpu.memory_space<vmem>>
    %dma_start3A_634 = tpu.memref_squeeze %dma_start3A_633 : memref<1x512x16xf32, #tpu.memory_space<vmem>> -> memref<512x16xf32, #tpu.memory_space<vmem>>
    tpu.enqueue_dma source(%dma_start3A_634 : memref<512x16xf32, #tpu.memory_space<vmem>>) target(%dma_start3A_630 : memref<512x16xf32, #tpu.memory_space<hbm>>) target_semaphore(%arg10 : memref<!tpu.dma_semaphore, #tpu.memory_space<semaphore_mem>>)
    %dma_start3A_635 = arith.constant 2 : i32
    %dma_start3A_636 = arith.constant 2 : i32
    %dma_start3A_637 = arith.constant 0 : i32
    %dma_start3A_638 = arith.constant 0 : i32
    %dma_start3A_639 = tpu.memref_slice %arg9[%dma_start3A_635, %dma_start3A_637, %dma_start3A_638] : memref<12x512x16xf32, #tpu.memory_space<vmem>> -> memref<1x512x16xf32, #tpu.memory_space<vmem>>
    %dma_start3A_640 = tpu.memref_squeeze %dma_start3A_639 : memref<1x512x16xf32, #tpu.memory_space<vmem>> -> memref<512x16xf32, #tpu.memory_space<vmem>>
    %dma_start3A_641 = arith.constant 0 : i32
    %dma_start3A_642 = arith.constant 0 : i32
    %dma_start3A_643 = tpu.memref_slice %arg7[%dma_start3A_636, %add3A, %dma_start3A_641, %dma_start3A_642] : memref<12x32x512x16xf32, #tpu.memory_space<hbm>> -> memref<1x1x512x16xf32, #tpu.memory_space<hbm>>
    %dma_start3A_644 = tpu.memref_squeeze %dma_start3A_643 : memref<1x1x512x16xf32, #tpu.memory_space<hbm>> -> memref<512x16xf32, #tpu.memory_space<hbm>>
    %dma_start3A_645 = arith.constant 0 : i32
    %dma_start3A_646 = arith.constant 0 : i32
    %dma_start3A_647 = tpu.memref_slice %arg7[%dma_start3A_636, %add3A, %dma_start3A_645, %dma_start3A_646] : memref<12x32x512x16xf32, #tpu.memory_space<hbm>> -> memref<1x1x512x16xf32, #tpu.memory_space<hbm>>
    %dma_start3A_648 = tpu.memref_squeeze %dma_start3A_647 : memref<1x1x512x16xf32, #tpu.memory_space<hbm>> -> memref<512x16xf32, #tpu.memory_space<hbm>>
    %dma_start3A_649 = arith.constant 0 : i32
    %dma_start3A_650 = arith.constant 0 : i32
    %dma_start3A_651 = tpu.memref_slice %arg9[%dma_start3A_635, %dma_start3A_649, %dma_start3A_650] : memref<12x512x16xf32, #tpu.memory_space<vmem>> -> memref<1x512x16xf32, #tpu.memory_space<vmem>>
    %dma_start3A_652 = tpu.memref_squeeze %dma_start3A_651 : memref<1x512x16xf32, #tpu.memory_space<vmem>> -> memref<512x16xf32, #tpu.memory_space<vmem>>
    tpu.enqueue_dma source(%dma_start3A_652 : memref<512x16xf32, #tpu.memory_space<vmem>>) target(%dma_start3A_648 : memref<512x16xf32, #tpu.memory_space<hbm>>) target_semaphore(%arg10 : memref<!tpu.dma_semaphore, #tpu.memory_space<semaphore_mem>>)
    %dma_start3A_653 = arith.constant 3 : i32
    %dma_start3A_654 = arith.constant 3 : i32
    %dma_start3A_655 = arith.constant 0 : i32
    %dma_start3A_656 = arith.constant 0 : i32
    %dma_start3A_657 = tpu.memref_slice %arg9[%dma_start3A_653, %dma_start3A_655, %dma_start3A_656] : memref<12x512x16xf32, #tpu.memory_space<vmem>> -> memref<1x512x16xf32, #tpu.memory_space<vmem>>
    %dma_start3A_658 = tpu.memref_squeeze %dma_start3A_657 : memref<1x512x16xf32, #tpu.memory_space<vmem>> -> memref<512x16xf32, #tpu.memory_space<vmem>>
    %dma_start3A_659 = arith.constant 0 : i32
    %dma_start3A_660 = arith.constant 0 : i32
    %dma_start3A_661 = tpu.memref_slice %arg7[%dma_start3A_654, %add3A, %dma_start3A_659, %dma_start3A_660] : memref<12x32x512x16xf32, #tpu.memory_space<hbm>> -> memref<1x1x512x16xf32, #tpu.memory_space<hbm>>
    %dma_start3A_662 = tpu.memref_squeeze %dma_start3A_661 : memref<1x1x512x16xf32, #tpu.memory_space<hbm>> -> memref<512x16xf32, #tpu.memory_space<hbm>>
    %dma_start3A_663 = arith.constant 0 : i32
    %dma_start3A_664 = arith.constant 0 : i32
    %dma_start3A_665 = tpu.memref_slice %arg7[%dma_start3A_654, %add3A, %dma_start3A_663, %dma_start3A_664] : memref<12x32x512x16xf32, #tpu.memory_space<hbm>> -> memref<1x1x512x16xf32, #tpu.memory_space<hbm>>
    %dma_start3A_666 = tpu.memref_squeeze %dma_start3A_665 : memref<1x1x512x16xf32, #tpu.memory_space<hbm>> -> memref<512x16xf32, #tpu.memory_space<hbm>>
    %dma_start3A_667 = arith.constant 0 : i32
    %dma_start3A_668 = arith.constant 0 : i32
    %dma_start3A_669 = tpu.memref_slice %arg9[%dma_start3A_653, %dma_start3A_667, %dma_start3A_668] : memref<12x512x16xf32, #tpu.memory_space<vmem>> -> memref<1x512x16xf32, #tpu.memory_space<vmem>>
    %dma_start3A_670 = tpu.memref_squeeze %dma_start3A_669 : memref<1x512x16xf32, #tpu.memory_space<vmem>> -> memref<512x16xf32, #tpu.memory_space<vmem>>
    tpu.enqueue_dma source(%dma_start3A_670 : memref<512x16xf32, #tpu.memory_space<vmem>>) target(%dma_start3A_666 : memref<512x16xf32, #tpu.memory_space<hbm>>) target_semaphore(%arg10 : memref<!tpu.dma_semaphore, #tpu.memory_space<semaphore_mem>>)
    %dma_start3A_671 = arith.constant 4 : i32
    %dma_start3A_672 = arith.constant 4 : i32
    %dma_start3A_673 = arith.constant 0 : i32
    %dma_start3A_674 = arith.constant 0 : i32
    %dma_start3A_675 = tpu.memref_slice %arg9[%dma_start3A_671, %dma_start3A_673, %dma_start3A_674] : memref<12x512x16xf32, #tpu.memory_space<vmem>> -> memref<1x512x16xf32, #tpu.memory_space<vmem>>
    %dma_start3A_676 = tpu.memref_squeeze %dma_start3A_675 : memref<1x512x16xf32, #tpu.memory_space<vmem>> -> memref<512x16xf32, #tpu.memory_space<vmem>>
    %dma_start3A_677 = arith.constant 0 : i32
    %dma_start3A_678 = arith.constant 0 : i32
    %dma_start3A_679 = tpu.memref_slice %arg7[%dma_start3A_672, %add3A, %dma_start3A_677, %dma_start3A_678] : memref<12x32x512x16xf32, #tpu.memory_space<hbm>> -> memref<1x1x512x16xf32, #tpu.memory_space<hbm>>
    %dma_start3A_680 = tpu.memref_squeeze %dma_start3A_679 : memref<1x1x512x16xf32, #tpu.memory_space<hbm>> -> memref<512x16xf32, #tpu.memory_space<hbm>>
    %dma_start3A_681 = arith.constant 0 : i32
    %dma_start3A_682 = arith.constant 0 : i32
    %dma_start3A_683 = tpu.memref_slice %arg7[%dma_start3A_672, %add3A, %dma_start3A_681, %dma_start3A_682] : memref<12x32x512x16xf32, #tpu.memory_space<hbm>> -> memref<1x1x512x16xf32, #tpu.memory_space<hbm>>
    %dma_start3A_684 = tpu.memref_squeeze %dma_start3A_683 : memref<1x1x512x16xf32, #tpu.memory_space<hbm>> -> memref<512x16xf32, #tpu.memory_space<hbm>>
    %dma_start3A_685 = arith.constant 0 : i32
    %dma_start3A_686 = arith.constant 0 : i32
    %dma_start3A_687 = tpu.memref_slice %arg9[%dma_start3A_671, %dma_start3A_685, %dma_start3A_686] : memref<12x512x16xf32, #tpu.memory_space<vmem>> -> memref<1x512x16xf32, #tpu.memory_space<vmem>>
    %dma_start3A_688 = tpu.memref_squeeze %dma_start3A_687 : memref<1x512x16xf32, #tpu.memory_space<vmem>> -> memref<512x16xf32, #tpu.memory_space<vmem>>
    tpu.enqueue_dma source(%dma_start3A_688 : memref<512x16xf32, #tpu.memory_space<vmem>>) target(%dma_start3A_684 : memref<512x16xf32, #tpu.memory_space<hbm>>) target_semaphore(%arg10 : memref<!tpu.dma_semaphore, #tpu.memory_space<semaphore_mem>>)
    %dma_start3A_689 = arith.constant 5 : i32
    %dma_start3A_690 = arith.constant 5 : i32
    %dma_start3A_691 = arith.constant 0 : i32
    %dma_start3A_692 = arith.constant 0 : i32
    %dma_start3A_693 = tpu.memref_slice %arg9[%dma_start3A_689, %dma_start3A_691, %dma_start3A_692] : memref<12x512x16xf32, #tpu.memory_space<vmem>> -> memref<1x512x16xf32, #tpu.memory_space<vmem>>
    %dma_start3A_694 = tpu.memref_squeeze %dma_start3A_693 : memref<1x512x16xf32, #tpu.memory_space<vmem>> -> memref<512x16xf32, #tpu.memory_space<vmem>>
    %dma_start3A_695 = arith.constant 0 : i32
    %dma_start3A_696 = arith.constant 0 : i32
    %dma_start3A_697 = tpu.memref_slice %arg7[%dma_start3A_690, %add3A, %dma_start3A_695, %dma_start3A_696] : memref<12x32x512x16xf32, #tpu.memory_space<hbm>> -> memref<1x1x512x16xf32, #tpu.memory_space<hbm>>
    %dma_start3A_698 = tpu.memref_squeeze %dma_start3A_697 : memref<1x1x512x16xf32, #tpu.memory_space<hbm>> -> memref<512x16xf32, #tpu.memory_space<hbm>>
    %dma_start3A_699 = arith.constant 0 : i32
    %dma_start3A_700 = arith.constant 0 : i32
    %dma_start3A_701 = tpu.memref_slice %arg7[%dma_start3A_690, %add3A, %dma_start3A_699, %dma_start3A_700] : memref<12x32x512x16xf32, #tpu.memory_space<hbm>> -> memref<1x1x512x16xf32, #tpu.memory_space<hbm>>
    %dma_start3A_702 = tpu.memref_squeeze %dma_start3A_701 : memref<1x1x512x16xf32, #tpu.memory_space<hbm>> -> memref<512x16xf32, #tpu.memory_space<hbm>>
    %dma_start3A_703 = arith.constant 0 : i32
    %dma_start3A_704 = arith.constant 0 : i32
    %dma_start3A_705 = tpu.memref_slice %arg9[%dma_start3A_689, %dma_start3A_703, %dma_start3A_704] : memref<12x512x16xf32, #tpu.memory_space<vmem>> -> memref<1x512x16xf32, #tpu.memory_space<vmem>>
    %dma_start3A_706 = tpu.memref_squeeze %dma_start3A_705 : memref<1x512x16xf32, #tpu.memory_space<vmem>> -> memref<512x16xf32, #tpu.memory_space<vmem>>
    tpu.enqueue_dma source(%dma_start3A_706 : memref<512x16xf32, #tpu.memory_space<vmem>>) target(%dma_start3A_702 : memref<512x16xf32, #tpu.memory_space<hbm>>) target_semaphore(%arg10 : memref<!tpu.dma_semaphore, #tpu.memory_space<semaphore_mem>>)
    %dma_start3A_707 = arith.constant 6 : i32
    %dma_start3A_708 = arith.constant 6 : i32
    %dma_start3A_709 = arith.constant 0 : i32
    %dma_start3A_710 = arith.constant 0 : i32
    %dma_start3A_711 = tpu.memref_slice %arg9[%dma_start3A_707, %dma_start3A_709, %dma_start3A_710] : memref<12x512x16xf32, #tpu.memory_space<vmem>> -> memref<1x512x16xf32, #tpu.memory_space<vmem>>
    %dma_start3A_712 = tpu.memref_squeeze %dma_start3A_711 : memref<1x512x16xf32, #tpu.memory_space<vmem>> -> memref<512x16xf32, #tpu.memory_space<vmem>>
    %dma_start3A_713 = arith.constant 0 : i32
    %dma_start3A_714 = arith.constant 0 : i32
    %dma_start3A_715 = tpu.memref_slice %arg7[%dma_start3A_708, %add3A, %dma_start3A_713, %dma_start3A_714] : memref<12x32x512x16xf32, #tpu.memory_space<hbm>> -> memref<1x1x512x16xf32, #tpu.memory_space<hbm>>
    %dma_start3A_716 = tpu.memref_squeeze %dma_start3A_715 : memref<1x1x512x16xf32, #tpu.memory_space<hbm>> -> memref<512x16xf32, #tpu.memory_space<hbm>>
    %dma_start3A_717 = arith.constant 0 : i32
    %dma_start3A_718 = arith.constant 0 : i32
    %dma_start3A_719 = tpu.memref_slice %arg7[%dma_start3A_708, %add3A, %dma_start3A_717, %dma_start3A_718] : memref<12x32x512x16xf32, #tpu.memory_space<hbm>> -> memref<1x1x512x16xf32, #tpu.memory_space<hbm>>
    %dma_start3A_720 = tpu.memref_squeeze %dma_start3A_719 : memref<1x1x512x16xf32, #tpu.memory_space<hbm>> -> memref<512x16xf32, #tpu.memory_space<hbm>>
    %dma_start3A_721 = arith.constant 0 : i32
    %dma_start3A_722 = arith.constant 0 : i32
    %dma_start3A_723 = tpu.memref_slice %arg9[%dma_start3A_707, %dma_start3A_721, %dma_start3A_722] : memref<12x512x16xf32, #tpu.memory_space<vmem>> -> memref<1x512x16xf32, #tpu.memory_space<vmem>>
    %dma_start3A_724 = tpu.memref_squeeze %dma_start3A_723 : memref<1x512x16xf32, #tpu.memory_space<vmem>> -> memref<512x16xf32, #tpu.memory_space<vmem>>
    tpu.enqueue_dma source(%dma_start3A_724 : memref<512x16xf32, #tpu.memory_space<vmem>>) target(%dma_start3A_720 : memref<512x16xf32, #tpu.memory_space<hbm>>) target_semaphore(%arg10 : memref<!tpu.dma_semaphore, #tpu.memory_space<semaphore_mem>>)
    %dma_start3A_725 = arith.constant 7 : i32
    %dma_start3A_726 = arith.constant 7 : i32
    %dma_start3A_727 = arith.constant 0 : i32
    %dma_start3A_728 = arith.constant 0 : i32
    %dma_start3A_729 = tpu.memref_slice %arg9[%dma_start3A_725, %dma_start3A_727, %dma_start3A_728] : memref<12x512x16xf32, #tpu.memory_space<vmem>> -> memref<1x512x16xf32, #tpu.memory_space<vmem>>
    %dma_start3A_730 = tpu.memref_squeeze %dma_start3A_729 : memref<1x512x16xf32, #tpu.memory_space<vmem>> -> memref<512x16xf32, #tpu.memory_space<vmem>>
    %dma_start3A_731 = arith.constant 0 : i32
    %dma_start3A_732 = arith.constant 0 : i32
    %dma_start3A_733 = tpu.memref_slice %arg7[%dma_start3A_726, %add3A, %dma_start3A_731, %dma_start3A_732] : memref<12x32x512x16xf32, #tpu.memory_space<hbm>> -> memref<1x1x512x16xf32, #tpu.memory_space<hbm>>
    %dma_start3A_734 = tpu.memref_squeeze %dma_start3A_733 : memref<1x1x512x16xf32, #tpu.memory_space<hbm>> -> memref<512x16xf32, #tpu.memory_space<hbm>>
    %dma_start3A_735 = arith.constant 0 : i32
    %dma_start3A_736 = arith.constant 0 : i32
    %dma_start3A_737 = tpu.memref_slice %arg7[%dma_start3A_726, %add3A, %dma_start3A_735, %dma_start3A_736] : memref<12x32x512x16xf32, #tpu.memory_space<hbm>> -> memref<1x1x512x16xf32, #tpu.memory_space<hbm>>
    %dma_start3A_738 = tpu.memref_squeeze %dma_start3A_737 : memref<1x1x512x16xf32, #tpu.memory_space<hbm>> -> memref<512x16xf32, #tpu.memory_space<hbm>>
    %dma_start3A_739 = arith.constant 0 : i32
    %dma_start3A_740 = arith.constant 0 : i32
    %dma_start3A_741 = tpu.memref_slice %arg9[%dma_start3A_725, %dma_start3A_739, %dma_start3A_740] : memref<12x512x16xf32, #tpu.memory_space<vmem>> -> memref<1x512x16xf32, #tpu.memory_space<vmem>>
    %dma_start3A_742 = tpu.memref_squeeze %dma_start3A_741 : memref<1x512x16xf32, #tpu.memory_space<vmem>> -> memref<512x16xf32, #tpu.memory_space<vmem>>
    tpu.enqueue_dma source(%dma_start3A_742 : memref<512x16xf32, #tpu.memory_space<vmem>>) target(%dma_start3A_738 : memref<512x16xf32, #tpu.memory_space<hbm>>) target_semaphore(%arg10 : memref<!tpu.dma_semaphore, #tpu.memory_space<semaphore_mem>>)
    %dma_start3A_743 = arith.constant 8 : i32
    %dma_start3A_744 = arith.constant 8 : i32
    %dma_start3A_745 = arith.constant 0 : i32
    %dma_start3A_746 = arith.constant 0 : i32
    %dma_start3A_747 = tpu.memref_slice %arg9[%dma_start3A_743, %dma_start3A_745, %dma_start3A_746] : memref<12x512x16xf32, #tpu.memory_space<vmem>> -> memref<1x512x16xf32, #tpu.memory_space<vmem>>
    %dma_start3A_748 = tpu.memref_squeeze %dma_start3A_747 : memref<1x512x16xf32, #tpu.memory_space<vmem>> -> memref<512x16xf32, #tpu.memory_space<vmem>>
    %dma_start3A_749 = arith.constant 0 : i32
    %dma_start3A_750 = arith.constant 0 : i32
    %dma_start3A_751 = tpu.memref_slice %arg7[%dma_start3A_744, %add3A, %dma_start3A_749, %dma_start3A_750] : memref<12x32x512x16xf32, #tpu.memory_space<hbm>> -> memref<1x1x512x16xf32, #tpu.memory_space<hbm>>
    %dma_start3A_752 = tpu.memref_squeeze %dma_start3A_751 : memref<1x1x512x16xf32, #tpu.memory_space<hbm>> -> memref<512x16xf32, #tpu.memory_space<hbm>>
    %dma_start3A_753 = arith.constant 0 : i32
    %dma_start3A_754 = arith.constant 0 : i32
    %dma_start3A_755 = tpu.memref_slice %arg7[%dma_start3A_744, %add3A, %dma_start3A_753, %dma_start3A_754] : memref<12x32x512x16xf32, #tpu.memory_space<hbm>> -> memref<1x1x512x16xf32, #tpu.memory_space<hbm>>
    %dma_start3A_756 = tpu.memref_squeeze %dma_start3A_755 : memref<1x1x512x16xf32, #tpu.memory_space<hbm>> -> memref<512x16xf32, #tpu.memory_space<hbm>>
    %dma_start3A_757 = arith.constant 0 : i32
    %dma_start3A_758 = arith.constant 0 : i32
    %dma_start3A_759 = tpu.memref_slice %arg9[%dma_start3A_743, %dma_start3A_757, %dma_start3A_758] : memref<12x512x16xf32, #tpu.memory_space<vmem>> -> memref<1x512x16xf32, #tpu.memory_space<vmem>>
    %dma_start3A_760 = tpu.memref_squeeze %dma_start3A_759 : memref<1x512x16xf32, #tpu.memory_space<vmem>> -> memref<512x16xf32, #tpu.memory_space<vmem>>
    tpu.enqueue_dma source(%dma_start3A_760 : memref<512x16xf32, #tpu.memory_space<vmem>>) target(%dma_start3A_756 : memref<512x16xf32, #tpu.memory_space<hbm>>) target_semaphore(%arg10 : memref<!tpu.dma_semaphore, #tpu.memory_space<semaphore_mem>>)
    %dma_start3A_761 = arith.constant 9 : i32
    %dma_start3A_762 = arith.constant 9 : i32
    %dma_start3A_763 = arith.constant 0 : i32
    %dma_start3A_764 = arith.constant 0 : i32
    %dma_start3A_765 = tpu.memref_slice %arg9[%dma_start3A_761, %dma_start3A_763, %dma_start3A_764] : memref<12x512x16xf32, #tpu.memory_space<vmem>> -> memref<1x512x16xf32, #tpu.memory_space<vmem>>
    %dma_start3A_766 = tpu.memref_squeeze %dma_start3A_765 : memref<1x512x16xf32, #tpu.memory_space<vmem>> -> memref<512x16xf32, #tpu.memory_space<vmem>>
    %dma_start3A_767 = arith.constant 0 : i32
    %dma_start3A_768 = arith.constant 0 : i32
    %dma_start3A_769 = tpu.memref_slice %arg7[%dma_start3A_762, %add3A, %dma_start3A_767, %dma_start3A_768] : memref<12x32x512x16xf32, #tpu.memory_space<hbm>> -> memref<1x1x512x16xf32, #tpu.memory_space<hbm>>
    %dma_start3A_770 = tpu.memref_squeeze %dma_start3A_769 : memref<1x1x512x16xf32, #tpu.memory_space<hbm>> -> memref<512x16xf32, #tpu.memory_space<hbm>>
    %dma_start3A_771 = arith.constant 0 : i32
    %dma_start3A_772 = arith.constant 0 : i32
    %dma_start3A_773 = tpu.memref_slice %arg7[%dma_start3A_762, %add3A, %dma_start3A_771, %dma_start3A_772] : memref<12x32x512x16xf32, #tpu.memory_space<hbm>> -> memref<1x1x512x16xf32, #tpu.memory_space<hbm>>
    %dma_start3A_774 = tpu.memref_squeeze %dma_start3A_773 : memref<1x1x512x16xf32, #tpu.memory_space<hbm>> -> memref<512x16xf32, #tpu.memory_space<hbm>>
    %dma_start3A_775 = arith.constant 0 : i32
    %dma_start3A_776 = arith.constant 0 : i32
    %dma_start3A_777 = tpu.memref_slice %arg9[%dma_start3A_761, %dma_start3A_775, %dma_start3A_776] : memref<12x512x16xf32, #tpu.memory_space<vmem>> -> memref<1x512x16xf32, #tpu.memory_space<vmem>>
    %dma_start3A_778 = tpu.memref_squeeze %dma_start3A_777 : memref<1x512x16xf32, #tpu.memory_space<vmem>> -> memref<512x16xf32, #tpu.memory_space<vmem>>
    tpu.enqueue_dma source(%dma_start3A_778 : memref<512x16xf32, #tpu.memory_space<vmem>>) target(%dma_start3A_774 : memref<512x16xf32, #tpu.memory_space<hbm>>) target_semaphore(%arg10 : memref<!tpu.dma_semaphore, #tpu.memory_space<semaphore_mem>>)
    %dma_start3A_779 = arith.constant 10 : i32
    %dma_start3A_780 = arith.constant 10 : i32
    %dma_start3A_781 = arith.constant 0 : i32
    %dma_start3A_782 = arith.constant 0 : i32
    %dma_start3A_783 = tpu.memref_slice %arg9[%dma_start3A_779, %dma_start3A_781, %dma_start3A_782] : memref<12x512x16xf32, #tpu.memory_space<vmem>> -> memref<1x512x16xf32, #tpu.memory_space<vmem>>
    %dma_start3A_784 = tpu.memref_squeeze %dma_start3A_783 : memref<1x512x16xf32, #tpu.memory_space<vmem>> -> memref<512x16xf32, #tpu.memory_space<vmem>>
    %dma_start3A_785 = arith.constant 0 : i32
    %dma_start3A_786 = arith.constant 0 : i32
    %dma_start3A_787 = tpu.memref_slice %arg7[%dma_start3A_780, %add3A, %dma_start3A_785, %dma_start3A_786] : memref<12x32x512x16xf32, #tpu.memory_space<hbm>> -> memref<1x1x512x16xf32, #tpu.memory_space<hbm>>
    %dma_start3A_788 = tpu.memref_squeeze %dma_start3A_787 : memref<1x1x512x16xf32, #tpu.memory_space<hbm>> -> memref<512x16xf32, #tpu.memory_space<hbm>>
    %dma_start3A_789 = arith.constant 0 : i32
    %dma_start3A_790 = arith.constant 0 : i32
    %dma_start3A_791 = tpu.memref_slice %arg7[%dma_start3A_780, %add3A, %dma_start3A_789, %dma_start3A_790] : memref<12x32x512x16xf32, #tpu.memory_space<hbm>> -> memref<1x1x512x16xf32, #tpu.memory_space<hbm>>
    %dma_start3A_792 = tpu.memref_squeeze %dma_start3A_791 : memref<1x1x512x16xf32, #tpu.memory_space<hbm>> -> memref<512x16xf32, #tpu.memory_space<hbm>>
    %dma_start3A_793 = arith.constant 0 : i32
    %dma_start3A_794 = arith.constant 0 : i32
    %dma_start3A_795 = tpu.memref_slice %arg9[%dma_start3A_779, %dma_start3A_793, %dma_start3A_794] : memref<12x512x16xf32, #tpu.memory_space<vmem>> -> memref<1x512x16xf32, #tpu.memory_space<vmem>>
    %dma_start3A_796 = tpu.memref_squeeze %dma_start3A_795 : memref<1x512x16xf32, #tpu.memory_space<vmem>> -> memref<512x16xf32, #tpu.memory_space<vmem>>
    tpu.enqueue_dma source(%dma_start3A_796 : memref<512x16xf32, #tpu.memory_space<vmem>>) target(%dma_start3A_792 : memref<512x16xf32, #tpu.memory_space<hbm>>) target_semaphore(%arg10 : memref<!tpu.dma_semaphore, #tpu.memory_space<semaphore_mem>>)
    %dma_start3A_797 = arith.constant 11 : i32
    %dma_start3A_798 = arith.constant 11 : i32
    %dma_start3A_799 = arith.constant 0 : i32
    %dma_start3A_800 = arith.constant 0 : i32
    %dma_start3A_801 = tpu.memref_slice %arg9[%dma_start3A_797, %dma_start3A_799, %dma_start3A_800] : memref<12x512x16xf32, #tpu.memory_space<vmem>> -> memref<1x512x16xf32, #tpu.memory_space<vmem>>
    %dma_start3A_802 = tpu.memref_squeeze %dma_start3A_801 : memref<1x512x16xf32, #tpu.memory_space<vmem>> -> memref<512x16xf32, #tpu.memory_space<vmem>>
    %dma_start3A_803 = arith.constant 0 : i32
    %dma_start3A_804 = arith.constant 0 : i32
    %dma_start3A_805 = tpu.memref_slice %arg7[%dma_start3A_798, %add3A, %dma_start3A_803, %dma_start3A_804] : memref<12x32x512x16xf32, #tpu.memory_space<hbm>> -> memref<1x1x512x16xf32, #tpu.memory_space<hbm>>
    %dma_start3A_806 = tpu.memref_squeeze %dma_start3A_805 : memref<1x1x512x16xf32, #tpu.memory_space<hbm>> -> memref<512x16xf32, #tpu.memory_space<hbm>>
    %dma_start3A_807 = arith.constant 0 : i32
    %dma_start3A_808 = arith.constant 0 : i32
    %dma_start3A_809 = tpu.memref_slice %arg7[%dma_start3A_798, %add3A, %dma_start3A_807, %dma_start3A_808] : memref<12x32x512x16xf32, #tpu.memory_space<hbm>> -> memref<1x1x512x16xf32, #tpu.memory_space<hbm>>
    %dma_start3A_810 = tpu.memref_squeeze %dma_start3A_809 : memref<1x1x512x16xf32, #tpu.memory_space<hbm>> -> memref<512x16xf32, #tpu.memory_space<hbm>>
    %dma_start3A_811 = arith.constant 0 : i32
    %dma_start3A_812 = arith.constant 0 : i32
    %dma_start3A_813 = tpu.memref_slice %arg9[%dma_start3A_797, %dma_start3A_811, %dma_start3A_812] : memref<12x512x16xf32, #tpu.memory_space<vmem>> -> memref<1x512x16xf32, #tpu.memory_space<vmem>>
    %dma_start3A_814 = tpu.memref_squeeze %dma_start3A_813 : memref<1x512x16xf32, #tpu.memory_space<vmem>> -> memref<512x16xf32, #tpu.memory_space<vmem>>
    tpu.enqueue_dma source(%dma_start3A_814 : memref<512x16xf32, #tpu.memory_space<vmem>>) target(%dma_start3A_810 : memref<512x16xf32, #tpu.memory_space<hbm>>) target_semaphore(%arg10 : memref<!tpu.dma_semaphore, #tpu.memory_space<semaphore_mem>>)
    %dma_wait3A_815 = arith.constant 0 : i32
    %dma_wait3A_816 = arith.constant 0 : i32
    %dma_wait3A_817 = arith.constant 0 : i32
    %dma_wait3A_818 = arith.constant 0 : i32
    %dma_wait3A_819 = tpu.memref_slice %arg9[%dma_wait3A_815, %dma_wait3A_817, %dma_wait3A_818] : memref<12x512x16xf32, #tpu.memory_space<vmem>> -> memref<1x512x16xf32, #tpu.memory_space<vmem>>
    %dma_wait3A_820 = tpu.memref_squeeze %dma_wait3A_819 : memref<1x512x16xf32, #tpu.memory_space<vmem>> -> memref<512x16xf32, #tpu.memory_space<vmem>>
    %dma_wait3A_821 = arith.constant 0 : i32
    %dma_wait3A_822 = arith.constant 0 : i32
    %dma_wait3A_823 = tpu.memref_slice %arg7[%dma_wait3A_816, %add3A, %dma_wait3A_821, %dma_wait3A_822] : memref<12x32x512x16xf32, #tpu.memory_space<hbm>> -> memref<1x1x512x16xf32, #tpu.memory_space<hbm>>
    %dma_wait3A_824 = tpu.memref_squeeze %dma_wait3A_823 : memref<1x1x512x16xf32, #tpu.memory_space<hbm>> -> memref<512x16xf32, #tpu.memory_space<hbm>>
    %dma_wait3A_825 = arith.constant 0 : i32
    %dma_wait3A_826 = arith.constant 0 : i32
    %dma_wait3A_827 = tpu.memref_slice %arg7[%dma_wait3A_816, %add3A, %dma_wait3A_825, %dma_wait3A_826] : memref<12x32x512x16xf32, #tpu.memory_space<hbm>> -> memref<1x1x512x16xf32, #tpu.memory_space<hbm>>
    %dma_wait3A_828 = tpu.memref_squeeze %dma_wait3A_827 : memref<1x1x512x16xf32, #tpu.memory_space<hbm>> -> memref<512x16xf32, #tpu.memory_space<hbm>>
    %dma_wait3A_829 = arith.constant 0 : i32
    %dma_wait3A_830 = arith.constant 0 : i32
    %dma_wait3A_831 = tpu.memref_slice %arg9[%dma_wait3A_815, %dma_wait3A_829, %dma_wait3A_830] : memref<12x512x16xf32, #tpu.memory_space<vmem>> -> memref<1x512x16xf32, #tpu.memory_space<vmem>>
    %dma_wait3A_832 = tpu.memref_squeeze %dma_wait3A_831 : memref<1x512x16xf32, #tpu.memory_space<vmem>> -> memref<512x16xf32, #tpu.memory_space<vmem>>
    tpu.wait_dma2 semaphore(%arg10 : memref<!tpu.dma_semaphore, #tpu.memory_space<semaphore_mem>>) src(%dma_wait3A_832 : memref<512x16xf32, #tpu.memory_space<vmem>>) dst(%dma_wait3A_828 : memref<512x16xf32, #tpu.memory_space<hbm>>)
    %dma_wait3A_833 = arith.constant 1 : i32
    %dma_wait3A_834 = arith.constant 1 : i32
    %dma_wait3A_835 = arith.constant 0 : i32
    %dma_wait3A_836 = arith.constant 0 : i32
    %dma_wait3A_837 = tpu.memref_slice %arg9[%dma_wait3A_833, %dma_wait3A_835, %dma_wait3A_836] : memref<12x512x16xf32, #tpu.memory_space<vmem>> -> memref<1x512x16xf32, #tpu.memory_space<vmem>>
    %dma_wait3A_838 = tpu.memref_squeeze %dma_wait3A_837 : memref<1x512x16xf32, #tpu.memory_space<vmem>> -> memref<512x16xf32, #tpu.memory_space<vmem>>
    %dma_wait3A_839 = arith.constant 0 : i32
    %dma_wait3A_840 = arith.constant 0 : i32
    %dma_wait3A_841 = tpu.memref_slice %arg7[%dma_wait3A_834, %add3A, %dma_wait3A_839, %dma_wait3A_840] : memref<12x32x512x16xf32, #tpu.memory_space<hbm>> -> memref<1x1x512x16xf32, #tpu.memory_space<hbm>>
    %dma_wait3A_842 = tpu.memref_squeeze %dma_wait3A_841 : memref<1x1x512x16xf32, #tpu.memory_space<hbm>> -> memref<512x16xf32, #tpu.memory_space<hbm>>
    %dma_wait3A_843 = arith.constant 0 : i32
    %dma_wait3A_844 = arith.constant 0 : i32
    %dma_wait3A_845 = tpu.memref_slice %arg7[%dma_wait3A_834, %add3A, %dma_wait3A_843, %dma_wait3A_844] : memref<12x32x512x16xf32, #tpu.memory_space<hbm>> -> memref<1x1x512x16xf32, #tpu.memory_space<hbm>>
    %dma_wait3A_846 = tpu.memref_squeeze %dma_wait3A_845 : memref<1x1x512x16xf32, #tpu.memory_space<hbm>> -> memref<512x16xf32, #tpu.memory_space<hbm>>
    %dma_wait3A_847 = arith.constant 0 : i32
    %dma_wait3A_848 = arith.constant 0 : i32
    %dma_wait3A_849 = tpu.memref_slice %arg9[%dma_wait3A_833, %dma_wait3A_847, %dma_wait3A_848] : memref<12x512x16xf32, #tpu.memory_space<vmem>> -> memref<1x512x16xf32, #tpu.memory_space<vmem>>
    %dma_wait3A_850 = tpu.memref_squeeze %dma_wait3A_849 : memref<1x512x16xf32, #tpu.memory_space<vmem>> -> memref<512x16xf32, #tpu.memory_space<vmem>>
    tpu.wait_dma2 semaphore(%arg10 : memref<!tpu.dma_semaphore, #tpu.memory_space<semaphore_mem>>) src(%dma_wait3A_850 : memref<512x16xf32, #tpu.memory_space<vmem>>) dst(%dma_wait3A_846 : memref<512x16xf32, #tpu.memory_space<hbm>>)
    %dma_wait3A_851 = arith.constant 2 : i32
    %dma_wait3A_852 = arith.constant 2 : i32
    %dma_wait3A_853 = arith.constant 0 : i32
    %dma_wait3A_854 = arith.constant 0 : i32
    %dma_wait3A_855 = tpu.memref_slice %arg9[%dma_wait3A_851, %dma_wait3A_853, %dma_wait3A_854] : memref<12x512x16xf32, #tpu.memory_space<vmem>> -> memref<1x512x16xf32, #tpu.memory_space<vmem>>
    %dma_wait3A_856 = tpu.memref_squeeze %dma_wait3A_855 : memref<1x512x16xf32, #tpu.memory_space<vmem>> -> memref<512x16xf32, #tpu.memory_space<vmem>>
    %dma_wait3A_857 = arith.constant 0 : i32
    %dma_wait3A_858 = arith.constant 0 : i32
    %dma_wait3A_859 = tpu.memref_slice %arg7[%dma_wait3A_852, %add3A, %dma_wait3A_857, %dma_wait3A_858] : memref<12x32x512x16xf32, #tpu.memory_space<hbm>> -> memref<1x1x512x16xf32, #tpu.memory_space<hbm>>
    %dma_wait3A_860 = tpu.memref_squeeze %dma_wait3A_859 : memref<1x1x512x16xf32, #tpu.memory_space<hbm>> -> memref<512x16xf32, #tpu.memory_space<hbm>>
    %dma_wait3A_861 = arith.constant 0 : i32
    %dma_wait3A_862 = arith.constant 0 : i32
    %dma_wait3A_863 = tpu.memref_slice %arg7[%dma_wait3A_852, %add3A, %dma_wait3A_861, %dma_wait3A_862] : memref<12x32x512x16xf32, #tpu.memory_space<hbm>> -> memref<1x1x512x16xf32, #tpu.memory_space<hbm>>
    %dma_wait3A_864 = tpu.memref_squeeze %dma_wait3A_863 : memref<1x1x512x16xf32, #tpu.memory_space<hbm>> -> memref<512x16xf32, #tpu.memory_space<hbm>>
    %dma_wait3A_865 = arith.constant 0 : i32
    %dma_wait3A_866 = arith.constant 0 : i32
    %dma_wait3A_867 = tpu.memref_slice %arg9[%dma_wait3A_851, %dma_wait3A_865, %dma_wait3A_866] : memref<12x512x16xf32, #tpu.memory_space<vmem>> -> memref<1x512x16xf32, #tpu.memory_space<vmem>>
    %dma_wait3A_868 = tpu.memref_squeeze %dma_wait3A_867 : memref<1x512x16xf32, #tpu.memory_space<vmem>> -> memref<512x16xf32, #tpu.memory_space<vmem>>
    tpu.wait_dma2 semaphore(%arg10 : memref<!tpu.dma_semaphore, #tpu.memory_space<semaphore_mem>>) src(%dma_wait3A_868 : memref<512x16xf32, #tpu.memory_space<vmem>>) dst(%dma_wait3A_864 : memref<512x16xf32, #tpu.memory_space<hbm>>)
    %dma_wait3A_869 = arith.constant 3 : i32
    %dma_wait3A_870 = arith.constant 3 : i32
    %dma_wait3A_871 = arith.constant 0 : i32
    %dma_wait3A_872 = arith.constant 0 : i32
    %dma_wait3A_873 = tpu.memref_slice %arg9[%dma_wait3A_869, %dma_wait3A_871, %dma_wait3A_872] : memref<12x512x16xf32, #tpu.memory_space<vmem>> -> memref<1x512x16xf32, #tpu.memory_space<vmem>>
    %dma_wait3A_874 = tpu.memref_squeeze %dma_wait3A_873 : memref<1x512x16xf32, #tpu.memory_space<vmem>> -> memref<512x16xf32, #tpu.memory_space<vmem>>
    %dma_wait3A_875 = arith.constant 0 : i32
    %dma_wait3A_876 = arith.constant 0 : i32
    %dma_wait3A_877 = tpu.memref_slice %arg7[%dma_wait3A_870, %add3A, %dma_wait3A_875, %dma_wait3A_876] : memref<12x32x512x16xf32, #tpu.memory_space<hbm>> -> memref<1x1x512x16xf32, #tpu.memory_space<hbm>>
    %dma_wait3A_878 = tpu.memref_squeeze %dma_wait3A_877 : memref<1x1x512x16xf32, #tpu.memory_space<hbm>> -> memref<512x16xf32, #tpu.memory_space<hbm>>
    %dma_wait3A_879 = arith.constant 0 : i32
    %dma_wait3A_880 = arith.constant 0 : i32
    %dma_wait3A_881 = tpu.memref_slice %arg7[%dma_wait3A_870, %add3A, %dma_wait3A_879, %dma_wait3A_880] : memref<12x32x512x16xf32, #tpu.memory_space<hbm>> -> memref<1x1x512x16xf32, #tpu.memory_space<hbm>>
    %dma_wait3A_882 = tpu.memref_squeeze %dma_wait3A_881 : memref<1x1x512x16xf32, #tpu.memory_space<hbm>> -> memref<512x16xf32, #tpu.memory_space<hbm>>
    %dma_wait3A_883 = arith.constant 0 : i32
    %dma_wait3A_884 = arith.constant 0 : i32
    %dma_wait3A_885 = tpu.memref_slice %arg9[%dma_wait3A_869, %dma_wait3A_883, %dma_wait3A_884] : memref<12x512x16xf32, #tpu.memory_space<vmem>> -> memref<1x512x16xf32, #tpu.memory_space<vmem>>
    %dma_wait3A_886 = tpu.memref_squeeze %dma_wait3A_885 : memref<1x512x16xf32, #tpu.memory_space<vmem>> -> memref<512x16xf32, #tpu.memory_space<vmem>>
    tpu.wait_dma2 semaphore(%arg10 : memref<!tpu.dma_semaphore, #tpu.memory_space<semaphore_mem>>) src(%dma_wait3A_886 : memref<512x16xf32, #tpu.memory_space<vmem>>) dst(%dma_wait3A_882 : memref<512x16xf32, #tpu.memory_space<hbm>>)
    %dma_wait3A_887 = arith.constant 4 : i32
    %dma_wait3A_888 = arith.constant 4 : i32
    %dma_wait3A_889 = arith.constant 0 : i32
    %dma_wait3A_890 = arith.constant 0 : i32
    %dma_wait3A_891 = tpu.memref_slice %arg9[%dma_wait3A_887, %dma_wait3A_889, %dma_wait3A_890] : memref<12x512x16xf32, #tpu.memory_space<vmem>> -> memref<1x512x16xf32, #tpu.memory_space<vmem>>
    %dma_wait3A_892 = tpu.memref_squeeze %dma_wait3A_891 : memref<1x512x16xf32, #tpu.memory_space<vmem>> -> memref<512x16xf32, #tpu.memory_space<vmem>>
    %dma_wait3A_893 = arith.constant 0 : i32
    %dma_wait3A_894 = arith.constant 0 : i32
    %dma_wait3A_895 = tpu.memref_slice %arg7[%dma_wait3A_888, %add3A, %dma_wait3A_893, %dma_wait3A_894] : memref<12x32x512x16xf32, #tpu.memory_space<hbm>> -> memref<1x1x512x16xf32, #tpu.memory_space<hbm>>
    %dma_wait3A_896 = tpu.memref_squeeze %dma_wait3A_895 : memref<1x1x512x16xf32, #tpu.memory_space<hbm>> -> memref<512x16xf32, #tpu.memory_space<hbm>>
    %dma_wait3A_897 = arith.constant 0 : i32
    %dma_wait3A_898 = arith.constant 0 : i32
    %dma_wait3A_899 = tpu.memref_slice %arg7[%dma_wait3A_888, %add3A, %dma_wait3A_897, %dma_wait3A_898] : memref<12x32x512x16xf32, #tpu.memory_space<hbm>> -> memref<1x1x512x16xf32, #tpu.memory_space<hbm>>
    %dma_wait3A_900 = tpu.memref_squeeze %dma_wait3A_899 : memref<1x1x512x16xf32, #tpu.memory_space<hbm>> -> memref<512x16xf32, #tpu.memory_space<hbm>>
    %dma_wait3A_901 = arith.constant 0 : i32
    %dma_wait3A_902 = arith.constant 0 : i32
    %dma_wait3A_903 = tpu.memref_slice %arg9[%dma_wait3A_887, %dma_wait3A_901, %dma_wait3A_902] : memref<12x512x16xf32, #tpu.memory_space<vmem>> -> memref<1x512x16xf32, #tpu.memory_space<vmem>>
    %dma_wait3A_904 = tpu.memref_squeeze %dma_wait3A_903 : memref<1x512x16xf32, #tpu.memory_space<vmem>> -> memref<512x16xf32, #tpu.memory_space<vmem>>
    tpu.wait_dma2 semaphore(%arg10 : memref<!tpu.dma_semaphore, #tpu.memory_space<semaphore_mem>>) src(%dma_wait3A_904 : memref<512x16xf32, #tpu.memory_space<vmem>>) dst(%dma_wait3A_900 : memref<512x16xf32, #tpu.memory_space<hbm>>)
    %dma_wait3A_905 = arith.constant 5 : i32
    %dma_wait3A_906 = arith.constant 5 : i32
    %dma_wait3A_907 = arith.constant 0 : i32
    %dma_wait3A_908 = arith.constant 0 : i32
    %dma_wait3A_909 = tpu.memref_slice %arg9[%dma_wait3A_905, %dma_wait3A_907, %dma_wait3A_908] : memref<12x512x16xf32, #tpu.memory_space<vmem>> -> memref<1x512x16xf32, #tpu.memory_space<vmem>>
    %dma_wait3A_910 = tpu.memref_squeeze %dma_wait3A_909 : memref<1x512x16xf32, #tpu.memory_space<vmem>> -> memref<512x16xf32, #tpu.memory_space<vmem>>
    %dma_wait3A_911 = arith.constant 0 : i32
    %dma_wait3A_912 = arith.constant 0 : i32
    %dma_wait3A_913 = tpu.memref_slice %arg7[%dma_wait3A_906, %add3A, %dma_wait3A_911, %dma_wait3A_912] : memref<12x32x512x16xf32, #tpu.memory_space<hbm>> -> memref<1x1x512x16xf32, #tpu.memory_space<hbm>>
    %dma_wait3A_914 = tpu.memref_squeeze %dma_wait3A_913 : memref<1x1x512x16xf32, #tpu.memory_space<hbm>> -> memref<512x16xf32, #tpu.memory_space<hbm>>
    %dma_wait3A_915 = arith.constant 0 : i32
    %dma_wait3A_916 = arith.constant 0 : i32
    %dma_wait3A_917 = tpu.memref_slice %arg7[%dma_wait3A_906, %add3A, %dma_wait3A_915, %dma_wait3A_916] : memref<12x32x512x16xf32, #tpu.memory_space<hbm>> -> memref<1x1x512x16xf32, #tpu.memory_space<hbm>>
    %dma_wait3A_918 = tpu.memref_squeeze %dma_wait3A_917 : memref<1x1x512x16xf32, #tpu.memory_space<hbm>> -> memref<512x16xf32, #tpu.memory_space<hbm>>
    %dma_wait3A_919 = arith.constant 0 : i32
    %dma_wait3A_920 = arith.constant 0 : i32
    %dma_wait3A_921 = tpu.memref_slice %arg9[%dma_wait3A_905, %dma_wait3A_919, %dma_wait3A_920] : memref<12x512x16xf32, #tpu.memory_space<vmem>> -> memref<1x512x16xf32, #tpu.memory_space<vmem>>
    %dma_wait3A_922 = tpu.memref_squeeze %dma_wait3A_921 : memref<1x512x16xf32, #tpu.memory_space<vmem>> -> memref<512x16xf32, #tpu.memory_space<vmem>>
    tpu.wait_dma2 semaphore(%arg10 : memref<!tpu.dma_semaphore, #tpu.memory_space<semaphore_mem>>) src(%dma_wait3A_922 : memref<512x16xf32, #tpu.memory_space<vmem>>) dst(%dma_wait3A_918 : memref<512x16xf32, #tpu.memory_space<hbm>>)
    %dma_wait3A_923 = arith.constant 6 : i32
    %dma_wait3A_924 = arith.constant 6 : i32
    %dma_wait3A_925 = arith.constant 0 : i32
    %dma_wait3A_926 = arith.constant 0 : i32
    %dma_wait3A_927 = tpu.memref_slice %arg9[%dma_wait3A_923, %dma_wait3A_925, %dma_wait3A_926] : memref<12x512x16xf32, #tpu.memory_space<vmem>> -> memref<1x512x16xf32, #tpu.memory_space<vmem>>
    %dma_wait3A_928 = tpu.memref_squeeze %dma_wait3A_927 : memref<1x512x16xf32, #tpu.memory_space<vmem>> -> memref<512x16xf32, #tpu.memory_space<vmem>>
    %dma_wait3A_929 = arith.constant 0 : i32
    %dma_wait3A_930 = arith.constant 0 : i32
    %dma_wait3A_931 = tpu.memref_slice %arg7[%dma_wait3A_924, %add3A, %dma_wait3A_929, %dma_wait3A_930] : memref<12x32x512x16xf32, #tpu.memory_space<hbm>> -> memref<1x1x512x16xf32, #tpu.memory_space<hbm>>
    %dma_wait3A_932 = tpu.memref_squeeze %dma_wait3A_931 : memref<1x1x512x16xf32, #tpu.memory_space<hbm>> -> memref<512x16xf32, #tpu.memory_space<hbm>>
    %dma_wait3A_933 = arith.constant 0 : i32
    %dma_wait3A_934 = arith.constant 0 : i32
    %dma_wait3A_935 = tpu.memref_slice %arg7[%dma_wait3A_924, %add3A, %dma_wait3A_933, %dma_wait3A_934] : memref<12x32x512x16xf32, #tpu.memory_space<hbm>> -> memref<1x1x512x16xf32, #tpu.memory_space<hbm>>
    %dma_wait3A_936 = tpu.memref_squeeze %dma_wait3A_935 : memref<1x1x512x16xf32, #tpu.memory_space<hbm>> -> memref<512x16xf32, #tpu.memory_space<hbm>>
    %dma_wait3A_937 = arith.constant 0 : i32
    %dma_wait3A_938 = arith.constant 0 : i32
    %dma_wait3A_939 = tpu.memref_slice %arg9[%dma_wait3A_923, %dma_wait3A_937, %dma_wait3A_938] : memref<12x512x16xf32, #tpu.memory_space<vmem>> -> memref<1x512x16xf32, #tpu.memory_space<vmem>>
    %dma_wait3A_940 = tpu.memref_squeeze %dma_wait3A_939 : memref<1x512x16xf32, #tpu.memory_space<vmem>> -> memref<512x16xf32, #tpu.memory_space<vmem>>
    tpu.wait_dma2 semaphore(%arg10 : memref<!tpu.dma_semaphore, #tpu.memory_space<semaphore_mem>>) src(%dma_wait3A_940 : memref<512x16xf32, #tpu.memory_space<vmem>>) dst(%dma_wait3A_936 : memref<512x16xf32, #tpu.memory_space<hbm>>)
    %dma_wait3A_941 = arith.constant 7 : i32
    %dma_wait3A_942 = arith.constant 7 : i32
    %dma_wait3A_943 = arith.constant 0 : i32
    %dma_wait3A_944 = arith.constant 0 : i32
    %dma_wait3A_945 = tpu.memref_slice %arg9[%dma_wait3A_941, %dma_wait3A_943, %dma_wait3A_944] : memref<12x512x16xf32, #tpu.memory_space<vmem>> -> memref<1x512x16xf32, #tpu.memory_space<vmem>>
    %dma_wait3A_946 = tpu.memref_squeeze %dma_wait3A_945 : memref<1x512x16xf32, #tpu.memory_space<vmem>> -> memref<512x16xf32, #tpu.memory_space<vmem>>
    %dma_wait3A_947 = arith.constant 0 : i32
    %dma_wait3A_948 = arith.constant 0 : i32
    %dma_wait3A_949 = tpu.memref_slice %arg7[%dma_wait3A_942, %add3A, %dma_wait3A_947, %dma_wait3A_948] : memref<12x32x512x16xf32, #tpu.memory_space<hbm>> -> memref<1x1x512x16xf32, #tpu.memory_space<hbm>>
    %dma_wait3A_950 = tpu.memref_squeeze %dma_wait3A_949 : memref<1x1x512x16xf32, #tpu.memory_space<hbm>> -> memref<512x16xf32, #tpu.memory_space<hbm>>
    %dma_wait3A_951 = arith.constant 0 : i32
    %dma_wait3A_952 = arith.constant 0 : i32
    %dma_wait3A_953 = tpu.memref_slice %arg7[%dma_wait3A_942, %add3A, %dma_wait3A_951, %dma_wait3A_952] : memref<12x32x512x16xf32, #tpu.memory_space<hbm>> -> memref<1x1x512x16xf32, #tpu.memory_space<hbm>>
    %dma_wait3A_954 = tpu.memref_squeeze %dma_wait3A_953 : memref<1x1x512x16xf32, #tpu.memory_space<hbm>> -> memref<512x16xf32, #tpu.memory_space<hbm>>
    %dma_wait3A_955 = arith.constant 0 : i32
    %dma_wait3A_956 = arith.constant 0 : i32
    %dma_wait3A_957 = tpu.memref_slice %arg9[%dma_wait3A_941, %dma_wait3A_955, %dma_wait3A_956] : memref<12x512x16xf32, #tpu.memory_space<vmem>> -> memref<1x512x16xf32, #tpu.memory_space<vmem>>
    %dma_wait3A_958 = tpu.memref_squeeze %dma_wait3A_957 : memref<1x512x16xf32, #tpu.memory_space<vmem>> -> memref<512x16xf32, #tpu.memory_space<vmem>>
    tpu.wait_dma2 semaphore(%arg10 : memref<!tpu.dma_semaphore, #tpu.memory_space<semaphore_mem>>) src(%dma_wait3A_958 : memref<512x16xf32, #tpu.memory_space<vmem>>) dst(%dma_wait3A_954 : memref<512x16xf32, #tpu.memory_space<hbm>>)
    %dma_wait3A_959 = arith.constant 8 : i32
    %dma_wait3A_960 = arith.constant 8 : i32
    %dma_wait3A_961 = arith.constant 0 : i32
    %dma_wait3A_962 = arith.constant 0 : i32
    %dma_wait3A_963 = tpu.memref_slice %arg9[%dma_wait3A_959, %dma_wait3A_961, %dma_wait3A_962] : memref<12x512x16xf32, #tpu.memory_space<vmem>> -> memref<1x512x16xf32, #tpu.memory_space<vmem>>
    %dma_wait3A_964 = tpu.memref_squeeze %dma_wait3A_963 : memref<1x512x16xf32, #tpu.memory_space<vmem>> -> memref<512x16xf32, #tpu.memory_space<vmem>>
    %dma_wait3A_965 = arith.constant 0 : i32
    %dma_wait3A_966 = arith.constant 0 : i32
    %dma_wait3A_967 = tpu.memref_slice %arg7[%dma_wait3A_960, %add3A, %dma_wait3A_965, %dma_wait3A_966] : memref<12x32x512x16xf32, #tpu.memory_space<hbm>> -> memref<1x1x512x16xf32, #tpu.memory_space<hbm>>
    %dma_wait3A_968 = tpu.memref_squeeze %dma_wait3A_967 : memref<1x1x512x16xf32, #tpu.memory_space<hbm>> -> memref<512x16xf32, #tpu.memory_space<hbm>>
    %dma_wait3A_969 = arith.constant 0 : i32
    %dma_wait3A_970 = arith.constant 0 : i32
    %dma_wait3A_971 = tpu.memref_slice %arg7[%dma_wait3A_960, %add3A, %dma_wait3A_969, %dma_wait3A_970] : memref<12x32x512x16xf32, #tpu.memory_space<hbm>> -> memref<1x1x512x16xf32, #tpu.memory_space<hbm>>
    %dma_wait3A_972 = tpu.memref_squeeze %dma_wait3A_971 : memref<1x1x512x16xf32, #tpu.memory_space<hbm>> -> memref<512x16xf32, #tpu.memory_space<hbm>>
    %dma_wait3A_973 = arith.constant 0 : i32
    %dma_wait3A_974 = arith.constant 0 : i32
    %dma_wait3A_975 = tpu.memref_slice %arg9[%dma_wait3A_959, %dma_wait3A_973, %dma_wait3A_974] : memref<12x512x16xf32, #tpu.memory_space<vmem>> -> memref<1x512x16xf32, #tpu.memory_space<vmem>>
    %dma_wait3A_976 = tpu.memref_squeeze %dma_wait3A_975 : memref<1x512x16xf32, #tpu.memory_space<vmem>> -> memref<512x16xf32, #tpu.memory_space<vmem>>
    tpu.wait_dma2 semaphore(%arg10 : memref<!tpu.dma_semaphore, #tpu.memory_space<semaphore_mem>>) src(%dma_wait3A_976 : memref<512x16xf32, #tpu.memory_space<vmem>>) dst(%dma_wait3A_972 : memref<512x16xf32, #tpu.memory_space<hbm>>)
    %dma_wait3A_977 = arith.constant 9 : i32
    %dma_wait3A_978 = arith.constant 9 : i32
    %dma_wait3A_979 = arith.constant 0 : i32
    %dma_wait3A_980 = arith.constant 0 : i32
    %dma_wait3A_981 = tpu.memref_slice %arg9[%dma_wait3A_977, %dma_wait3A_979, %dma_wait3A_980] : memref<12x512x16xf32, #tpu.memory_space<vmem>> -> memref<1x512x16xf32, #tpu.memory_space<vmem>>
    %dma_wait3A_982 = tpu.memref_squeeze %dma_wait3A_981 : memref<1x512x16xf32, #tpu.memory_space<vmem>> -> memref<512x16xf32, #tpu.memory_space<vmem>>
    %dma_wait3A_983 = arith.constant 0 : i32
    %dma_wait3A_984 = arith.constant 0 : i32
    %dma_wait3A_985 = tpu.memref_slice %arg7[%dma_wait3A_978, %add3A, %dma_wait3A_983, %dma_wait3A_984] : memref<12x32x512x16xf32, #tpu.memory_space<hbm>> -> memref<1x1x512x16xf32, #tpu.memory_space<hbm>>
    %dma_wait3A_986 = tpu.memref_squeeze %dma_wait3A_985 : memref<1x1x512x16xf32, #tpu.memory_space<hbm>> -> memref<512x16xf32, #tpu.memory_space<hbm>>
    %dma_wait3A_987 = arith.constant 0 : i32
    %dma_wait3A_988 = arith.constant 0 : i32
    %dma_wait3A_989 = tpu.memref_slice %arg7[%dma_wait3A_978, %add3A, %dma_wait3A_987, %dma_wait3A_988] : memref<12x32x512x16xf32, #tpu.memory_space<hbm>> -> memref<1x1x512x16xf32, #tpu.memory_space<hbm>>
    %dma_wait3A_990 = tpu.memref_squeeze %dma_wait3A_989 : memref<1x1x512x16xf32, #tpu.memory_space<hbm>> -> memref<512x16xf32, #tpu.memory_space<hbm>>
    %dma_wait3A_991 = arith.constant 0 : i32
    %dma_wait3A_992 = arith.constant 0 : i32
    %dma_wait3A_993 = tpu.memref_slice %arg9[%dma_wait3A_977, %dma_wait3A_991, %dma_wait3A_992] : memref<12x512x16xf32, #tpu.memory_space<vmem>> -> memref<1x512x16xf32, #tpu.memory_space<vmem>>
    %dma_wait3A_994 = tpu.memref_squeeze %dma_wait3A_993 : memref<1x512x16xf32, #tpu.memory_space<vmem>> -> memref<512x16xf32, #tpu.memory_space<vmem>>
    tpu.wait_dma2 semaphore(%arg10 : memref<!tpu.dma_semaphore, #tpu.memory_space<semaphore_mem>>) src(%dma_wait3A_994 : memref<512x16xf32, #tpu.memory_space<vmem>>) dst(%dma_wait3A_990 : memref<512x16xf32, #tpu.memory_space<hbm>>)
    %dma_wait3A_995 = arith.constant 10 : i32
    %dma_wait3A_996 = arith.constant 10 : i32
    %dma_wait3A_997 = arith.constant 0 : i32
    %dma_wait3A_998 = arith.constant 0 : i32
    %dma_wait3A_999 = tpu.memref_slice %arg9[%dma_wait3A_995, %dma_wait3A_997, %dma_wait3A_998] : memref<12x512x16xf32, #tpu.memory_space<vmem>> -> memref<1x512x16xf32, #tpu.memory_space<vmem>>
    %dma_wait3A_1000 = tpu.memref_squeeze %dma_wait3A_999 : memref<1x512x16xf32, #tpu.memory_space<vmem>> -> memref<512x16xf32, #tpu.memory_space<vmem>>
    %dma_wait3A_1001 = arith.constant 0 : i32
    %dma_wait3A_1002 = arith.constant 0 : i32
    %dma_wait3A_1003 = tpu.memref_slice %arg7[%dma_wait3A_996, %add3A, %dma_wait3A_1001, %dma_wait3A_1002] : memref<12x32x512x16xf32, #tpu.memory_space<hbm>> -> memref<1x1x512x16xf32, #tpu.memory_space<hbm>>
    %dma_wait3A_1004 = tpu.memref_squeeze %dma_wait3A_1003 : memref<1x1x512x16xf32, #tpu.memory_space<hbm>> -> memref<512x16xf32, #tpu.memory_space<hbm>>
    %dma_wait3A_1005 = arith.constant 0 : i32
    %dma_wait3A_1006 = arith.constant 0 : i32
    %dma_wait3A_1007 = tpu.memref_slice %arg7[%dma_wait3A_996, %add3A, %dma_wait3A_1005, %dma_wait3A_1006] : memref<12x32x512x16xf32, #tpu.memory_space<hbm>> -> memref<1x1x512x16xf32, #tpu.memory_space<hbm>>
    %dma_wait3A_1008 = tpu.memref_squeeze %dma_wait3A_1007 : memref<1x1x512x16xf32, #tpu.memory_space<hbm>> -> memref<512x16xf32, #tpu.memory_space<hbm>>
    %dma_wait3A_1009 = arith.constant 0 : i32
    %dma_wait3A_1010 = arith.constant 0 : i32
    %dma_wait3A_1011 = tpu.memref_slice %arg9[%dma_wait3A_995, %dma_wait3A_1009, %dma_wait3A_1010] : memref<12x512x16xf32, #tpu.memory_space<vmem>> -> memref<1x512x16xf32, #tpu.memory_space<vmem>>
    %dma_wait3A_1012 = tpu.memref_squeeze %dma_wait3A_1011 : memref<1x512x16xf32, #tpu.memory_space<vmem>> -> memref<512x16xf32, #tpu.memory_space<vmem>>
    tpu.wait_dma2 semaphore(%arg10 : memref<!tpu.dma_semaphore, #tpu.memory_space<semaphore_mem>>) src(%dma_wait3A_1012 : memref<512x16xf32, #tpu.memory_space<vmem>>) dst(%dma_wait3A_1008 : memref<512x16xf32, #tpu.memory_space<hbm>>)
    %dma_wait3A_1013 = arith.constant 11 : i32
    %dma_wait3A_1014 = arith.constant 11 : i32
    %dma_wait3A_1015 = arith.constant 0 : i32
    %dma_wait3A_1016 = arith.constant 0 : i32
    %dma_wait3A_1017 = tpu.memref_slice %arg9[%dma_wait3A_1013, %dma_wait3A_1015, %dma_wait3A_1016] : memref<12x512x16xf32, #tpu.memory_space<vmem>> -> memref<1x512x16xf32, #tpu.memory_space<vmem>>
    %dma_wait3A_1018 = tpu.memref_squeeze %dma_wait3A_1017 : memref<1x512x16xf32, #tpu.memory_space<vmem>> -> memref<512x16xf32, #tpu.memory_space<vmem>>
    %dma_wait3A_1019 = arith.constant 0 : i32
    %dma_wait3A_1020 = arith.constant 0 : i32
    %dma_wait3A_1021 = tpu.memref_slice %arg7[%dma_wait3A_1014, %add3A, %dma_wait3A_1019, %dma_wait3A_1020] : memref<12x32x512x16xf32, #tpu.memory_space<hbm>> -> memref<1x1x512x16xf32, #tpu.memory_space<hbm>>
    %dma_wait3A_1022 = tpu.memref_squeeze %dma_wait3A_1021 : memref<1x1x512x16xf32, #tpu.memory_space<hbm>> -> memref<512x16xf32, #tpu.memory_space<hbm>>
    %dma_wait3A_1023 = arith.constant 0 : i32
    %dma_wait3A_1024 = arith.constant 0 : i32
    %dma_wait3A_1025 = tpu.memref_slice %arg7[%dma_wait3A_1014, %add3A, %dma_wait3A_1023, %dma_wait3A_1024] : memref<12x32x512x16xf32, #tpu.memory_space<hbm>> -> memref<1x1x512x16xf32, #tpu.memory_space<hbm>>
    %dma_wait3A_1026 = tpu.memref_squeeze %dma_wait3A_1025 : memref<1x1x512x16xf32, #tpu.memory_space<hbm>> -> memref<512x16xf32, #tpu.memory_space<hbm>>
    %dma_wait3A_1027 = arith.constant 0 : i32
    %dma_wait3A_1028 = arith.constant 0 : i32
    %dma_wait3A_1029 = tpu.memref_slice %arg9[%dma_wait3A_1013, %dma_wait3A_1027, %dma_wait3A_1028] : memref<12x512x16xf32, #tpu.memory_space<vmem>> -> memref<1x512x16xf32, #tpu.memory_space<vmem>>
    %dma_wait3A_1030 = tpu.memref_squeeze %dma_wait3A_1029 : memref<1x512x16xf32, #tpu.memory_space<vmem>> -> memref<512x16xf32, #tpu.memory_space<vmem>>
    tpu.wait_dma2 semaphore(%arg10 : memref<!tpu.dma_semaphore, #tpu.memory_space<semaphore_mem>>) src(%dma_wait3A_1030 : memref<512x16xf32, #tpu.memory_space<vmem>>) dst(%dma_wait3A_1026 : memref<512x16xf32, #tpu.memory_space<hbm>>)
    return
  }
}

module attributes {stable_mosaic.version = 14 : i64} {
  func.func @_elbo_body(%arg0: memref<8xf32, #tpu.memory_space<smem>>, %arg1: memref<16384xf32, #tpu.memory_space<vmem>>, %arg2: memref<12x16384xi32, #tpu.memory_space<vmem>>, %arg3: memref<12x16x16384xf32, #tpu.memory_space<vmem>>, %arg4: memref<16384xf32, #tpu.memory_space<vmem>>) attributes {dimension_semantics = [], scalar_prefetch = 0 : i64, scratch_operands = 0 : i64, tpu.core_type = #tpu.core_type<tc>} {
    %get3A = arith.constant 0 : index
    %get3A_0 = memref.load %arg0[%get3A] : memref<8xf32, #tpu.memory_space<smem>>
    %get3A_1 = arith.constant 1 : index
    %get3A_2 = memref.load %arg0[%get3A_1] : memref<8xf32, #tpu.memory_space<smem>>
    %get3A_3 = arith.constant 2 : index
    %get3A_4 = memref.load %arg0[%get3A_3] : memref<8xf32, #tpu.memory_space<smem>>
    %get3A_5 = arith.constant 3 : index
    %get3A_6 = memref.load %arg0[%get3A_5] : memref<8xf32, #tpu.memory_space<smem>>
    %get3A_7 = arith.constant 4 : index
    %get3A_8 = memref.load %arg0[%get3A_7] : memref<8xf32, #tpu.memory_space<smem>>
    %get3A_9 = arith.constant 0 : index
    %get3A_10 = arith.constant 0 : index
    %get3A_11 = vector.load %arg2[%get3A_9, %get3A_10] : memref<12x16384xi32, #tpu.memory_space<vmem>>, vector<12x16384xi32>
    %get3A_12 = arith.constant 0 : index
    %get3A_13 = arith.constant 0 : index
    %get3A_14 = arith.constant 0 : index
    %get3A_15 = vector.load %arg3[%get3A_12, %get3A_13, %get3A_14] : memref<12x16x16384xf32, #tpu.memory_space<vmem>>, vector<12x16x16384xf32>
    %broadcast_in_dim3A = vector.shape_cast %get3A_11 : vector<12x16384xi32> to vector<12x1x16384xi32>
    %iota3A = tpu.iota {dimensions = array<i32: 1>} : vector<12x16x16384xi32>
    %eq3A = vector.broadcast %broadcast_in_dim3A : vector<12x1x16384xi32> to vector<12x16x16384xi32>
    %eq3A_16 = arith.cmpi eq, %eq3A, %iota3A : vector<12x16x16384xi32>
    %jit3A = arith.constant 0.000000e+00 : f32
    %broadcast_in_dim3A_17 = vector.broadcast %jit3A : f32 to vector<12x16x16384xf32>
    %select_n3A = arith.select %eq3A_16, %get3A_15, %broadcast_in_dim3A_17 : vector<12x16x16384xi1>, vector<12x16x16384xf32>
    %reduce_sum3A = arith.constant dense<0.000000e+00> : vector<12x16384xf32>
    %reduce_sum3A_18 = vector.multi_reduction <add>, %select_n3A, %reduce_sum3A [1] : vector<12x16x16384xf32> to vector<12x16384xf32>
    %slice3A = vector.extract_strided_slice %reduce_sum3A_18 {offsets = [0, 0], sizes = [1, 16384], strides = [1, 1]} : vector<12x16384xf32> to vector<1x16384xf32>
    %squeeze3A = vector.shape_cast %slice3A : vector<1x16384xf32> to vector<16384xf32>
    %slice3A_19 = vector.extract_strided_slice %reduce_sum3A_18 {offsets = [1, 0], sizes = [1, 16384], strides = [1, 1]} : vector<12x16384xf32> to vector<1x16384xf32>
    %squeeze3A_20 = vector.shape_cast %slice3A_19 : vector<1x16384xf32> to vector<16384xf32>
    %slice3A_21 = vector.extract_strided_slice %reduce_sum3A_18 {offsets = [2, 0], sizes = [1, 16384], strides = [1, 1]} : vector<12x16384xf32> to vector<1x16384xf32>
    %squeeze3A_22 = vector.shape_cast %slice3A_21 : vector<1x16384xf32> to vector<16384xf32>
    %slice3A_23 = vector.extract_strided_slice %reduce_sum3A_18 {offsets = [3, 0], sizes = [1, 16384], strides = [1, 1]} : vector<12x16384xf32> to vector<1x16384xf32>
    %squeeze3A_24 = vector.shape_cast %slice3A_23 : vector<1x16384xf32> to vector<16384xf32>
    %slice3A_25 = vector.extract_strided_slice %reduce_sum3A_18 {offsets = [4, 0], sizes = [1, 16384], strides = [1, 1]} : vector<12x16384xf32> to vector<1x16384xf32>
    %squeeze3A_26 = vector.shape_cast %slice3A_25 : vector<1x16384xf32> to vector<16384xf32>
    %slice3A_27 = vector.extract_strided_slice %reduce_sum3A_18 {offsets = [5, 0], sizes = [1, 16384], strides = [1, 1]} : vector<12x16384xf32> to vector<1x16384xf32>
    %squeeze3A_28 = vector.shape_cast %slice3A_27 : vector<1x16384xf32> to vector<16384xf32>
    %slice3A_29 = vector.extract_strided_slice %reduce_sum3A_18 {offsets = [6, 0], sizes = [1, 16384], strides = [1, 1]} : vector<12x16384xf32> to vector<1x16384xf32>
    %squeeze3A_30 = vector.shape_cast %slice3A_29 : vector<1x16384xf32> to vector<16384xf32>
    %slice3A_31 = vector.extract_strided_slice %reduce_sum3A_18 {offsets = [7, 0], sizes = [1, 16384], strides = [1, 1]} : vector<12x16384xf32> to vector<1x16384xf32>
    %squeeze3A_32 = vector.shape_cast %slice3A_31 : vector<1x16384xf32> to vector<16384xf32>
    %slice3A_33 = vector.extract_strided_slice %reduce_sum3A_18 {offsets = [8, 0], sizes = [1, 16384], strides = [1, 1]} : vector<12x16384xf32> to vector<1x16384xf32>
    %squeeze3A_34 = vector.shape_cast %slice3A_33 : vector<1x16384xf32> to vector<16384xf32>
    %slice3A_35 = vector.extract_strided_slice %reduce_sum3A_18 {offsets = [9, 0], sizes = [1, 16384], strides = [1, 1]} : vector<12x16384xf32> to vector<1x16384xf32>
    %squeeze3A_36 = vector.shape_cast %slice3A_35 : vector<1x16384xf32> to vector<16384xf32>
    %slice3A_37 = vector.extract_strided_slice %reduce_sum3A_18 {offsets = [10, 0], sizes = [1, 16384], strides = [1, 1]} : vector<12x16384xf32> to vector<1x16384xf32>
    %squeeze3A_38 = vector.shape_cast %slice3A_37 : vector<1x16384xf32> to vector<16384xf32>
    %slice3A_39 = vector.extract_strided_slice %reduce_sum3A_18 {offsets = [11, 0], sizes = [1, 16384], strides = [1, 1]} : vector<12x16384xf32> to vector<1x16384xf32>
    %squeeze3A_40 = vector.shape_cast %slice3A_39 : vector<1x16384xf32> to vector<16384xf32>
    %neg3A = arith.constant 0.000000e+00 : f32
    %neg3A_41 = vector.broadcast %neg3A : f32 to vector<16384xf32>
    %neg3A_42 = arith.subf %neg3A_41, %squeeze3A : vector<16384xf32>
    %exp3A = math.exp %neg3A_42 : vector<16384xf32>
    %add3A = arith.constant 1.000000e+00 : f32
    %add3A_43 = vector.broadcast %add3A : f32 to vector<16384xf32>
    %add3A_44 = arith.addf %add3A_43, %exp3A : vector<16384xf32>
    %div3A = vector.broadcast %get3A_0 : f32 to vector<16384xf32>
    %div3A_45 = arith.divf %div3A, %add3A_44 : vector<16384xf32>
    %neg3A_46 = arith.constant 0.000000e+00 : f32
    %neg3A_47 = vector.broadcast %neg3A_46 : f32 to vector<16384xf32>
    %neg3A_48 = arith.subf %neg3A_47, %squeeze3A_20 : vector<16384xf32>
    %exp3A_49 = math.exp %neg3A_48 : vector<16384xf32>
    %add3A_50 = arith.constant 1.000000e+00 : f32
    %add3A_51 = vector.broadcast %add3A_50 : f32 to vector<16384xf32>
    %add3A_52 = arith.addf %add3A_51, %exp3A_49 : vector<16384xf32>
    %div3A_53 = vector.broadcast %get3A_0 : f32 to vector<16384xf32>
    %div3A_54 = arith.divf %div3A_53, %add3A_52 : vector<16384xf32>
    %mul3A = arith.mulf %squeeze3A_30, %squeeze3A_30 : vector<16384xf32>
    %mul3A_55 = arith.mulf %squeeze3A_32, %squeeze3A_32 : vector<16384xf32>
    %add3A_56 = arith.addf %mul3A, %mul3A_55 : vector<16384xf32>
    %mul3A_57 = arith.mulf %squeeze3A_34, %squeeze3A_34 : vector<16384xf32>
    %add3A_58 = arith.addf %add3A_56, %mul3A_57 : vector<16384xf32>
    %sqrt3A = math.sqrt %add3A_58 : vector<16384xf32>
    %add3A_59 = arith.constant 9.99999996E-13 : f32
    %add3A_60 = vector.broadcast %add3A_59 : f32 to vector<16384xf32>
    %add3A_61 = arith.addf %sqrt3A, %add3A_60 : vector<16384xf32>
    %mul3A_62 = arith.mulf %squeeze3A_36, %squeeze3A_36 : vector<16384xf32>
    %mul3A_63 = arith.mulf %squeeze3A_38, %squeeze3A_38 : vector<16384xf32>
    %add3A_64 = arith.addf %mul3A_62, %mul3A_63 : vector<16384xf32>
    %mul3A_65 = arith.mulf %squeeze3A_40, %squeeze3A_40 : vector<16384xf32>
    %add3A_66 = arith.addf %add3A_64, %mul3A_65 : vector<16384xf32>
    %sqrt3A_67 = math.sqrt %add3A_66 : vector<16384xf32>
    %add3A_68 = arith.constant 9.99999996E-13 : f32
    %add3A_69 = vector.broadcast %add3A_68 : f32 to vector<16384xf32>
    %add3A_70 = arith.addf %sqrt3A_67, %add3A_69 : vector<16384xf32>
    %mul3A_71 = arith.mulf %squeeze3A_30, %squeeze3A_36 : vector<16384xf32>
    %mul3A_72 = arith.mulf %squeeze3A_32, %squeeze3A_38 : vector<16384xf32>
    %add3A_73 = arith.addf %mul3A_71, %mul3A_72 : vector<16384xf32>
    %mul3A_74 = arith.mulf %squeeze3A_34, %squeeze3A_40 : vector<16384xf32>
    %add3A_75 = arith.addf %add3A_73, %mul3A_74 : vector<16384xf32>
    %mul3A_76 = arith.mulf %add3A_61, %add3A_70 : vector<16384xf32>
    %div3A_77 = arith.divf %add3A_75, %mul3A_76 : vector<16384xf32>
    %jit3A_78 = arith.constant -1.000000e+00 : f32
    %jit3A_79 = arith.constant 1.000000e+00 : f32
    %max3A = vector.broadcast %jit3A_78 : f32 to vector<16384xf32>
    %max3A_80 = arith.maximumf %max3A, %div3A_77 : vector<16384xf32>
    %min3A = vector.broadcast %jit3A_79 : f32 to vector<16384xf32>
    %min3A_81 = arith.minimumf %min3A, %max3A_80 : vector<16384xf32>
    %exp3A_82 = math.exp %div3A_45 : vector<16384xf32>
    %exp3A_83 = math.exp %div3A_54 : vector<16384xf32>
    %div3A_84 = arith.constant 1.000000e+00 : f32
    %div3A_85 = vector.broadcast %div3A_84 : f32 to vector<16384xf32>
    %div3A_86 = arith.divf %div3A_85, %exp3A_82 : vector<16384xf32>
    %div3A_87 = arith.constant 1.000000e+00 : f32
    %div3A_88 = vector.broadcast %div3A_87 : f32 to vector<16384xf32>
    %div3A_89 = arith.divf %div3A_88, %exp3A_83 : vector<16384xf32>
    %add3A_90 = arith.addf %exp3A_82, %div3A_86 : vector<16384xf32>
    %mul3A_91 = arith.constant 5.000000e-01 : f32
    %mul3A_92 = vector.broadcast %mul3A_91 : f32 to vector<16384xf32>
    %mul3A_93 = arith.mulf %mul3A_92, %add3A_90 : vector<16384xf32>
    %sub3A = arith.subf %exp3A_82, %div3A_86 : vector<16384xf32>
    %mul3A_94 = arith.constant 5.000000e-01 : f32
    %mul3A_95 = vector.broadcast %mul3A_94 : f32 to vector<16384xf32>
    %mul3A_96 = arith.mulf %mul3A_95, %sub3A : vector<16384xf32>
    %add3A_97 = arith.addf %exp3A_83, %div3A_89 : vector<16384xf32>
    %mul3A_98 = arith.constant 5.000000e-01 : f32
    %mul3A_99 = vector.broadcast %mul3A_98 : f32 to vector<16384xf32>
    %mul3A_100 = arith.mulf %mul3A_99, %add3A_97 : vector<16384xf32>
    %sub3A_101 = arith.subf %exp3A_83, %div3A_89 : vector<16384xf32>
    %mul3A_102 = arith.constant 5.000000e-01 : f32
    %mul3A_103 = vector.broadcast %mul3A_102 : f32 to vector<16384xf32>
    %mul3A_104 = arith.mulf %mul3A_103, %sub3A_101 : vector<16384xf32>
    %mul3A_105 = arith.mulf %mul3A_93, %mul3A_100 : vector<16384xf32>
    %mul3A_106 = arith.mulf %mul3A_96, %mul3A_104 : vector<16384xf32>
    %mul3A_107 = arith.mulf %mul3A_106, %min3A_81 : vector<16384xf32>
    %sub3A_108 = arith.subf %mul3A_105, %mul3A_107 : vector<16384xf32>
    %max3A_109 = arith.constant 1.00000012 : f32
    %max3A_110 = vector.broadcast %max3A_109 : f32 to vector<16384xf32>
    %max3A_111 = arith.maximumf %sub3A_108, %max3A_110 : vector<16384xf32>
    %mul3A_112 = arith.mulf %max3A_111, %max3A_111 : vector<16384xf32>
    %sub3A_113 = arith.constant 1.000000e+00 : f32
    %sub3A_114 = vector.broadcast %sub3A_113 : f32 to vector<16384xf32>
    %sub3A_115 = arith.subf %mul3A_112, %sub3A_114 : vector<16384xf32>
    %sqrt3A_116 = math.sqrt %sub3A_115 : vector<16384xf32>
    %add3A_117 = arith.addf %max3A_111, %sqrt3A_116 : vector<16384xf32>
    %log3A = math.log %add3A_117 : vector<16384xf32>
    %sub3A_118 = vector.broadcast %get3A_0 : f32 to vector<16384xf32>
    %sub3A_119 = arith.subf %log3A, %sub3A_118 : vector<16384xf32>
    %mul3A_120 = vector.broadcast %get3A_2 : f32 to vector<16384xf32>
    %mul3A_121 = arith.mulf %sub3A_119, %mul3A_120 : vector<16384xf32>
    %exp3A_122 = math.exp %mul3A_121 : vector<16384xf32>
    %add3A_123 = arith.constant 1.000000e+00 : f32
    %add3A_124 = vector.broadcast %add3A_123 : f32 to vector<16384xf32>
    %add3A_125 = arith.addf %add3A_124, %exp3A_122 : vector<16384xf32>
    %div3A_126 = arith.constant 1.000000e+00 : f32
    %div3A_127 = vector.broadcast %div3A_126 : f32 to vector<16384xf32>
    %div3A_128 = arith.divf %div3A_127, %add3A_125 : vector<16384xf32>
    %jit3A_129 = arith.constant 9.99999996E-13 : f32
    %jit3A_130 = arith.constant 1.000000e+00 : f32
    %max3A_131 = vector.broadcast %jit3A_129 : f32 to vector<16384xf32>
    %max3A_132 = arith.maximumf %max3A_131, %div3A_128 : vector<16384xf32>
    %min3A_133 = vector.broadcast %jit3A_130 : f32 to vector<16384xf32>
    %min3A_134 = arith.minimumf %min3A_133, %max3A_132 : vector<16384xf32>
    %get3A_135 = arith.constant 0 : index
    %get3A_136 = vector.load %arg1[%get3A_135] : memref<16384xf32, #tpu.memory_space<vmem>>, vector<16384xf32>
    %gt3A = arith.constant 0.000000e+00 : f32
    %gt3A_137 = vector.broadcast %gt3A : f32 to vector<16384xf32>
    %gt3A_138 = arith.cmpf ogt, %get3A_136, %gt3A_137 : vector<16384xf32>
    %jit3A_139 = arith.constant 1.000000e+00 : f32
    %jit3A_140 = arith.constant 0.000000e+00 : f32
    %broadcast_in_dim3A_141 = vector.broadcast %jit3A_139 : f32 to vector<16384xf32>
    %broadcast_in_dim3A_142 = vector.broadcast %jit3A_140 : f32 to vector<16384xf32>
    %select_n3A_143 = arith.select %gt3A_138, %broadcast_in_dim3A_141, %broadcast_in_dim3A_142 : vector<16384xi1>, vector<16384xf32>
    %mul3A_144 = vector.broadcast %get3A_4 : f32 to vector<16384xf32>
    %mul3A_145 = arith.mulf %mul3A_144, %div3A_45 : vector<16384xf32>
    %exp3A_146 = math.exp %mul3A_145 : vector<16384xf32>
    %mul3A_147 = vector.broadcast %get3A_4 : f32 to vector<16384xf32>
    %mul3A_148 = arith.mulf %mul3A_147, %div3A_54 : vector<16384xf32>
    %exp3A_149 = math.exp %mul3A_148 : vector<16384xf32>
    %div3A_150 = arith.constant 1.000000e+00 : f32
    %div3A_151 = vector.broadcast %div3A_150 : f32 to vector<16384xf32>
    %div3A_152 = arith.divf %div3A_151, %exp3A_146 : vector<16384xf32>
    %sub3A_153 = arith.subf %exp3A_146, %div3A_152 : vector<16384xf32>
    %mul3A_154 = arith.constant 5.000000e-01 : f32
    %mul3A_155 = vector.broadcast %mul3A_154 : f32 to vector<16384xf32>
    %mul3A_156 = arith.mulf %mul3A_155, %sub3A_153 : vector<16384xf32>
    %div3A_157 = arith.constant 1.000000e+00 : f32
    %div3A_158 = vector.broadcast %div3A_157 : f32 to vector<16384xf32>
    %div3A_159 = arith.divf %div3A_158, %exp3A_149 : vector<16384xf32>
    %sub3A_160 = arith.subf %exp3A_149, %div3A_159 : vector<16384xf32>
    %mul3A_161 = arith.constant 5.000000e-01 : f32
    %mul3A_162 = vector.broadcast %mul3A_161 : f32 to vector<16384xf32>
    %mul3A_163 = arith.mulf %mul3A_162, %sub3A_160 : vector<16384xf32>
    %mul3A_164 = vector.broadcast %get3A_4 : f32 to vector<16384xf32>
    %mul3A_165 = arith.mulf %mul3A_164, %mul3A_156 : vector<16384xf32>
    %add3A_166 = arith.constant 9.99999996E-13 : f32
    %add3A_167 = vector.broadcast %add3A_166 : f32 to vector<16384xf32>
    %add3A_168 = arith.addf %mul3A_165, %add3A_167 : vector<16384xf32>
    %log3A_169 = math.log %add3A_168 : vector<16384xf32>
    %sub3A_170 = vector.broadcast %get3A_6 : f32 to vector<16384xf32>
    %sub3A_171 = arith.subf %log3A_169, %sub3A_170 : vector<16384xf32>
    %mul3A_172 = vector.broadcast %get3A_4 : f32 to vector<16384xf32>
    %mul3A_173 = arith.mulf %mul3A_172, %mul3A_163 : vector<16384xf32>
    %add3A_174 = arith.constant 9.99999996E-13 : f32
    %add3A_175 = vector.broadcast %add3A_174 : f32 to vector<16384xf32>
    %add3A_176 = arith.addf %mul3A_173, %add3A_175 : vector<16384xf32>
    %log3A_177 = math.log %add3A_176 : vector<16384xf32>
    %sub3A_178 = vector.broadcast %get3A_6 : f32 to vector<16384xf32>
    %sub3A_179 = arith.subf %log3A_177, %sub3A_178 : vector<16384xf32>
    %exp3A_180 = math.exp %squeeze3A_22 : vector<16384xf32>
    %exp3A_181 = math.exp %squeeze3A_26 : vector<16384xf32>
    %add3A_182 = arith.addf %exp3A_180, %exp3A_181 : vector<16384xf32>
    %exp3A_183 = math.exp %squeeze3A_24 : vector<16384xf32>
    %exp3A_184 = math.exp %squeeze3A_28 : vector<16384xf32>
    %add3A_185 = arith.addf %exp3A_183, %exp3A_184 : vector<16384xf32>
    %log3A_186 = math.log %min3A_134 : vector<16384xf32>
    %mul3A_187 = arith.mulf %select_n3A_143, %log3A_186 : vector<16384xf32>
    %sub3A_188 = arith.constant 1.000000e+00 : f32
    %sub3A_189 = vector.broadcast %sub3A_188 : f32 to vector<16384xf32>
    %sub3A_190 = arith.subf %sub3A_189, %select_n3A_143 : vector<16384xf32>
    %neg3A_191 = arith.constant 0.000000e+00 : f32
    %neg3A_192 = vector.broadcast %neg3A_191 : f32 to vector<16384xf32>
    %neg3A_193 = arith.subf %neg3A_192, %min3A_134 : vector<16384xf32>
    %log1p3A = math.log1p %neg3A_193 : vector<16384xf32>
    %mul3A_194 = arith.mulf %sub3A_190, %log1p3A : vector<16384xf32>
    %add3A_195 = arith.addf %mul3A_187, %mul3A_194 : vector<16384xf32>
    %add3A_196 = arith.addf %add3A_195, %sub3A_171 : vector<16384xf32>
    %add3A_197 = arith.addf %add3A_196, %sub3A_179 : vector<16384xf32>
    %add3A_198 = arith.addf %add3A_182, %add3A_185 : vector<16384xf32>
    %mul3A_199 = arith.constant 1.000000e-03 : f32
    %mul3A_200 = vector.broadcast %mul3A_199 : f32 to vector<16384xf32>
    %mul3A_201 = arith.mulf %mul3A_200, %add3A_198 : vector<16384xf32>
    %sub3A_202 = arith.subf %add3A_197, %mul3A_201 : vector<16384xf32>
    %sub3A_203 = vector.broadcast %get3A_8 : f32 to vector<16384xf32>
    %sub3A_204 = arith.subf %sub3A_202, %sub3A_203 : vector<16384xf32>
    %swap3A = arith.constant 0 : index
    %swap3A_205 = vector.load %arg4[%swap3A] : memref<16384xf32, #tpu.memory_space<vmem>>, vector<16384xf32>
    tpu.vector_store %arg4[%swap3A], %sub3A_204 {strides = array<i32>} : memref<16384xf32, #tpu.memory_space<vmem>>, vector<16384xf32>,
    return
  }
}

</mosaic_0001>

<sc_bundles>
// kernel: kernel.4.cloned.1.call-start
scs
__scs_entry_jumppad:
0x0: {  	(pc) =	sbr.rel $0x88, $3  }
0x1: {  	(tag) =	ssettag $0x0;
	lr =	simm.s32 $0x1  }
0x2: {  	[smem:$0x3F95] =	sst lr;
	_ =	strace $0xD0000000  }
0x3: {  	_ = 	snop  }
0x4: {  	_ = 	snop  }
0x5: {  	_ = 	snop  }
0x6: {  	_ = 	snop  }
0x7: {  	_ = 	snop  }
__scs_overlays_trampoline_lowered:
0x8: {  	[smem:$0x3FA4] =	sst s0  }
0x9: {  	[smem:$0x3FA5] =	sst s1  }
0xa: {  	[smem:$0x3FA6] =	sst s2  }
0xb: {  	[smem:$0x3FA7] =	sst s3  }
0xc: {  	[smem:$0x3FA8] =	sst s4  }
0xd: {  	[smem:$0x3FA9] =	sst s5  }
0xe: {  	[smem:$0x3FAA] =	sst s6  }
0xf: {  	[smem:$0x3FAB] =	sst s7  }
0x10: {  	[smem:$0x3FAC] =	sst s8  }
0x11: {  	[smem:$0x3FAD] =	sst s9;
	s0 =	simm.s32 @!p0 $0x0  }
0x12: {  	s1 =	sld [smem:$0x3F93];
	s0 =	simm.s32 @p0 $0x1  }
0x13: {  	[smem:$0x3FAE] =	sst s0;
	s0 =	simm.s32 @!p1 $0x0  }
0x14: {  	s2 =	sld [smem:$0x3F92];
	s0 =	simm.s32 @p1 $0x1  }
0x15: {  	[smem:$0x3FAF] =	sst s0;
	s0 =	simm.s32 @!p2 $0x0  }
0x16: {  	s3 =	sld [smem:$0x3FDB];
	s0 =	simm.s32 @p2 $0x1  }
0x17: {  	s4 =	simm.s32 $0x1BF5;
	[smem:$0x3FB1] =	sst s0  }
0x18: {  	s0 =	sld [smem:$0x3F94];
	_ =	swait.ge [sflag:s4], $0x0  }
0x19: {  	s7 =	sld [smem:$0x3F95]  }
0x1a: {  	s8 =	sadd.s32 $0xFFFFE003, lr  }
0x1b: {  	s9 =	sadd.s32 $0xFFFFFEF7, lr;
	s5 =	simm.s32 $0xFFFFFFFF;
	p2 =	slt.u32 s8, $0xFFFFF086  }
0x1c: {  	p1 =	slt.u32 s9, $0xF7A;
	s5 =	simm.s32 @!p2 $0x0  }
0x1d: {  	s5 =	simm.s32 @p1 $0x1;
	p0 =	seq.s32 s7, s2  }
0x1e: {  	s7 =	smul.u32 @!p0 $0xF7A, s2;
	p2 =	seq.s32 @!p0 s5, $0x0  }
0x1f: {  	s9 =	smul.u32 $0xF7A, s1;
	s8 =	simm.s32 @!p0 $0x1BF5;
	p2 =	por !p2, p0  }
0x20: {  	[sflag:s8] =	ssyncset.s32 @!p0 $0xFFFFF086;
	s6 =	sadd.s32 @!p0 s3, s7;
	s7 =	simm.s32 @!p0 $0x108  }
0x21: {  	s3 =	sadd.s32 s3, s9;
	s6 =	sadd.s32 @!p0 $0x88, s6;
	s7 =	simm.s32 @p2 $0x1082  }
0x22: {  	[simem:s7], [sflag:s8] =	dma.local @!p0 [hbm:s6], $0xF7A  }
0x23: {  	s9 =	sor.u32 $0xD0000000, s2;
	s6 =	simm.s32 $0x108;
	_ =	swait.ge @!p0 [sflag:s8], $0x0  }
0x24: {  	s3 =	sadd.s32 $0x88, s3;
	s6 =	simm.s32 @!p1 $0x1082;
	[sflag:s4] =	ssyncset.s32 $0xFFFFF086  }
0x25: {  	[simem:s6], [sflag:s4] =	dma.local [hbm:s3], $0xF7A  }
0x26: {  	[smem:$0x3F95] =	sst s1;
	(tag) =	ssettag s2;
	_ =	strace s9  }
0x27: {  	s1 =	sld [smem:$0x3FA5]  }
0x28: {  	s2 =	sld [smem:$0x3FA6]  }
0x29: {  	s4 =	sld [smem:$0x3FA8]  }
0x2a: {  	p0 =	seq.s32 s5, $0x0;
	s5 =	sld [smem:$0x3FA9]  }
0x2b: {  	s6 =	sld [smem:$0x3FAA]  }
0x2c: {  	s7 =	sld [smem:$0x3FAB]  }
0x2d: {  	s3 =	simm.s32 $0x108;
	s8 =	sld [smem:$0x3FAC]  }
0x2e: {  	s3 =	simm.s32 @!p0 $0x1082;
	s9 =	sld [smem:$0x3FAD]  }
0x2f: {  	lr =	sadd.s32 s0, s3;
	s0 =	sld [smem:$0x3FA4]  }
0x30: {  	s3 =	sld [smem:$0x3FA7]  }
0x31: {  	[smem:$0x3FB0] =	sst s10  }
0x32: {  	s10 =	sld [smem:$0x3FAE];
	_ =	sdelay $0x3  }
0x33: {  	p0 =	seq.s32 s10, $0x1;
	s10 =	sld [smem:$0x3FB0];
	_ =	sdelay $0x3  }
0x34: {  	[smem:$0x3FB0] =	sst s10  }
0x35: {  	s10 =	sld [smem:$0x3FAF];
	_ =	sdelay $0x3  }
0x36: {  	p1 =	seq.s32 s10, $0x1;
	s10 =	sld [smem:$0x3FB0];
	_ =	sdelay $0x3  }
0x37: {  	[smem:$0x3FB0] =	sst s10  }
0x38: {  	s10 =	sld [smem:$0x3FB1]  }
0x39: {  	_ = 	snop;
	(pc) =	sbr.ind lr, $3  }
0x3a: {  	_ = 	snop  }
0x3b: {  	_ = 	snop  }
0x3c: {  	p2 =	seq.s32 s10, $0x1;
	s10 =	sld [smem:$0x3FB0]  }
0x3d: {  	_ =	shalt  }
0x3e: {  	_ =	shalt  }
0x3f: {  	_ =	shalt  }
0x40: {  	_ =	shalt  }
0x41: {  	_ =	shalt  }
0x42: {  	_ =	shalt  }
0x43: {  	_ =	shalt  }
0x44: {  	_ =	shalt  }
0x45: {  	_ =	shalt  }
0x46: {  	_ =	shalt  }
0x47: {  	_ =	shalt  }
0x48: {  	_ =	shalt  }
0x49: {  	_ =	shalt  }
0x4a: {  	_ =	shalt  }
0x4b: {  	_ =	shalt  }
0x4c: {  	_ =	shalt  }
0x4d: {  	_ =	shalt  }
0x4e: {  	_ =	shalt  }
0x4f: {  	_ =	shalt  }
0x50: {  	_ =	shalt  }
0x51: {  	_ =	shalt  }
0x52: {  	_ =	shalt  }
0x53: {  	_ =	shalt  }
0x54: {  	_ =	shalt  }
0x55: {  	_ =	shalt  }
0x56: {  	_ =	shalt  }
0x57: {  	_ =	shalt  }
0x58: {  	_ =	shalt  }
0x59: {  	_ =	shalt  }
0x5a: {  	_ =	shalt  }
0x5b: {  	_ =	shalt  }
0x5c: {  	_ =	shalt  }
0x5d: {  	_ =	shalt  }
0x5e: {  	_ =	shalt  }
0x5f: {  	_ =	shalt  }
0x60: {  	_ =	shalt  }
0x61: {  	_ =	shalt  }
0x62: {  	_ =	shalt  }
0x63: {  	_ =	shalt  }
0x64: {  	_ =	shalt  }
0x65: {  	_ =	shalt  }
0x66: {  	_ =	shalt  }
0x67: {  	_ =	shalt  }
0x68: {  	_ =	shalt  }
0x69: {  	_ =	shalt  }
0x6a: {  	_ =	shalt  }
0x6b: {  	_ =	shalt  }
0x6c: {  	_ =	shalt  }
0x6d: {  	_ =	shalt  }
0x6e: {  	_ =	shalt  }
0x6f: {  	_ =	shalt  }
0x70: {  	_ =	shalt  }
0x71: {  	_ =	shalt  }
0x72: {  	_ =	shalt  }
0x73: {  	_ =	shalt  }
0x74: {  	_ =	shalt  }
0x75: {  	_ =	shalt  }
0x76: {  	_ =	shalt  }
0x77: {  	_ =	shalt  }
0x78: {  	_ =	shalt  }
0x79: {  	_ =	shalt  }
0x7a: {  	_ =	shalt  }
0x7b: {  	_ =	shalt  }
0x7c: {  	_ =	shalt  }
0x7d: {  	_ =	shalt  }
0x7e: {  	_ =	shalt  }
0x7f: {  	_ =	shalt  }
0x80: {  	_ =	shalt  }
0x81: {  	_ =	shalt  }
0x82: {  	_ =	shalt  }
0x83: {  	_ =	shalt  }
0x84: {  	_ =	shalt  }
0x85: {  	_ =	shalt  }
0x86: {  	_ =	shalt  }
0x87: {  	_ =	shalt  }
.Lfunc_end0:
.L_simem_size_0:
called_computation_lowered:
.L_overlay_start_0:
0x88: {  	s2 =	sld [smem:$0x3FD9]  }
0x89: {  	s3 =	sld [smem:$0x3FFE];
	_ =	sdelay $0x1  }
0x8a: {  	s1 =	srdreg.scid  }
0x8b: {  	s0 =	sand.u32 $0x1, s1  }
0x8c: {  	s17 =	sshll.u32 s0, $0xA;
	s2 =	sadd.s32 s3, s2  }
0x8d: {  	s2 =	sadd.s32 s2, s17  }
0x8e: {  	[smem:$0x3FBC] =	sst s2  }
0x8f: {  	_ = 	snop  }
0x90: {  	s2 =	sld [smem:$0x3FC6]  }
0x91: {  	s18 =	sld [smem:$0x3FC5]  }
0x92: {  	s4 =	sld [smem:$0x3FC3];
	(tm) =	ssettm $0x1  }
0x93: {  	s5 =	sld [smem:$0x3FFB];
	_ =	sdelay $0x3  }
0x94: {  	_ =	strace s5  }
0x95: {  	s5 =	sld [smem:$0x3FFC];
	_ =	sdelay $0x3  }
0x96: {  	_ =	strace s5  }
0x97: {  	s5 =	sld [smem:$0x3FFD];
	_ =	sdelay $0x3  }
0x98: {  	_ =	strace s5  }
0x99: {  	_ =	strace $0x8FFFFFFF  }
0x9a: {  	s19 =	sld [smem:$0x3FDB];
	_ =	sdelay $0x1  }
0x9b: {  	s6 =	simm.s32 $_scs_section_size  }
0x9c: {  	s7 =	simm.s32 $_size__tile_overlayer_lowered;
	s8 =	simm.s32 $_tile_overlayer_lowered  }
0x9d: {  	s22 =	simm.s32 $0x1BFF;
	s21 =	sshll.u32 s8, $0x1;
	s5 =	sadd.s32 s6, s19  }
0x9e: {  	s9 =	simm.s32 $0x0;
	s20 =	sshll.u32 s7, $0x1;
	s7 =	sadd.s32 s21, s5  }
0x9f: {  	[timem:s9], [sflag:s22] =	dma.local [hbm:s7], s20  }
0xa0: {  	_ =	swait.ge [sflag:s22], s20  }
0xa1: {  	s6 =	ssub.s32 $0x0, s20;
	[sflag:s22] =	ssyncset.done $0x0  }
0xa2: {  	[sflag:s22] =	ssyncadd.s32 s6;
	_ =	sdelay $0x1  }
0xa3: {  	s23 =	simm.s32 $0x1B8B  }
0xa4: {  	_ =	swait.ge [sflag:s23], $0x1  }
0xa5: {  	[sflag:s23] =	ssyncset.done $0x0  }
0xa6: {  	s25 =	simm.s32 $0x1B8E;
	s24 =	sld [smem:$0x3FFE];
	[sflag:s23] =	ssyncadd.s32 $0xFFFFFFFF  }
0xa7: {  	s26 =	simm.s32 $execute0_lowered;
	[smem:$0x3FD2] =	sst s25  }
0xa8: {  	s7 =	sshll.u32 s26, $0x1;
	_ =	strace $0x80000046;
	[dreg:$0x1] =	wrdreg $0xFFFFFFFF  }
0xa9: {  	s28 =	simm.s32 $_size_execute0_lowered;
	s5 =	sadd.s32 s5, s7;
	[dreg:$0x0] =	wrdreg $0x0  }
0xaa: {  	s7 =	sshll.u32 s28, $0x1;
	[dreg:$0x2] =	wrdreg s5  }
0xab: {  	[dreg:$0x3] =	wrdreg s7  }
0xac: {  	[dreg:$0x4] =	wrdreg $0xC0  }
0xad: {  	_ =	task [dreg:s9], $0x5FFFF  }
0xae: {  	[dreg:$0x1] =	wrdreg $0xFFFFFFFF  }
0xaf: {  	[dreg:$0x0] =	wrdreg $0x60  }
0xb0: {  	[dreg:$0x2] =	wrdreg s24  }
0xb1: {  	[dreg:$0x3] =	wrdreg s2  }
0xb2: {  	[dreg:$0x4] =	wrdreg s18  }
0xb3: {  	[dreg:$0x5] =	wrdreg s4  }
0xb4: {  	[dreg:$0x6] =	wrdreg $0x9  }
0xb5: {  	_ =	task.clear_ibuf [dreg:s9], $0x7FFFF;
	_ =	strace $0x90000046  }
0xb6: {  	s29 =	simm.s32 $0x9;
	_ =	strace $0x80000048  }
0xb7: {  	_ =	swait.ge [sflag:s29], $0x1  }
0xb8: {  	[sflag:s29] =	ssyncadd.s32 $0xFFFFFFFF  }
0xb9: {  	_ =	strace $0x90000048  }
0xba: {  	_ =	sfence  }
0xbb: {  	s30 =	sld [smem:$0x0];
	_ =	sdelay $0x2  }
0xbc: {  	s31 =	sshll.u32 s1, $0xD;
	s1 =	sshrl.u32 s1, $0x2  }
0xbd: {  	s3 =	sand.u32 $0x4000, s31;
	s1 =	sadd.s32 s1, s30  }
0xbe: {  	s0 =	sor.u32 s3, s0;
	s1 =	sshll.u32 s1, $0x11  }
0xbf: {  	s0 =	sor.u32 s1, s0  }
0xc0: {  	s0 =	sadd.s32 $0x8F2B, s0  }
0xc1: {  	[sflag:s0] =	ssyncadd.remote.s32 $0x1  }
0xc2: {  	_ =	sfence.sel $0xFFFF  }
0xc3: {  	[dreg:$0x0] =	wrdreg $0xFFFFFFFF;
	(pc) =	sbr.abs _section_cstart, $3  }
0xc4: {  	[dreg:$0x1] =	wrdreg $0xFFFFFFFF  }
0xc5: {  	_ =	task.clear_ibuf [dreg:s9], $0x2FFFF;
	_ =	strace $0x9FFFFFFF  }
0xc6: {  	(tm) =	ssettm $0x7FFFFFFF  }
0xc7: {  	_ =	shalt  }
tec
execute0_lowered:
.L_overlay_start_1:
0x0: {  	(tag) =	ssettag $0x1  }
0x1: {  	s1 =	srdreg.scid;
	s4 =	stileid.u32  }
0x2: {  	s1 =	sand.u32 $0x1, s1;
	s2 =	sshll.u32 s4, $0x1  }
0x3: {  	s0 =	rddreg [dreg:$0x0];
	s3 =	sor.u32 s1, s2  }
0x4: {  	s6 =	rddreg [dreg:$0x2];
	s7 =	sshll.u32 s3, $0x6  }
0x5: {  	s9 =	rddreg [dreg:$0x3];
	s2 =	simm.s32 $0x0;
	s7 =	sadd.s32 s7, s0  }
0x6: {  	[smem:$0x7FF] =	sst s2;
	s8 =	sadd.s32 $0x9200, s7  }
0x7: {  	_ =	strace $0x80000047;
	s12 =	sadd.s32 $0x9A00, s7;
	[dreg:$0x5] =	wrdreg s8  }
0x8: {  	s13 =	sadd.s32 $0xA200, s7;
	[dreg:$0x6] =	wrdreg s12  }
0x9: {  	s14 =	sadd.s32 $0xAA00, s7;
	[dreg:$0x7] =	wrdreg s13  }
0xa: {  	s15 =	sadd.s32 $0xB200, s7;
	[dreg:$0x8] =	wrdreg s14  }
0xb: {  	s16 =	sadd.s32 $0xBA00, s7;
	[dreg:$0x9] =	wrdreg s15  }
0xc: {  	s17 =	sadd.s32 $0xC200, s7;
	[dreg:$0xa] =	wrdreg s16  }
0xd: {  	s18 =	sadd.s32 $0xCA00, s7;
	[dreg:$0xb] =	wrdreg s17  }
0xe: {  	s19 =	sadd.s32 $0xD200, s7;
	[dreg:$0xc] =	wrdreg s18  }
0xf: {  	s20 =	sadd.s32 $0xDA00, s7;
	[dreg:$0xd] =	wrdreg s19  }
0x10: {  	s3 =	sshll.u32 s3, $0xA;
	s21 =	sadd.s32 $0xE200, s7;
	[dreg:$0xe] =	wrdreg s20  }
0x11: {  	s3 =	sadd.s32 s3, s0;
	s7 =	sadd.s32 $0xEA00, s7;
	[dreg:$0xf] =	wrdreg s21  }
0x12: {  	s22 =	sadd.s32 $0xF200, s3;
	[dreg:$0x10] =	wrdreg s7  }
0x13: {  	s28 =	simm.s32 $0xE00;
	s23 =	sadd.s32 $0x17200, s3;
	[dreg:$0x11] =	wrdreg s22  }
0x14: {  	s29 =	simm.s32 $0x1000;
	s24 =	sadd.s32 $0x1F200, s3;
	[dreg:$0x12] =	wrdreg s23  }
0x15: {  	s30 =	simm.s32 $0x1200;
	s25 =	sadd.s32 $0x27200, s3;
	[dreg:$0x13] =	wrdreg s24  }
0x16: {  	s31 =	simm.s32 $0x1400;
	s26 =	sadd.s32 $0x2F200, s3;
	[dreg:$0x14] =	wrdreg s25  }
0x17: {  	p0 =	por $0x0, $0x0;
	s5 =	sadd.s32 $0x37200, s3;
	[dreg:$0x15] =	wrdreg s26  }
0x18: {  	s1 =	ssub.s32 $0x2, s1;
	s10 =	sadd.s32 $0x47200, s3;
	[dreg:$0x16] =	wrdreg s5  }
0x19: {  	s11 =	sadd.s32 $0x4F200, s3;
	s8 =	sadd.s32 $0x3F200, s3;
	[dreg:$0x18] =	wrdreg s10  }
0x1a: {  	s19 =	sadd.s32 $0xF51600, s0;
	[dreg:$0x19] =	wrdreg s11;
	s12 =	sadd.s32 $0x57200, s3  }
0x1b: {  	s13 =	sshrl.u32 s1, $0x1;
	s14 =	sadd.s32 $0x5F200, s3;
	s15 =	sadd.s32 $0x67200, s3  }
0x1c: {  	s20 =	simm.s32 $0x200;
	s5 =	simm.s32 $0x400;
	s23 =	simm.s32 $0x600  }
0x1d: {  	s24 =	simm.s32 $0x800;
	s25 =	simm.s32 $0xA00;
	s26 =	simm.s32 $0xC00  }
0x1e: {  	s22 =	simm.s32 $0x1600;
	s3 =	simm.s32 $0x1;
	s1 =	ssub.s32 s1, s13  }
0x1f: {  	s21 =	simm.s32 $0x1800;
	s18 =	simm.s32 $0x3800;
	s16 =	smax.u32 s1, $0x1  }
0x20: {  	s17 =	simm.s32 $0x5800;
	[dreg:$0x17] =	wrdreg s8;
	p1 =	sne.s32 s16, $0x1  }
.Ltmp0:
0x21: {  	s11 =	simm.s32 $0xB800;
	[dreg:$0x1a] =	wrdreg s12;
	(pc) =	sbr.rel @!p1 .LBB2_1-.Ltmp0, $4  }
0x22: {  	s10 =	simm.s32 $0x13800;
	s7 =	simm.s32 $0x17800;
	[dreg:$0x1b] =	wrdreg s14  }
0x23: {  	[dreg:$0x1c] =	wrdreg s15;
	s15 =	simm.s32 $0x7800;
	s13 =	simm.s32 $0x9800  }
0x24: {  	s14 =	simm.s32 $0xF800;
	s12 =	simm.s32 $0x11800;
	s8 =	simm.s32 $0x15800  }
0x25: {  	s0 =	rddreg [dreg:$0x5];
	s1 =	sadd.s32 $0xFFFFFFFF, s16;
	s16 =	simm.s32 $0xD800  }
0x26: {  	[tilespmem:s2], [sflag:$0x1] =	stream.linear.gather [hbm4b:s0+s2], $0x200, $0x38;
	[tilespmem:$0x19800] =	vst v63  }
0x27: {  	s4 =	smov.u32 s1;
	s1 =	rddreg [dreg:$0x6]  }
0x28: {  	[tilespmem:s20], [sflag:$0x1] =	stream.linear.gather [hbm4b:s1+s2], $0x200, $0x38;
	[tilespmem:$0x19800] =	vst v63  }
0x29: {  	s0 =	rddreg [dreg:$0x7]  }
0x2a: {  	[tilespmem:s5], [sflag:$0x1] =	stream.linear.gather [hbm4b:s0+s2], $0x200, $0x38;
	[tilespmem:$0x19800] =	vst v63  }
0x2b: {  	s1 =	rddreg [dreg:$0x8]  }
0x2c: {  	[tilespmem:s23], [sflag:$0x1] =	stream.linear.gather [hbm4b:s1+s2], $0x200, $0x38;
	[tilespmem:$0x19800] =	vst v63  }
0x2d: {  	s0 =	rddreg [dreg:$0x9]  }
0x2e: {  	[tilespmem:s24], [sflag:$0x1] =	stream.linear.gather [hbm4b:s0+s2], $0x200, $0x38;
	[tilespmem:$0x19800] =	vst v63  }
0x2f: {  	s1 =	rddreg [dreg:$0xa]  }
0x30: {  	[tilespmem:s25], [sflag:$0x1] =	stream.linear.gather [hbm4b:s1+s2], $0x200, $0x38;
	[tilespmem:$0x19800] =	vst v63  }
0x31: {  	s0 =	rddreg [dreg:$0xb]  }
0x32: {  	[tilespmem:s26], [sflag:$0x1] =	stream.linear.gather [hbm4b:s0+s2], $0x200, $0x38;
	[tilespmem:$0x19800] =	vst v63  }
0x33: {  	s1 =	rddreg [dreg:$0xc]  }
0x34: {  	[tilespmem:s28], [sflag:$0x1] =	stream.linear.gather [hbm4b:s1+s2], $0x200, $0x38;
	[tilespmem:$0x19800] =	vst v63  }
0x35: {  	s0 =	rddreg [dreg:$0xd]  }
0x36: {  	[tilespmem:s29], [sflag:$0x1] =	stream.linear.gather [hbm4b:s0+s2], $0x200, $0x38;
	[tilespmem:$0x19800] =	vst v63  }
0x37: {  	s1 =	rddreg [dreg:$0xe]  }
0x38: {  	[tilespmem:s30], [sflag:$0x1] =	stream.linear.gather [hbm4b:s1+s2], $0x200, $0x38;
	[tilespmem:$0x19800] =	vst v63  }
0x39: {  	s0 =	rddreg [dreg:$0xf]  }
0x3a: {  	[tilespmem:s31], [sflag:$0x1] =	stream.linear.gather [hbm4b:s0+s2], $0x200, $0x38;
	[tilespmem:$0x19800] =	vst v63  }
0x3b: {  	s1 =	rddreg [dreg:$0x10]  }
0x3c: {  	[tilespmem:s22], [sflag:$0x1] =	stream.linear.gather [hbm4b:s1+s2], $0x200, $0x38;
	[tilespmem:$0x19800] =	vst v63  }
0x3d: {  	_ =	swait.ge [sflag:s3], $0x200  }
0x3e: {  	[sflag:s3] =	ssyncset.done $0x0  }
0x3f: {  	[sflag:s3] =	ssyncadd.s32 $0xFFFFFE00  }
0x40: {  	_ =	swait.ge [sflag:s3], $0x200  }
0x41: {  	[sflag:s3] =	ssyncset.done $0x0  }
0x42: {  	[sflag:s3] =	ssyncadd.s32 $0xFFFFFE00  }
0x43: {  	_ =	swait.ge [sflag:s3], $0x200  }
0x44: {  	[sflag:s3] =	ssyncset.done $0x0  }
0x45: {  	[sflag:s3] =	ssyncadd.s32 $0xFFFFFE00  }
0x46: {  	_ =	swait.ge [sflag:s3], $0x200  }
0x47: {  	[sflag:s3] =	ssyncset.done $0x0  }
0x48: {  	[sflag:s3] =	ssyncadd.s32 $0xFFFFFE00  }
0x49: {  	_ =	swait.ge [sflag:s3], $0x200  }
0x4a: {  	[sflag:s3] =	ssyncset.done $0x0  }
0x4b: {  	[sflag:s3] =	ssyncadd.s32 $0xFFFFFE00  }
0x4c: {  	_ =	swait.ge [sflag:s3], $0x200  }
0x4d: {  	[sflag:s3] =	ssyncset.done $0x0  }
0x4e: {  	[sflag:s3] =	ssyncadd.s32 $0xFFFFFE00  }
0x4f: {  	_ =	swait.ge [sflag:s3], $0x200  }
0x50: {  	[sflag:s3] =	ssyncset.done $0x0  }
0x51: {  	[sflag:s3] =	ssyncadd.s32 $0xFFFFFE00  }
0x52: {  	_ =	swait.ge [sflag:s3], $0x200  }
0x53: {  	[sflag:s3] =	ssyncset.done $0x0  }
0x54: {  	[sflag:s3] =	ssyncadd.s32 $0xFFFFFE00  }
0x55: {  	_ =	swait.ge [sflag:s3], $0x200  }
0x56: {  	[sflag:s3] =	ssyncset.done $0x0  }
0x57: {  	[sflag:s3] =	ssyncadd.s32 $0xFFFFFE00  }
0x58: {  	_ =	swait.ge [sflag:s3], $0x200  }
0x59: {  	[sflag:s3] =	ssyncset.done $0x0  }
0x5a: {  	[sflag:s3] =	ssyncadd.s32 $0xFFFFFE00  }
0x5b: {  	_ =	swait.ge [sflag:s3], $0x200  }
0x5c: {  	[sflag:s3] =	ssyncset.done $0x0  }
0x5d: {  	[sflag:s3] =	ssyncadd.s32 $0xFFFFFE00  }
0x5e: {  	_ =	swait.ge [sflag:s3], $0x200  }
0x5f: {  	[sflag:s3] =	ssyncset.done $0x0  }
0x60: {  	[sflag:s3] =	ssyncadd.s32 $0xFFFFFE00  }
0x61: {  	s1 =	rddreg [dreg:$0x1]  }
0x62: {  	[tilespmem:s21], [sflag:$0x1] =	stream.indirect.gather [hbm4b:s1+s20], $0x10, s2, s20, $0xb8;
	[tilespmem:$0x19800] =	vst v63  }
0x63: {  	_ = 	snop  }
0x64: {  	[tilespmem:s18], [sflag:$0x1] =	stream.indirect.gather [hbm4b:s1+s20], $0x10, s20, s20, $0xb8;
	[tilespmem:$0x19800] =	vst v63  }
0x65: {  	_ = 	snop  }
0x66: {  	[tilespmem:s17], [sflag:$0x1] =	stream.indirect.gather [hbm4b:s6+s20], $0x10, s5, s20, $0xb8;
	[tilespmem:$0x19800] =	vst v63  }
0x67: {  	_ = 	snop  }
0x68: {  	[tilespmem:s15], [sflag:$0x1] =	stream.indirect.gather [hbm4b:s6+s20], $0x10, s23, s20, $0xb8;
	[tilespmem:$0x19800] =	vst v63  }
0x69: {  	_ = 	snop  }
0x6a: {  	[tilespmem:s13], [sflag:$0x1] =	stream.indirect.gather [hbm4b:s9+s20], $0x10, s24, s20, $0xb8;
	[tilespmem:$0x19800] =	vst v63  }
0x6b: {  	_ = 	snop  }
0x6c: {  	[tilespmem:s11], [sflag:$0x1] =	stream.indirect.gather [hbm4b:s9+s20], $0x10, s25, s20, $0xb8;
	[tilespmem:$0x19800] =	vst v63  }
0x6d: {  	_ = 	snop  }
0x6e: {  	[tilespmem:s16], [sflag:$0x1] =	stream.indirect.gather [hbm4b:s19+s20], $0x10, s26, s20, $0xb8;
	[tilespmem:$0x19800] =	vst v63  }
0x6f: {  	_ = 	snop  }
0x70: {  	[tilespmem:s14], [sflag:$0x1] =	stream.indirect.gather [hbm4b:s19+s20], $0x10, s28, s20, $0xb8;
	[tilespmem:$0x19800] =	vst v63  }
0x71: {  	_ = 	snop  }
0x72: {  	[tilespmem:s12], [sflag:$0x1] =	stream.indirect.gather [hbm4b:s19+s20], $0x10, s29, s20, $0xb8;
	[tilespmem:$0x19800] =	vst v63  }
0x73: {  	_ = 	snop  }
0x74: {  	[tilespmem:s10], [sflag:$0x1] =	stream.indirect.gather [hbm4b:s19+s20], $0x10, s30, s20, $0xb8;
	[tilespmem:$0x19800] =	vst v63  }
0x75: {  	_ = 	snop  }
0x76: {  	[tilespmem:s8], [sflag:$0x1] =	stream.indirect.gather [hbm4b:s19+s20], $0x10, s31, s20, $0xb8;
	[tilespmem:$0x19800] =	vst v63  }
0x77: {  	_ = 	snop  }
0x78: {  	[tilespmem:s7], [sflag:$0x1] =	stream.indirect.gather [hbm4b:s19+s20], $0x10, s22, s20, $0xb8;
	[tilespmem:$0x19800] =	vst v63  }
0x79: {  	_ =	swait.ge [sflag:s3], $0x2000  }
0x7a: {  	[sflag:s3] =	ssyncset.done $0x0  }
0x7b: {  	[sflag:s3] =	ssyncadd.s32 $0xFFFFE000  }
0x7c: {  	_ =	swait.ge [sflag:s3], $0x2000  }
0x7d: {  	[sflag:s3] =	ssyncset.done $0x0  }
0x7e: {  	[sflag:s3] =	ssyncadd.s32 $0xFFFFE000  }
0x7f: {  	_ =	swait.ge [sflag:s3], $0x2000  }
0x80: {  	[sflag:s3] =	ssyncset.done $0x0  }
0x81: {  	[sflag:s3] =	ssyncadd.s32 $0xFFFFE000  }
0x82: {  	_ =	swait.ge [sflag:s3], $0x2000  }
0x83: {  	[sflag:s3] =	ssyncset.done $0x0  }
0x84: {  	[sflag:s3] =	ssyncadd.s32 $0xFFFFE000  }
0x85: {  	_ =	swait.ge [sflag:s3], $0x2000  }
0x86: {  	[sflag:s3] =	ssyncset.done $0x0  }
0x87: {  	[sflag:s3] =	ssyncadd.s32 $0xFFFFE000  }
0x88: {  	_ =	swait.ge [sflag:s3], $0x2000  }
0x89: {  	[sflag:s3] =	ssyncset.done $0x0  }
0x8a: {  	[sflag:s3] =	ssyncadd.s32 $0xFFFFE000  }
0x8b: {  	_ =	swait.ge [sflag:s3], $0x2000  }
0x8c: {  	[sflag:s3] =	ssyncset.done $0x0  }
0x8d: {  	[sflag:s3] =	ssyncadd.s32 $0xFFFFE000  }
0x8e: {  	_ =	swait.ge [sflag:s3], $0x2000  }
0x8f: {  	[sflag:s3] =	ssyncset.done $0x0  }
0x90: {  	[sflag:s3] =	ssyncadd.s32 $0xFFFFE000  }
0x91: {  	_ =	swait.ge [sflag:s3], $0x2000  }
0x92: {  	[sflag:s3] =	ssyncset.done $0x0  }
0x93: {  	[sflag:s3] =	ssyncadd.s32 $0xFFFFE000  }
0x94: {  	_ =	swait.ge [sflag:s3], $0x2000  }
0x95: {  	[sflag:s3] =	ssyncset.done $0x0  }
0x96: {  	[sflag:s3] =	ssyncadd.s32 $0xFFFFE000  }
0x97: {  	_ =	swait.ge [sflag:s3], $0x2000  }
0x98: {  	[sflag:s3] =	ssyncset.done $0x0  }
0x99: {  	[sflag:s3] =	ssyncadd.s32 $0xFFFFE000  }
0x9a: {  	_ =	swait.ge [sflag:s3], $0x2000  }
0x9b: {  	[sflag:s3] =	ssyncset.done $0x0  }
0x9c: {  	s0 =	rddreg [dreg:$0x11];
	[sflag:s3] =	ssyncadd.s32 $0xFFFFE000  }
0x9d: {  	[hbm4b:s0+s2] =	stream.linear.scatter [tilespmem:s21], [sflag:$0x1], $0x2000, $0x38;
	[tilespmem:$0x19800] =	vst v63  }
0x9e: {  	s1 =	rddreg [dreg:$0x12]  }
0x9f: {  	[hbm4b:s1+s2] =	stream.linear.scatter [tilespmem:s18], [sflag:$0x1], $0x2000, $0x38;
	[tilespmem:$0x19800] =	vst v63  }
0xa0: {  	s0 =	rddreg [dreg:$0x13]  }
0xa1: {  	[hbm4b:s0+s2] =	stream.linear.scatter [tilespmem:s17], [sflag:$0x1], $0x2000, $0x38;
	[tilespmem:$0x19800] =	vst v63  }
0xa2: {  	s1 =	rddreg [dreg:$0x14]  }
0xa3: {  	[hbm4b:s1+s2] =	stream.linear.scatter [tilespmem:s15], [sflag:$0x1], $0x2000, $0x38;
	[tilespmem:$0x19800] =	vst v63  }
0xa4: {  	s0 =	rddreg [dreg:$0x15]  }
0xa5: {  	[hbm4b:s0+s2] =	stream.linear.scatter [tilespmem:s13], [sflag:$0x1], $0x2000, $0x38;
	[tilespmem:$0x19800] =	vst v63  }
0xa6: {  	s1 =	rddreg [dreg:$0x16]  }
0xa7: {  	[hbm4b:s1+s2] =	stream.linear.scatter [tilespmem:s11], [sflag:$0x1], $0x2000, $0x38;
	[tilespmem:$0x19800] =	vst v63  }
0xa8: {  	s0 =	rddreg [dreg:$0x17]  }
0xa9: {  	[hbm4b:s0+s2] =	stream.linear.scatter [tilespmem:s16], [sflag:$0x1], $0x2000, $0x38;
	[tilespmem:$0x19800] =	vst v63  }
0xaa: {  	s1 =	rddreg [dreg:$0x18]  }
0xab: {  	[hbm4b:s1+s2] =	stream.linear.scatter [tilespmem:s14], [sflag:$0x1], $0x2000, $0x38;
	[tilespmem:$0x19800] =	vst v63  }
0xac: {  	s0 =	rddreg [dreg:$0x19]  }
0xad: {  	[hbm4b:s0+s2] =	stream.linear.scatter [tilespmem:s12], [sflag:$0x1], $0x2000, $0x38;
	[tilespmem:$0x19800] =	vst v63  }
0xae: {  	s1 =	rddreg [dreg:$0x1a]  }
0xaf: {  	[hbm4b:s1+s2] =	stream.linear.scatter [tilespmem:s10], [sflag:$0x1], $0x2000, $0x38;
	[tilespmem:$0x19800] =	vst v63  }
0xb0: {  	s0 =	rddreg [dreg:$0x1b]  }
0xb1: {  	[hbm4b:s0+s2] =	stream.linear.scatter [tilespmem:s8], [sflag:$0x1], $0x2000, $0x38;
	[tilespmem:$0x19800] =	vst v63  }
0xb2: {  	s1 =	rddreg [dreg:$0x1c]  }
0xb3: {  	[hbm4b:s1+s2] =	stream.linear.scatter [tilespmem:s7], [sflag:$0x1], $0x2000, $0x38;
	[tilespmem:$0x19800] =	vst v63  }
0xb4: {  	_ =	swait.ge [sflag:s3], $0x2000  }
0xb5: {  	[sflag:s3] =	ssyncset.done $0x0  }
0xb6: {  	[sflag:s3] =	ssyncadd.s32 $0xFFFFE000  }
0xb7: {  	_ =	swait.ge [sflag:s3], $0x2000  }
0xb8: {  	[sflag:s3] =	ssyncset.done $0x0  }
0xb9: {  	[sflag:s3] =	ssyncadd.s32 $0xFFFFE000  }
0xba: {  	_ =	swait.ge [sflag:s3], $0x2000  }
0xbb: {  	[sflag:s3] =	ssyncset.done $0x0  }
0xbc: {  	[sflag:s3] =	ssyncadd.s32 $0xFFFFE000  }
0xbd: {  	_ =	swait.ge [sflag:s3], $0x2000  }
0xbe: {  	[sflag:s3] =	ssyncset.done $0x0  }
0xbf: {  	[sflag:s3] =	ssyncadd.s32 $0xFFFFE000  }
0xc0: {  	_ =	swait.ge [sflag:s3], $0x2000  }
0xc1: {  	[sflag:s3] =	ssyncset.done $0x0  }
0xc2: {  	[sflag:s3] =	ssyncadd.s32 $0xFFFFE000  }
0xc3: {  	_ =	swait.ge [sflag:s3], $0x2000  }
0xc4: {  	[sflag:s3] =	ssyncset.done $0x0  }
0xc5: {  	[sflag:s3] =	ssyncadd.s32 $0xFFFFE000  }
0xc6: {  	_ =	swait.ge [sflag:s3], $0x2000  }
0xc7: {  	[sflag:s3] =	ssyncset.done $0x0  }
0xc8: {  	[sflag:s3] =	ssyncadd.s32 $0xFFFFE000  }
0xc9: {  	_ =	swait.ge [sflag:s3], $0x2000  }
0xca: {  	[sflag:s3] =	ssyncset.done $0x0  }
0xcb: {  	[sflag:s3] =	ssyncadd.s32 $0xFFFFE000  }
0xcc: {  	_ =	swait.ge [sflag:s3], $0x2000  }
0xcd: {  	[sflag:s3] =	ssyncset.done $0x0  }
0xce: {  	[sflag:s3] =	ssyncadd.s32 $0xFFFFE000  }
0xcf: {  	_ =	swait.ge [sflag:s3], $0x2000  }
0xd0: {  	[sflag:s3] =	ssyncset.done $0x0  }
0xd1: {  	p1 =	sne.s32 s4, $0x1;
	[sflag:s3] =	ssyncadd.s32 $0xFFFFE000  }
.Ltmp1:
0xd2: {  	_ =	swait.ge [sflag:s3], $0x2000;
	(pc) =	sbr.rel @!p1 .LBB2_3-.Ltmp1, $4  }
0xd3: {  	[sflag:s3] =	ssyncset.done $0x0  }
0xd4: {  	[sflag:s3] =	ssyncadd.s32 $0xFFFFE000  }
0xd5: {  	p0 =	por $0x1, $0x1;
	_ =	swait.ge [sflag:s3], $0x2000  }
0xd6: {  	s1 =	sadd.s32 $0xFFFFFFFF, s4;
	s0 =	rddreg [dreg:$0x5];
	[sflag:s3] =	ssyncset.done $0x0  }
.LBB2_4:
0xd7: {  	[sflag:s3] =	ssyncadd.s32 $0xFFFFE000  }
0xd8: {  	[tilespmem:s2], [sflag:$0x1] =	stream.linear.gather [hbm4b:s0+s2], $0x200, $0x38;
	[tilespmem:$0x19800] =	vst v63  }
0xd9: {  	s4 =	rddreg [dreg:$0x6]  }
0xda: {  	[tilespmem:s20], [sflag:$0x1] =	stream.linear.gather [hbm4b:s4+s2], $0x200, $0x38;
	[tilespmem:$0x19800] =	vst v63  }
0xdb: {  	s0 =	rddreg [dreg:$0x7]  }
0xdc: {  	[tilespmem:s5], [sflag:$0x1] =	stream.linear.gather [hbm4b:s0+s2], $0x200, $0x38;
	[tilespmem:$0x19800] =	vst v63  }
0xdd: {  	s4 =	rddreg [dreg:$0x8]  }
0xde: {  	[tilespmem:s23], [sflag:$0x1] =	stream.linear.gather [hbm4b:s4+s2], $0x200, $0x38;
	[tilespmem:$0x19800] =	vst v63  }
0xdf: {  	s0 =	rddreg [dreg:$0x9]  }
0xe0: {  	[tilespmem:s24], [sflag:$0x1] =	stream.linear.gather [hbm4b:s0+s2], $0x200, $0x38;
	[tilespmem:$0x19800] =	vst v63  }
0xe1: {  	s4 =	rddreg [dreg:$0xa]  }
0xe2: {  	[tilespmem:s25], [sflag:$0x1] =	stream.linear.gather [hbm4b:s4+s2], $0x200, $0x38;
	[tilespmem:$0x19800] =	vst v63  }
0xe3: {  	s0 =	rddreg [dreg:$0xb]  }
0xe4: {  	[tilespmem:s26], [sflag:$0x1] =	stream.linear.gather [hbm4b:s0+s2], $0x200, $0x38;
	[tilespmem:$0x19800] =	vst v63  }
0xe5: {  	s4 =	rddreg [dreg:$0xc]  }
0xe6: {  	[tilespmem:s28], [sflag:$0x1] =	stream.linear.gather [hbm4b:s4+s2], $0x200, $0x38;
	[tilespmem:$0x19800] =	vst v63  }
0xe7: {  	s0 =	rddreg [dreg:$0xd]  }
0xe8: {  	[tilespmem:s29], [sflag:$0x1] =	stream.linear.gather [hbm4b:s0+s2], $0x200, $0x38;
	[tilespmem:$0x19800] =	vst v63  }
0xe9: {  	s4 =	rddreg [dreg:$0xe]  }
0xea: {  	[tilespmem:s30], [sflag:$0x1] =	stream.linear.gather [hbm4b:s4+s2], $0x200, $0x38;
	[tilespmem:$0x19800] =	vst v63  }
0xeb: {  	s0 =	rddreg [dreg:$0xf]  }
0xec: {  	[tilespmem:s31], [sflag:$0x1] =	stream.linear.gather [hbm4b:s0+s2], $0x200, $0x38;
	[tilespmem:$0x19800] =	vst v63  }
0xed: {  	s4 =	rddreg [dreg:$0x10]  }
0xee: {  	[tilespmem:s22], [sflag:$0x1] =	stream.linear.gather [hbm4b:s4+s2], $0x200, $0x38;
	[tilespmem:$0x19800] =	vst v63  }
0xef: {  	_ =	swait.ge [sflag:s3], $0x200  }
0xf0: {  	[sflag:s3] =	ssyncset.done $0x0  }
0xf1: {  	[sflag:s3] =	ssyncadd.s32 $0xFFFFFE00  }
0xf2: {  	_ =	swait.ge [sflag:s3], $0x200  }
0xf3: {  	[sflag:s3] =	ssyncset.done $0x0  }
0xf4: {  	[sflag:s3] =	ssyncadd.s32 $0xFFFFFE00  }
0xf5: {  	_ =	swait.ge [sflag:s3], $0x200  }
0xf6: {  	[sflag:s3] =	ssyncset.done $0x0  }
0xf7: {  	[sflag:s3] =	ssyncadd.s32 $0xFFFFFE00  }
0xf8: {  	_ =	swait.ge [sflag:s3], $0x200  }
0xf9: {  	[sflag:s3] =	ssyncset.done $0x0  }
0xfa: {  	[sflag:s3] =	ssyncadd.s32 $0xFFFFFE00  }
0xfb: {  	_ =	swait.ge [sflag:s3], $0x200  }
0xfc: {  	[sflag:s3] =	ssyncset.done $0x0  }
0xfd: {  	[sflag:s3] =	ssyncadd.s32 $0xFFFFFE00  }
0xfe: {  	_ =	swait.ge [sflag:s3], $0x200  }
0xff: {  	[sflag:s3] =	ssyncset.done $0x0  }
0x100: {  	[sflag:s3] =	ssyncadd.s32 $0xFFFFFE00  }
0x101: {  	_ =	swait.ge [sflag:s3], $0x200  }
0x102: {  	[sflag:s3] =	ssyncset.done $0x0  }
0x103: {  	[sflag:s3] =	ssyncadd.s32 $0xFFFFFE00  }
0x104: {  	_ =	swait.ge [sflag:s3], $0x200  }
0x105: {  	[sflag:s3] =	ssyncset.done $0x0  }
0x106: {  	[sflag:s3] =	ssyncadd.s32 $0xFFFFFE00  }
0x107: {  	_ =	swait.ge [sflag:s3], $0x200  }
0x108: {  	[sflag:s3] =	ssyncset.done $0x0  }
0x109: {  	[sflag:s3] =	ssyncadd.s32 $0xFFFFFE00  }
0x10a: {  	_ =	swait.ge [sflag:s3], $0x200  }
0x10b: {  	[sflag:s3] =	ssyncset.done $0x0  }
0x10c: {  	[sflag:s3] =	ssyncadd.s32 $0xFFFFFE00  }
0x10d: {  	_ =	swait.ge [sflag:s3], $0x200  }
0x10e: {  	[sflag:s3] =	ssyncset.done $0x0  }
0x10f: {  	[sflag:s3] =	ssyncadd.s32 $0xFFFFFE00  }
0x110: {  	_ =	swait.ge [sflag:s3], $0x200  }
0x111: {  	[sflag:s3] =	ssyncset.done $0x0  }
0x112: {  	[sflag:s3] =	ssyncadd.s32 $0xFFFFFE00  }
0x113: {  	s4 =	rddreg [dreg:$0x1]  }
0x114: {  	[tilespmem:s21], [sflag:$0x1] =	stream.indirect.gather [hbm4b:s4+s20], $0x10, s2, s20, $0xb8;
	[tilespmem:$0x19800] =	vst v63  }
0x115: {  	_ = 	snop  }
0x116: {  	[tilespmem:s18], [sflag:$0x1] =	stream.indirect.gather [hbm4b:s4+s20], $0x10, s20, s20, $0xb8;
	[tilespmem:$0x19800] =	vst v63  }
0x117: {  	_ = 	snop  }
0x118: {  	[tilespmem:s17], [sflag:$0x1] =	stream.indirect.gather [hbm4b:s6+s20], $0x10, s5, s20, $0xb8;
	[tilespmem:$0x19800] =	vst v63  }
0x119: {  	_ = 	snop  }
0x11a: {  	[tilespmem:s15], [sflag:$0x1] =	stream.indirect.gather [hbm4b:s6+s20], $0x10, s23, s20, $0xb8;
	[tilespmem:$0x19800] =	vst v63  }
0x11b: {  	_ = 	snop  }
0x11c: {  	[tilespmem:s13], [sflag:$0x1] =	stream.indirect.gather [hbm4b:s9+s20], $0x10, s24, s20, $0xb8;
	[tilespmem:$0x19800] =	vst v63  }
0x11d: {  	_ = 	snop  }
0x11e: {  	[tilespmem:s11], [sflag:$0x1] =	stream.indirect.gather [hbm4b:s9+s20], $0x10, s25, s20, $0xb8;
	[tilespmem:$0x19800] =	vst v63  }
0x11f: {  	_ = 	snop  }
0x120: {  	[tilespmem:s16], [sflag:$0x1] =	stream.indirect.gather [hbm4b:s19+s20], $0x10, s26, s20, $0xb8;
	[tilespmem:$0x19800] =	vst v63  }
0x121: {  	_ = 	snop  }
0x122: {  	[tilespmem:s14], [sflag:$0x1] =	stream.indirect.gather [hbm4b:s19+s20], $0x10, s28, s20, $0xb8;
	[tilespmem:$0x19800] =	vst v63  }
0x123: {  	_ = 	snop  }
0x124: {  	[tilespmem:s12], [sflag:$0x1] =	stream.indirect.gather [hbm4b:s19+s20], $0x10, s29, s20, $0xb8;
	[tilespmem:$0x19800] =	vst v63  }
0x125: {  	_ = 	snop  }
0x126: {  	[tilespmem:s10], [sflag:$0x1] =	stream.indirect.gather [hbm4b:s19+s20], $0x10, s30, s20, $0xb8;
	[tilespmem:$0x19800] =	vst v63  }
0x127: {  	_ = 	snop  }
0x128: {  	[tilespmem:s8], [sflag:$0x1] =	stream.indirect.gather [hbm4b:s19+s20], $0x10, s31, s20, $0xb8;
	[tilespmem:$0x19800] =	vst v63  }
0x129: {  	_ = 	snop  }
0x12a: {  	[tilespmem:s7], [sflag:$0x1] =	stream.indirect.gather [hbm4b:s19+s20], $0x10, s22, s20, $0xb8;
	[tilespmem:$0x19800] =	vst v63  }
0x12b: {  	_ =	swait.ge [sflag:s3], $0x2000  }
0x12c: {  	[sflag:s3] =	ssyncset.done $0x0  }
0x12d: {  	[sflag:s3] =	ssyncadd.s32 $0xFFFFE000  }
0x12e: {  	_ =	swait.ge [sflag:s3], $0x2000  }
0x12f: {  	[sflag:s3] =	ssyncset.done $0x0  }
0x130: {  	[sflag:s3] =	ssyncadd.s32 $0xFFFFE000  }
0x131: {  	_ =	swait.ge [sflag:s3], $0x2000  }
0x132: {  	[sflag:s3] =	ssyncset.done $0x0  }
0x133: {  	[sflag:s3] =	ssyncadd.s32 $0xFFFFE000  }
0x134: {  	_ =	swait.ge [sflag:s3], $0x2000  }
0x135: {  	[sflag:s3] =	ssyncset.done $0x0  }
0x136: {  	[sflag:s3] =	ssyncadd.s32 $0xFFFFE000  }
0x137: {  	_ =	swait.ge [sflag:s3], $0x2000  }
0x138: {  	[sflag:s3] =	ssyncset.done $0x0  }
0x139: {  	[sflag:s3] =	ssyncadd.s32 $0xFFFFE000  }
0x13a: {  	_ =	swait.ge [sflag:s3], $0x2000  }
0x13b: {  	[sflag:s3] =	ssyncset.done $0x0  }
0x13c: {  	[sflag:s3] =	ssyncadd.s32 $0xFFFFE000  }
0x13d: {  	_ =	swait.ge [sflag:s3], $0x2000  }
0x13e: {  	[sflag:s3] =	ssyncset.done $0x0  }
0x13f: {  	[sflag:s3] =	ssyncadd.s32 $0xFFFFE000  }
0x140: {  	_ =	swait.ge [sflag:s3], $0x2000  }
0x141: {  	[sflag:s3] =	ssyncset.done $0x0  }
0x142: {  	[sflag:s3] =	ssyncadd.s32 $0xFFFFE000  }
0x143: {  	_ =	swait.ge [sflag:s3], $0x2000  }
0x144: {  	[sflag:s3] =	ssyncset.done $0x0  }
0x145: {  	[sflag:s3] =	ssyncadd.s32 $0xFFFFE000  }
0x146: {  	_ =	swait.ge [sflag:s3], $0x2000  }
0x147: {  	[sflag:s3] =	ssyncset.done $0x0  }
0x148: {  	[sflag:s3] =	ssyncadd.s32 $0xFFFFE000  }
0x149: {  	_ =	swait.ge [sflag:s3], $0x2000  }
0x14a: {  	[sflag:s3] =	ssyncset.done $0x0  }
0x14b: {  	[sflag:s3] =	ssyncadd.s32 $0xFFFFE000  }
0x14c: {  	_ =	swait.ge [sflag:s3], $0x2000  }
0x14d: {  	[sflag:s3] =	ssyncset.done $0x0  }
0x14e: {  	s0 =	rddreg [dreg:$0x11];
	[sflag:s3] =	ssyncadd.s32 $0xFFFFE000  }
0x14f: {  	[hbm4b:s0+s2] =	stream.linear.scatter [tilespmem:s21], [sflag:$0x1], $0x2000, $0x38;
	[tilespmem:$0x19800] =	vst v63  }
0x150: {  	s4 =	rddreg [dreg:$0x12]  }
0x151: {  	[hbm4b:s4+s2] =	stream.linear.scatter [tilespmem:s18], [sflag:$0x1], $0x2000, $0x38;
	[tilespmem:$0x19800] =	vst v63  }
0x152: {  	s0 =	rddreg [dreg:$0x13]  }
0x153: {  	[hbm4b:s0+s2] =	stream.linear.scatter [tilespmem:s17], [sflag:$0x1], $0x2000, $0x38;
	[tilespmem:$0x19800] =	vst v63  }
0x154: {  	s4 =	rddreg [dreg:$0x14]  }
0x155: {  	[hbm4b:s4+s2] =	stream.linear.scatter [tilespmem:s15], [sflag:$0x1], $0x2000, $0x38;
	[tilespmem:$0x19800] =	vst v63  }
0x156: {  	s0 =	rddreg [dreg:$0x15]  }
0x157: {  	[hbm4b:s0+s2] =	stream.linear.scatter [tilespmem:s13], [sflag:$0x1], $0x2000, $0x38;
	[tilespmem:$0x19800] =	vst v63  }
0x158: {  	s4 =	rddreg [dreg:$0x16]  }
0x159: {  	[hbm4b:s4+s2] =	stream.linear.scatter [tilespmem:s11], [sflag:$0x1], $0x2000, $0x38;
	[tilespmem:$0x19800] =	vst v63  }
0x15a: {  	s0 =	rddreg [dreg:$0x17]  }
0x15b: {  	[hbm4b:s0+s2] =	stream.linear.scatter [tilespmem:s16], [sflag:$0x1], $0x2000, $0x38;
	[tilespmem:$0x19800] =	vst v63  }
0x15c: {  	s4 =	rddreg [dreg:$0x18]  }
0x15d: {  	[hbm4b:s4+s2] =	stream.linear.scatter [tilespmem:s14], [sflag:$0x1], $0x2000, $0x38;
	[tilespmem:$0x19800] =	vst v63  }
0x15e: {  	s0 =	rddreg [dreg:$0x19]  }
0x15f: {  	[hbm4b:s0+s2] =	stream.linear.scatter [tilespmem:s12], [sflag:$0x1], $0x2000, $0x38;
	[tilespmem:$0x19800] =	vst v63  }
0x160: {  	s4 =	rddreg [dreg:$0x1a]  }
0x161: {  	[hbm4b:s4+s2] =	stream.linear.scatter [tilespmem:s10], [sflag:$0x1], $0x2000, $0x38;
	[tilespmem:$0x19800] =	vst v63  }
0x162: {  	s0 =	rddreg [dreg:$0x1b]  }
0x163: {  	[hbm4b:s0+s2] =	stream.linear.scatter [tilespmem:s8], [sflag:$0x1], $0x2000, $0x38;
	[tilespmem:$0x19800] =	vst v63  }
0x164: {  	s4 =	rddreg [dreg:$0x1c]  }
0x165: {  	[hbm4b:s4+s2] =	stream.linear.scatter [tilespmem:s7], [sflag:$0x1], $0x2000, $0x38;
	[tilespmem:$0x19800] =	vst v63  }
0x166: {  	_ =	swait.ge [sflag:s3], $0x2000  }
0x167: {  	[sflag:s3] =	ssyncset.done $0x0  }
0x168: {  	[sflag:s3] =	ssyncadd.s32 $0xFFFFE000  }
0x169: {  	_ =	swait.ge [sflag:s3], $0x2000  }
0x16a: {  	[sflag:s3] =	ssyncset.done $0x0  }
0x16b: {  	[sflag:s3] =	ssyncadd.s32 $0xFFFFE000  }
0x16c: {  	_ =	swait.ge [sflag:s3], $0x2000  }
0x16d: {  	[sflag:s3] =	ssyncset.done $0x0  }
0x16e: {  	[sflag:s3] =	ssyncadd.s32 $0xFFFFE000  }
0x16f: {  	_ =	swait.ge [sflag:s3], $0x2000  }
0x170: {  	[sflag:s3] =	ssyncset.done $0x0  }
0x171: {  	[sflag:s3] =	ssyncadd.s32 $0xFFFFE000  }
0x172: {  	_ =	swait.ge [sflag:s3], $0x2000  }
0x173: {  	[sflag:s3] =	ssyncset.done $0x0  }
0x174: {  	[sflag:s3] =	ssyncadd.s32 $0xFFFFE000  }
0x175: {  	_ =	swait.ge [sflag:s3], $0x2000  }
0x176: {  	[sflag:s3] =	ssyncset.done $0x0  }
0x177: {  	[sflag:s3] =	ssyncadd.s32 $0xFFFFE000  }
0x178: {  	_ =	swait.ge [sflag:s3], $0x2000  }
0x179: {  	[sflag:s3] =	ssyncset.done $0x0  }
0x17a: {  	[sflag:s3] =	ssyncadd.s32 $0xFFFFE000  }
0x17b: {  	_ =	swait.ge [sflag:s3], $0x2000  }
0x17c: {  	[sflag:s3] =	ssyncset.done $0x0  }
0x17d: {  	[sflag:s3] =	ssyncadd.s32 $0xFFFFE000  }
0x17e: {  	_ =	swait.ge [sflag:s3], $0x2000  }
0x17f: {  	[sflag:s3] =	ssyncset.done $0x0  }
0x180: {  	[sflag:s3] =	ssyncadd.s32 $0xFFFFE000  }
0x181: {  	_ =	swait.ge [sflag:s3], $0x2000  }
0x182: {  	[sflag:s3] =	ssyncset.done $0x0  }
0x183: {  	p1 =	sne.s32 s1, $0x1;
	[sflag:s3] =	ssyncadd.s32 $0xFFFFE000  }
.Ltmp2:
0x184: {  	_ =	swait.ge [sflag:s3], $0x2000;
	(pc) =	sbr.rel @p1 .LBB2_4-.Ltmp2, $4  }
0x185: {  	[sflag:s3] =	ssyncset.done $0x0  }
0x186: {  	[sflag:s3] =	ssyncadd.s32 $0xFFFFE000  }
0x187: {  	_ =	swait.ge [sflag:s3], $0x2000  }
0x188: {  	s1 =	sadd.s32 $0xFFFFFFFF, s1;
	s0 =	rddreg [dreg:$0x5];
	[sflag:s3] =	ssyncset.done $0x0  }
0x189: {  	s5 =	rddreg [dreg:$0x1];
	s4 =	stileid.u32  }
.LBB2_6:
0x18a: {  	[sflag:s3] =	ssyncadd.s32 @p0 $0xFFFFE000  }
0x18b: {  	[tilespmem:s2], [sflag:$0x1] =	stream.linear.gather [hbm4b:s0+s2], $0x200, $0x38;
	[tilespmem:$0x19800] =	vst v63  }
0x18c: {  	s1 =	rddreg [dreg:$0x6]  }
0x18d: {  	[tilespmem:s20], [sflag:$0x1] =	stream.linear.gather [hbm4b:s1+s2], $0x200, $0x38;
	[tilespmem:$0x19800] =	vst v63  }
0x18e: {  	s15 =	rddreg [dreg:$0x7];
	s7 =	simm.s32 $0x400  }
0x18f: {  	[tilespmem:s7], [sflag:$0x1] =	stream.linear.gather [hbm4b:s15+s2], $0x200, $0x38;
	[tilespmem:$0x19800] =	vst v63  }
0x190: {  	s16 =	rddreg [dreg:$0x8];
	s8 =	simm.s32 $0x600  }
0x191: {  	[tilespmem:s8], [sflag:$0x1] =	stream.linear.gather [hbm4b:s16+s2], $0x200, $0x38;
	[tilespmem:$0x19800] =	vst v63  }
0x192: {  	s17 =	rddreg [dreg:$0x9];
	s11 =	simm.s32 $0x800  }
0x193: {  	[tilespmem:s11], [sflag:$0x1] =	stream.linear.gather [hbm4b:s17+s2], $0x200, $0x38;
	[tilespmem:$0x19800] =	vst v63  }
0x194: {  	s18 =	rddreg [dreg:$0xa];
	s13 =	simm.s32 $0xA00  }
0x195: {  	[tilespmem:s13], [sflag:$0x1] =	stream.linear.gather [hbm4b:s18+s2], $0x200, $0x38;
	[tilespmem:$0x19800] =	vst v63  }
0x196: {  	s21 =	rddreg [dreg:$0xb];
	s17 =	simm.s32 $0xC00  }
0x197: {  	[tilespmem:s17], [sflag:$0x1] =	stream.linear.gather [hbm4b:s21+s2], $0x200, $0x38;
	[tilespmem:$0x19800] =	vst v63  }
0x198: {  	s22 =	rddreg [dreg:$0xc];
	s18 =	simm.s32 $0xE00  }
0x199: {  	[tilespmem:s18], [sflag:$0x1] =	stream.linear.gather [hbm4b:s22+s2], $0x200, $0x38;
	[tilespmem:$0x19800] =	vst v63  }
0x19a: {  	s23 =	rddreg [dreg:$0xd];
	s21 =	simm.s32 $0x1000  }
0x19b: {  	[tilespmem:s21], [sflag:$0x1] =	stream.linear.gather [hbm4b:s23+s2], $0x200, $0x38;
	[tilespmem:$0x19800] =	vst v63  }
0x19c: {  	s24 =	rddreg [dreg:$0xe];
	s22 =	simm.s32 $0x1200  }
0x19d: {  	[tilespmem:s22], [sflag:$0x1] =	stream.linear.gather [hbm4b:s24+s2], $0x200, $0x38;
	[tilespmem:$0x19800] =	vst v63  }
0x19e: {  	s25 =	rddreg [dreg:$0xf];
	s23 =	simm.s32 $0x1400  }
0x19f: {  	[tilespmem:s23], [sflag:$0x1] =	stream.linear.gather [hbm4b:s25+s2], $0x200, $0x38;
	[tilespmem:$0x19800] =	vst v63  }
0x1a0: {  	s26 =	rddreg [dreg:$0x10];
	s28 =	simm.s32 $0x1600  }
0x1a1: {  	[tilespmem:s28], [sflag:$0x1] =	stream.linear.gather [hbm4b:s26+s2], $0x200, $0x38;
	[tilespmem:$0x19800] =	vst v63  }
0x1a2: {  	_ =	swait.ge [sflag:s3], $0x200  }
0x1a3: {  	[sflag:s3] =	ssyncset.done $0x0  }
0x1a4: {  	[sflag:s3] =	ssyncadd.s32 $0xFFFFFE00  }
0x1a5: {  	_ =	swait.ge [sflag:s3], $0x200  }
0x1a6: {  	[sflag:s3] =	ssyncset.done $0x0  }
0x1a7: {  	[sflag:s3] =	ssyncadd.s32 $0xFFFFFE00  }
0x1a8: {  	_ =	swait.ge [sflag:s3], $0x200  }
0x1a9: {  	[sflag:s3] =	ssyncset.done $0x0  }
0x1aa: {  	[sflag:s3] =	ssyncadd.s32 $0xFFFFFE00  }
0x1ab: {  	_ =	swait.ge [sflag:s3], $0x200  }
0x1ac: {  	[sflag:s3] =	ssyncset.done $0x0  }
0x1ad: {  	[sflag:s3] =	ssyncadd.s32 $0xFFFFFE00  }
0x1ae: {  	_ =	swait.ge [sflag:s3], $0x200  }
0x1af: {  	[sflag:s3] =	ssyncset.done $0x0  }
0x1b0: {  	[sflag:s3] =	ssyncadd.s32 $0xFFFFFE00  }
0x1b1: {  	_ =	swait.ge [sflag:s3], $0x200  }
0x1b2: {  	[sflag:s3] =	ssyncset.done $0x0  }
0x1b3: {  	[sflag:s3] =	ssyncadd.s32 $0xFFFFFE00  }
0x1b4: {  	_ =	swait.ge [sflag:s3], $0x200  }
0x1b5: {  	[sflag:s3] =	ssyncset.done $0x0  }
0x1b6: {  	[sflag:s3] =	ssyncadd.s32 $0xFFFFFE00  }
0x1b7: {  	_ =	swait.ge [sflag:s3], $0x200  }
0x1b8: {  	[sflag:s3] =	ssyncset.done $0x0  }
0x1b9: {  	[sflag:s3] =	ssyncadd.s32 $0xFFFFFE00  }
0x1ba: {  	_ =	swait.ge [sflag:s3], $0x200  }
0x1bb: {  	[sflag:s3] =	ssyncset.done $0x0  }
0x1bc: {  	[sflag:s3] =	ssyncadd.s32 $0xFFFFFE00  }
0x1bd: {  	_ =	swait.ge [sflag:s3], $0x200  }
0x1be: {  	[sflag:s3] =	ssyncset.done $0x0  }
0x1bf: {  	[sflag:s3] =	ssyncadd.s32 $0xFFFFFE00  }
0x1c0: {  	_ =	swait.ge [sflag:s3], $0x200  }
0x1c1: {  	[sflag:s3] =	ssyncset.done $0x0  }
0x1c2: {  	[sflag:s3] =	ssyncadd.s32 $0xFFFFFE00  }
0x1c3: {  	_ =	swait.ge [sflag:s3], $0x200  }
0x1c4: {  	[sflag:s3] =	ssyncset.done $0x0  }
0x1c5: {  	s16 =	simm.s32 $0x1800;
	[sflag:s3] =	ssyncadd.s32 $0xFFFFFE00  }
0x1c6: {  	[tilespmem:s16], [sflag:$0x1] =	stream.indirect.gather [hbm4b:s5+s20], $0x10, s2, s20, $0xb8;
	[tilespmem:$0x19800] =	vst v63  }
0x1c7: {  	s15 =	simm.s32 $0x3800  }
0x1c8: {  	[tilespmem:s15], [sflag:$0x1] =	stream.indirect.gather [hbm4b:s5+s20], $0x10, s20, s20, $0xb8;
	[tilespmem:$0x19800] =	vst v63  }
0x1c9: {  	s14 =	simm.s32 $0x5800  }
0x1ca: {  	[tilespmem:s14], [sflag:$0x1] =	stream.indirect.gather [hbm4b:s6+s20], $0x10, s7, s20, $0xb8;
	[tilespmem:$0x19800] =	vst v63  }
0x1cb: {  	s12 =	simm.s32 $0x7800  }
0x1cc: {  	[tilespmem:s12], [sflag:$0x1] =	stream.indirect.gather [hbm4b:s6+s20], $0x10, s8, s20, $0xb8;
	[tilespmem:$0x19800] =	vst v63  }
0x1cd: {  	s10 =	simm.s32 $0x9800  }
0x1ce: {  	[tilespmem:s10], [sflag:$0x1] =	stream.indirect.gather [hbm4b:s9+s20], $0x10, s11, s20, $0xb8;
	[tilespmem:$0x19800] =	vst v63  }
0x1cf: {  	s29 =	simm.s32 $0xB800  }
0x1d0: {  	[tilespmem:s29], [sflag:$0x1] =	stream.indirect.gather [hbm4b:s9+s20], $0x10, s13, s20, $0xb8;
	[tilespmem:$0x19800] =	vst v63  }
0x1d1: {  	s30 =	simm.s32 $0xD800  }
0x1d2: {  	[tilespmem:s30], [sflag:$0x1] =	stream.indirect.gather [hbm4b:s19+s20], $0x10, s17, s20, $0xb8;
	[tilespmem:$0x19800] =	vst v63  }
0x1d3: {  	s31 =	simm.s32 $0xF800  }
0x1d4: {  	[tilespmem:s31], [sflag:$0x1] =	stream.indirect.gather [hbm4b:s19+s20], $0x10, s18, s20, $0xb8;
	[tilespmem:$0x19800] =	vst v63  }
0x1d5: {  	s5 =	simm.s32 $0x11800  }
0x1d6: {  	[tilespmem:s5], [sflag:$0x1] =	stream.indirect.gather [hbm4b:s19+s20], $0x10, s21, s20, $0xb8;
	[tilespmem:$0x19800] =	vst v63  }
0x1d7: {  	s6 =	simm.s32 $0x13800  }
0x1d8: {  	[tilespmem:s6], [sflag:$0x1] =	stream.indirect.gather [hbm4b:s19+s20], $0x10, s22, s20, $0xb8;
	[tilespmem:$0x19800] =	vst v63  }
0x1d9: {  	s17 =	simm.s32 $0x15800  }
0x1da: {  	[tilespmem:s17], [sflag:$0x1] =	stream.indirect.gather [hbm4b:s19+s20], $0x10, s23, s20, $0xb8;
	[tilespmem:$0x19800] =	vst v63  }
0x1db: {  	s18 =	simm.s32 $0x17800  }
0x1dc: {  	[tilespmem:s18], [sflag:$0x1] =	stream.indirect.gather [hbm4b:s19+s20], $0x10, s28, s20, $0xb8;
	[tilespmem:$0x19800] =	vst v63  }
0x1dd: {  	_ =	swait.ge [sflag:s3], $0x2000  }
0x1de: {  	[sflag:s3] =	ssyncset.done $0x0  }
0x1df: {  	[sflag:s3] =	ssyncadd.s32 $0xFFFFE000  }
0x1e0: {  	_ =	swait.ge [sflag:s3], $0x2000  }
0x1e1: {  	[sflag:s3] =	ssyncset.done $0x0  }
0x1e2: {  	[sflag:s3] =	ssyncadd.s32 $0xFFFFE000  }
0x1e3: {  	_ =	swait.ge [sflag:s3], $0x2000  }
0x1e4: {  	[sflag:s3] =	ssyncset.done $0x0  }
0x1e5: {  	[sflag:s3] =	ssyncadd.s32 $0xFFFFE000  }
0x1e6: {  	_ =	swait.ge [sflag:s3], $0x2000  }
0x1e7: {  	[sflag:s3] =	ssyncset.done $0x0  }
0x1e8: {  	[sflag:s3] =	ssyncadd.s32 $0xFFFFE000  }
0x1e9: {  	_ =	swait.ge [sflag:s3], $0x2000  }
0x1ea: {  	[sflag:s3] =	ssyncset.done $0x0  }
0x1eb: {  	[sflag:s3] =	ssyncadd.s32 $0xFFFFE000  }
0x1ec: {  	_ =	swait.ge [sflag:s3], $0x2000  }
0x1ed: {  	[sflag:s3] =	ssyncset.done $0x0  }
0x1ee: {  	[sflag:s3] =	ssyncadd.s32 $0xFFFFE000  }
0x1ef: {  	_ =	swait.ge [sflag:s3], $0x2000  }
0x1f0: {  	[sflag:s3] =	ssyncset.done $0x0  }
0x1f1: {  	[sflag:s3] =	ssyncadd.s32 $0xFFFFE000  }
0x1f2: {  	_ =	swait.ge [sflag:s3], $0x2000  }
0x1f3: {  	[sflag:s3] =	ssyncset.done $0x0  }
0x1f4: {  	[sflag:s3] =	ssyncadd.s32 $0xFFFFE000  }
0x1f5: {  	_ =	swait.ge [sflag:s3], $0x2000  }
0x1f6: {  	[sflag:s3] =	ssyncset.done $0x0  }
0x1f7: {  	[sflag:s3] =	ssyncadd.s32 $0xFFFFE000  }
0x1f8: {  	_ =	swait.ge [sflag:s3], $0x2000  }
0x1f9: {  	[sflag:s3] =	ssyncset.done $0x0  }
0x1fa: {  	[sflag:s3] =	ssyncadd.s32 $0xFFFFE000  }
0x1fb: {  	_ =	swait.ge [sflag:s3], $0x2000  }
0x1fc: {  	[sflag:s3] =	ssyncset.done $0x0  }
0x1fd: {  	[sflag:s3] =	ssyncadd.s32 $0xFFFFE000  }
0x1fe: {  	_ =	swait.ge [sflag:s3], $0x2000  }
0x1ff: {  	[sflag:s3] =	ssyncset.done $0x0  }
0x200: {  	s19 =	rddreg [dreg:$0x11];
	[sflag:s3] =	ssyncadd.s32 $0xFFFFE000  }
0x201: {  	[hbm4b:s19+s2] =	stream.linear.scatter [tilespmem:s16], [sflag:$0x1], $0x2000, $0x38;
	[tilespmem:$0x19800] =	vst v63  }
0x202: {  	s20 =	rddreg [dreg:$0x12]  }
0x203: {  	[hbm4b:s20+s2] =	stream.linear.scatter [tilespmem:s15], [sflag:$0x1], $0x2000, $0x38;
	[tilespmem:$0x19800] =	vst v63  }
0x204: {  	s21 =	rddreg [dreg:$0x13]  }
0x205: {  	[hbm4b:s21+s2] =	stream.linear.scatter [tilespmem:s14], [sflag:$0x1], $0x2000, $0x38;
	[tilespmem:$0x19800] =	vst v63  }
0x206: {  	s22 =	rddreg [dreg:$0x14]  }
0x207: {  	[hbm4b:s22+s2] =	stream.linear.scatter [tilespmem:s12], [sflag:$0x1], $0x2000, $0x38;
	[tilespmem:$0x19800] =	vst v63  }
0x208: {  	s23 =	rddreg [dreg:$0x15]  }
0x209: {  	[hbm4b:s23+s2] =	stream.linear.scatter [tilespmem:s10], [sflag:$0x1], $0x2000, $0x38;
	[tilespmem:$0x19800] =	vst v63  }
0x20a: {  	s24 =	rddreg [dreg:$0x16]  }
0x20b: {  	[hbm4b:s24+s2] =	stream.linear.scatter [tilespmem:s29], [sflag:$0x1], $0x2000, $0x38;
	[tilespmem:$0x19800] =	vst v63  }
0x20c: {  	s25 =	rddreg [dreg:$0x17]  }
0x20d: {  	[hbm4b:s25+s2] =	stream.linear.scatter [tilespmem:s30], [sflag:$0x1], $0x2000, $0x38;
	[tilespmem:$0x19800] =	vst v63  }
0x20e: {  	s26 =	rddreg [dreg:$0x18]  }
0x20f: {  	[hbm4b:s26+s2] =	stream.linear.scatter [tilespmem:s31], [sflag:$0x1], $0x2000, $0x38;
	[tilespmem:$0x19800] =	vst v63  }
0x210: {  	s28 =	rddreg [dreg:$0x19]  }
0x211: {  	[hbm4b:s28+s2] =	stream.linear.scatter [tilespmem:s5], [sflag:$0x1], $0x2000, $0x38;
	[tilespmem:$0x19800] =	vst v63  }
0x212: {  	s29 =	rddreg [dreg:$0x1a]  }
0x213: {  	[hbm4b:s29+s2] =	stream.linear.scatter [tilespmem:s6], [sflag:$0x1], $0x2000, $0x38;
	[tilespmem:$0x19800] =	vst v63  }
0x214: {  	s30 =	rddreg [dreg:$0x1b]  }
0x215: {  	[hbm4b:s30+s2] =	stream.linear.scatter [tilespmem:s17], [sflag:$0x1], $0x2000, $0x38;
	[tilespmem:$0x19800] =	vst v63  }
0x216: {  	s31 =	rddreg [dreg:$0x1c]  }
0x217: {  	[hbm4b:s31+s2] =	stream.linear.scatter [tilespmem:s18], [sflag:$0x1], $0x2000, $0x38;
	[tilespmem:$0x19800] =	vst v63  }
0x218: {  	_ =	swait.ge [sflag:s3], $0x2000  }
0x219: {  	[sflag:s3] =	ssyncset.done $0x0  }
0x21a: {  	[sflag:s3] =	ssyncadd.s32 $0xFFFFE000  }
0x21b: {  	_ =	swait.ge [sflag:s3], $0x2000  }
0x21c: {  	[sflag:s3] =	ssyncset.done $0x0  }
0x21d: {  	[sflag:s3] =	ssyncadd.s32 $0xFFFFE000  }
0x21e: {  	_ =	swait.ge [sflag:s3], $0x2000  }
0x21f: {  	[sflag:s3] =	ssyncset.done $0x0  }
0x220: {  	[sflag:s3] =	ssyncadd.s32 $0xFFFFE000  }
0x221: {  	_ =	swait.ge [sflag:s3], $0x2000  }
0x222: {  	[sflag:s3] =	ssyncset.done $0x0  }
0x223: {  	[sflag:s3] =	ssyncadd.s32 $0xFFFFE000  }
0x224: {  	_ =	swait.ge [sflag:s3], $0x2000  }
0x225: {  	[sflag:s3] =	ssyncset.done $0x0  }
0x226: {  	[sflag:s3] =	ssyncadd.s32 $0xFFFFE000  }
0x227: {  	_ =	swait.ge [sflag:s3], $0x2000  }
0x228: {  	[sflag:s3] =	ssyncset.done $0x0  }
0x229: {  	[sflag:s3] =	ssyncadd.s32 $0xFFFFE000  }
0x22a: {  	_ =	swait.ge [sflag:s3], $0x2000  }
0x22b: {  	[sflag:s3] =	ssyncset.done $0x0  }
0x22c: {  	[sflag:s3] =	ssyncadd.s32 $0xFFFFE000  }
0x22d: {  	_ =	swait.ge [sflag:s3], $0x2000  }
0x22e: {  	[sflag:s3] =	ssyncset.done $0x0  }
0x22f: {  	[sflag:s3] =	ssyncadd.s32 $0xFFFFE000  }
0x230: {  	_ =	swait.ge [sflag:s3], $0x2000  }
0x231: {  	[sflag:s3] =	ssyncset.done $0x0  }
0x232: {  	[sflag:s3] =	ssyncadd.s32 $0xFFFFE000  }
0x233: {  	_ =	swait.ge [sflag:s3], $0x2000  }
0x234: {  	[sflag:s3] =	ssyncset.done $0x0  }
0x235: {  	[sflag:s3] =	ssyncadd.s32 $0xFFFFE000  }
0x236: {  	_ =	swait.ge [sflag:s3], $0x2000  }
0x237: {  	[sflag:s3] =	ssyncset.done $0x0  }
0x238: {  	[sflag:s3] =	ssyncadd.s32 $0xFFFFE000  }
0x239: {  	_ =	swait.ge [sflag:s3], $0x2000  }
0x23a: {  	[sflag:s3] =	ssyncset.done $0x0  }
0x23b: {  	[sflag:s3] =	ssyncadd.s32 $0xFFFFE000  }
0x23c: {  	_ =	sfence.sel $0x180000  }
0x23d: {  	[bflag:$0x0] =	sbarrier.arrive $0xFFFF  }
0x23e: {  	_ =	strace $0x90000047  }
0x23f: {  	[bflag:$0x2] =	sbarrier.arrive $0xFFFF  }
0x240: {  	p0 =	sne.s32 s4, $0x0;
	s0 =	rddreg [dreg:$0x4]  }
0x241: {  	s0 =	sadd.s32 @!p0 $0x100000, s0  }
0x242: {  	[sflag:s0] =	ssyncadd.tile.s32 @!p0 $0x1;
	_ =	shalt  }
.LBB2_1:
.Ltmp3:
0x243: {  	(pc) =	sbr.rel .LBB2_6-.Ltmp3, $2  }
0x244: {  	_ =	sdelay $0x2  }
0x245: {  	s5 =	rddreg [dreg:$0x1]  }
.LBB2_3:
.Ltmp4:
0x246: {  	(pc) =	sbr.rel .LBB2_6-.Ltmp4, $2  }
0x247: {  	_ =	sdelay $0x2  }
0x248: {  	s5 =	rddreg [dreg:$0x1];
	s4 =	stileid.u32  }
.Lfunc_end2:
_tile_overlayer_lowered:
.L_overlay_start_2:
0x249: {  	(tag) =	ssettag $0x2  }
0x24a: {  	s0 =	rddreg [dreg:$0x0];
	s2 =	stileid.u32  }
0x24b: {  	s1 =	rddreg [dreg:$0x1];
	p0 =	sne.s32 s2, $0x0  }
0x24c: {  	s3 =	rddreg [dreg:$0x2];
	[bflag:$0x3] =	sbarrier.arrive $0xFFFF;
	s2 =	simm.s32 @!p0 $0x1C02  }
0x24d: {  	[timem:s3], [sflag:s2] =	dma.local @!p0 [hbm:s0], s1  }
0x24e: {  	s0 =	simm.s32 @!p0 $0x2  }
0x24f: {  	_ =	swait.ge @!p0 [sflag:s0], s1  }
0x250: {  	s1 =	ssub.s32 @!p0 $0x0, s1;
	[sflag:s0] =	ssyncset.done @!p0 $0x0  }
0x251: {  	[sflag:s0] =	ssyncadd.s32 @!p0 s1  }
0x252: {  	[bflag:$0x3] =	sbarrier.arrive $0xFFFF  }
0x253: {  	_ =	shalt  }

</sc_bundles>
